<compile_context>
chip_gen: v7x
topology: tpu7x:2x2x1
jax: 0.10.2.dev20260603
libtpu: 0.0.44.dev20260713+nightly
codegen_flags: <defaults>
</compile_context>

<pallas_src>
import functools

import jax
import jax.numpy as jnp
from jax import lax
from jax.experimental import pallas as pl
from jax.experimental.pallas import tpu as pltpu
from jax.experimental.pallas import tpu_sc as plsc

N = 10000
E = 320000
D = 128
D2 = D // 2

NC = 2
NS = 16

EPT = E // NS
C = 80
BLK = 2000


def _tc_pre_body(x_ref, w_ref, att2_ref, h_ref, asd_ref):
    h = jnp.dot(x_ref[...], w_ref[...], preferred_element_type=jnp.float32)
    h_ref[...] = h
    asd_ref[...] = jnp.dot(h, att2_ref[...], preferred_element_type=jnp.float32)


def _tc_pre(x, W, att2):
    return pl.pallas_call(
        _tc_pre_body,
        out_shape=[
            jax.ShapeDtypeStruct((N, D), jnp.float32),
            jax.ShapeDtypeStruct((N, 2), jnp.float32),
        ],
    )(x, W, att2)


def _sc_agg_body(ht_hbm, asrc_hbm, adst_hbm, src_hbm, dst_hbm,
                 S0_out, S1_out, den_out,
                 sblk_v, dblk_v,
                 sidxA_v, didxA_v, asrcA_v, adstA_v, rowsA_v,
                 sidxB_v, didxB_v, asrcB_v, adstB_v, rowsB_v,
                 ee_v, S_sh, den_sh, semHA, semAA, semHB, semAB):
    c = lax.axis_index("c")
    s = lax.axis_index("s")

    z16f = jnp.zeros((16,), jnp.float32)

    def zrow(r, carry):
        for k in range(D2 // 16):
            rowsA_v[r, pl.ds(k * 16, 16)] = z16f
        return carry
    lax.fori_loop(0, C, zrow, 0)
    for k in range(C // 16):
        ee_v[pl.ds(k * 16, 16)] = z16f

    dstart = jnp.minimum(s * 640, N - 640)
    for j in range(640 // C):
        pltpu.sync_copy(rowsA_v, S_sh.at[pl.ds(dstart + j * C, C)])
        pltpu.sync_copy(ee_v, den_sh.at[pl.ds(dstart + j * C, C)])

    plsc.subcore_barrier()

    def issue(j, sidx, didx, asrc, adst, rows, hs, asm):
        off = j * C
        for k in range(C // 16):
            s16 = sblk_v[pl.ds(off + k * 16, 16)]
            sidx[pl.ds(k * 16, 16)] = s16 * 2 + c
            didx[pl.ds(k * 16, 16)] = dblk_v[pl.ds(off + k * 16, 16)]
        pltpu.async_copy(ht_hbm.at[sidx], rows, hs)
        pltpu.async_copy(asrc_hbm.at[sblk_v.at[pl.ds(off, C)]], asrc, asm)
        pltpu.async_copy(adst_hbm.at[didx], adst, asm)

    def drain(sidx, didx, asrc, adst, rows, hs, asm):
        pltpu.make_async_copy(asrc_hbm.at[sblk_v.at[pl.ds(0, C)]],
                              asrc, asm).wait()
        pltpu.make_async_copy(adst_hbm.at[didx], adst, asm).wait()
        for k in range(C // 16):
            e = asrc[pl.ds(k * 16, 16)] + adst[pl.ds(k * 16, 16)]
            e = jnp.where(e >= 0.0, e, 0.2 * e)
            ee_v[pl.ds(k * 16, 16)] = jnp.exp(e)
        pltpu.make_async_copy(ht_hbm.at[sidx], rows, hs).wait()

        def srow(r, carry2):
            eb = plsc.load_gather(ee_v, [jnp.full((16,), r, jnp.int32)])
            for k in range(D2 // 16):
                rows[r, pl.ds(k * 16, 16)] = rows[r, pl.ds(k * 16, 16)] * eb
            return carry2
        lax.fori_loop(0, C, srow, 0)

        @pl.when(c == 0)
        def _():
            pltpu.sync_copy(ee_v, den_sh.at[didx], add=True)
        pltpu.sync_copy(rows, S_sh.at[didx], add=True)

    def issueA(j):
        issue(j, sidxA_v, didxA_v, asrcA_v, adstA_v, rowsA_v, semHA, semAA)

    def issueB(j):
        issue(j, sidxB_v, didxB_v, asrcB_v, adstB_v, rowsB_v, semHB, semAB)

    def drainA(j):
        drain(sidxA_v, didxA_v, asrcA_v, adstA_v, rowsA_v, semHA, semAA)

    def drainB(j):
        drain(sidxB_v, didxB_v, asrcB_v, adstB_v, rowsB_v, semHB, semAB)

    CPB = BLK // C

    def block(b, carry):
        base = s * EPT + b * BLK
        pltpu.sync_copy(src_hbm.at[pl.ds(base, BLK)], sblk_v)
        pltpu.sync_copy(dst_hbm.at[pl.ds(base, BLK)], dblk_v)
        issueA(0)

        def pair(i, carry2):
            issueB(2 * i + 1)
            drainA(2 * i)
            issueA(2 * i + 2)
            drainB(2 * i + 1)
            return carry2
        lax.fori_loop(0, (CPB - 3) // 2, pair, 0)
        issueB(CPB - 2)
        drainA(CPB - 3)
        issueA(CPB - 1)
        drainB(CPB - 2)
        drainA(CPB - 1)
        return carry
    lax.fori_loop(0, EPT // BLK, block, 0)

    plsc.subcore_barrier()

    def strip_writes(lo, n):
        @pl.when(c == 0)
        def _():
            pltpu.sync_copy(S_sh.at[pl.ds(lo, n)], S0_out.at[pl.ds(lo, n)])
            pltpu.sync_copy(den_sh.at[pl.ds(lo, n)], den_out.at[pl.ds(lo, n)])

        @pl.when(c == 1)
        def _():
            pltpu.sync_copy(S_sh.at[pl.ds(lo, n)], S1_out.at[pl.ds(lo, n)])

    @pl.when(s < NS - 1)
    def _():
        strip_writes(s * 624, 624)

    @pl.when(s == NS - 1)
    def _():
        strip_writes(N - 640, 640)


_sc_agg = functools.partial(
    pl.kernel,
    out_type=[
        jax.ShapeDtypeStruct((N, D2), jnp.float32),
        jax.ShapeDtypeStruct((N, D2), jnp.float32),
        jax.ShapeDtypeStruct((N,), jnp.float32),
    ],
    mesh=plsc.VectorSubcoreMesh(
        core_axis_name="c", subcore_axis_name="s",
        num_cores=NC, num_subcores=NS),
    scratch_types=[
        pltpu.VMEM((BLK,), jnp.int32),
        pltpu.VMEM((BLK,), jnp.int32),
        pltpu.VMEM((C,), jnp.int32),
        pltpu.VMEM((C,), jnp.int32),
        pltpu.VMEM((C,), jnp.float32),
        pltpu.VMEM((C,), jnp.float32),
        pltpu.VMEM((C, D2), jnp.float32),
        pltpu.VMEM((C,), jnp.int32),
        pltpu.VMEM((C,), jnp.int32),
        pltpu.VMEM((C,), jnp.float32),
        pltpu.VMEM((C,), jnp.float32),
        pltpu.VMEM((C, D2), jnp.float32),
        pltpu.VMEM((C,), jnp.float32),
        pltpu.VMEM_SHARED((N, D2), jnp.float32),
        pltpu.VMEM_SHARED((N,), jnp.float32),
        pltpu.SemaphoreType.DMA,
        pltpu.SemaphoreType.DMA,
        pltpu.SemaphoreType.DMA,
        pltpu.SemaphoreType.DMA,
    ],
    compiler_params=pltpu.CompilerParams(
        use_tc_tiling_on_sc=False, needs_layout_passes=False),
)(_sc_agg_body)


def _tc_post_body(S0_ref, S1_ref, den_ref, bias_ref, out_ref):
    den = den_ref[...] + 1e-16
    out_ref[:, :D2] = jnp.tanh(S0_ref[...] / den + bias_ref[:, :D2])
    out_ref[:, D2:] = jnp.tanh(S1_ref[...] / den + bias_ref[:, D2:])


def _tc_post(S0, S1, den_col, bias2):
    return pl.pallas_call(
        _tc_post_body,
        out_shape=jax.ShapeDtypeStruct((N, D), jnp.float32),
    )(S0, S1, den_col, bias2)


def kernel(x, edge_index, W, att_src, att_dst, bias):
    src = edge_index[0].astype(jnp.int32)
    dst = edge_index[1].astype(jnp.int32)
    att2 = jnp.stack([att_src, att_dst], axis=1)
    h, asd = _tc_pre(x, W, att2)
    ht = h.reshape(2 * N, D2)
    S0, S1, den_p = _sc_agg(ht, asd[:, 0], asd[:, 1], src, dst)
    return _tc_post(S0, S1, den_p.reshape(N, 1), bias.reshape(1, D))

# --- scband reference (transcript-rebuilt; emitter-appended) ---
"""Pipeline reference for scband-breadth-901943132747 (READ-ONLY COPY).

The authoritative reference and input builder live on the scoring server;
editing this copy changes nothing except your own understanding.
"""

import jax, jax.numpy as jnp
import numpy as np

N_NODES = 10000
N_EDGES = 320000
D_IN = 128
D_OUT = 128


def setup_inputs(seed: int = 0) -> dict:
    key = jax.random.key(seed)
    k1, k2, k3, k4, k5 = jax.random.split(key, 5)
    x = jax.random.normal(k1, (N_NODES, D_IN), dtype=jnp.float32)
    edge_index = jax.random.randint(k2, (2, N_EDGES), 0, N_NODES, dtype=jnp.int64)
    W = jax.random.normal(k3, (D_IN, D_OUT), dtype=jnp.float32) * (1.0 / np.sqrt(D_IN))
    att_src = jax.random.normal(k4, (D_OUT,), dtype=jnp.float32) * 0.1
    att_dst = jax.random.normal(k5, (D_OUT,), dtype=jnp.float32) * 0.1
    bias = jnp.zeros((D_OUT,), dtype=jnp.float32)
    return {"x": x, "edge_index": edge_index, "W": W, "att_src": att_src, "att_dst": att_dst, "bias": bias}


def reference(x, edge_index, W, att_src, att_dst, bias):
    # Breadth.forward: tanh(GATConv(x, edge_index)), heads=1
    src = edge_index[0]
    dst = edge_index[1]
    n = x.shape[0]
    h = x @ W                                    # [N, D_OUT] linear transform (lin_src == lin_dst)
    a_src = (h * att_src).sum(axis=-1)           # [N]
    a_dst = (h * att_dst).sum(axis=-1)           # [N]
    e = a_src[src] + a_dst[dst]                  # [E] per-edge raw attention
    e = jax.nn.leaky_relu(e, negative_slope=0.2)
    # softmax over incoming edges of each dst node
    m = jax.ops.segment_max(e, dst, num_segments=n)
    e_exp = jnp.exp(e - m[dst])
    denom = jax.ops.segment_sum(e_exp, dst, num_segments=n)
    alpha = e_exp / (denom[dst] + 1e-16)
    out = jax.ops.segment_sum(h[src] * alpha[:, None], dst, num_segments=n)
    out = out + bias
    return jnp.tanh(out)

if __name__ == "__main__":
    import jax
    _d = setup_inputs()
    print(jax.jit(kernel)(*tuple(_d.values())))

</pallas_src>

<mosaic_0001>
#map = affine_map<(d0, d1) -> (0, 0)>
#map1 = affine_map<(d0, d1) -> (0)>
module attributes {stable_mosaic.version = 14 : i64} {
  func.func @_sc_agg_body(%arg0: i32, %arg1: i32, %arg2: memref<20000x64xf32, #tpu.memory_space<hbm>>, %arg3: memref<10000xf32, #tpu.memory_space<hbm>>, %arg4: memref<10000xf32, #tpu.memory_space<hbm>>, %arg5: memref<320000xi32, #tpu.memory_space<hbm>>, %arg6: memref<320000xi32, #tpu.memory_space<hbm>>, %arg7: memref<10000x64xf32, #tpu.memory_space<hbm>>, %arg8: memref<10000x64xf32, #tpu.memory_space<hbm>>, %arg9: memref<10000xf32, #tpu.memory_space<hbm>>, %arg10: memref<2000xi32, #tpu.memory_space<vmem>>, %arg11: memref<2000xi32, #tpu.memory_space<vmem>>, %arg12: memref<80xi32, #tpu.memory_space<vmem>>, %arg13: memref<80xi32, #tpu.memory_space<vmem>>, %arg14: memref<80xf32, #tpu.memory_space<vmem>>, %arg15: memref<80xf32, #tpu.memory_space<vmem>>, %arg16: memref<80x64xf32, #tpu.memory_space<vmem>>, %arg17: memref<80xi32, #tpu.memory_space<vmem>>, %arg18: memref<80xi32, #tpu.memory_space<vmem>>, %arg19: memref<80xf32, #tpu.memory_space<vmem>>, %arg20: memref<80xf32, #tpu.memory_space<vmem>>, %arg21: memref<80x64xf32, #tpu.memory_space<vmem>>, %arg22: memref<80xf32, #tpu.memory_space<vmem>>, %arg23: memref<10000x64xf32, #tpu.memory_space<vmem_shared>>, %arg24: memref<10000xf32, #tpu.memory_space<vmem_shared>>, %arg25: memref<!tpu.dma_semaphore, #tpu.memory_space<semaphore_mem>>, %arg26: memref<!tpu.dma_semaphore, #tpu.memory_space<semaphore_mem>>, %arg27: memref<!tpu.dma_semaphore, #tpu.memory_space<semaphore_mem>>, %arg28: memref<!tpu.dma_semaphore, #tpu.memory_space<semaphore_mem>>) attributes {dimension_semantics = [#tpu.dimension_semantics<core_parallel>, #tpu.dimension_semantics<subcore_parallel>], iteration_bounds = array<i64: 2, 16>, scalar_prefetch = 0 : i64, scratch_operands = 19 : i64, tpu.core_type = #tpu.core_type<sc_vector_subcore>, window_params = [{transform_indices = #map}, {transform_indices = #map1}, {transform_indices = #map1}, {transform_indices = #map1}, {transform_indices = #map1}, {transform_indices = #map}, {transform_indices = #map}, {transform_indices = #map1}]} {
    %broadcast_in_dim3A = arith.constant 0.000000e+00 : f32
    %broadcast_in_dim3A_0 = vector.broadcast %broadcast_in_dim3A : f32 to vector<16xf32>
    %scan3A = arith.constant 0 : i32
    %scan3A_1 = arith.constant 0 : i32
    %scan3A_2 = arith.constant 80 : i32
    %scan3A_3 = arith.addi %scan3A_1, %scan3A_2 : i32
    %scan3A_4 = arith.constant 1 : i32
    scf.for %scan3A_61 = %scan3A_1 to %scan3A_3 step %scan3A_4  : i32 {
      %swap3A_62 = arith.index_cast %scan3A_61 : i32 to index
      %swap3A_63 = arith.constant 0 : index
      %swap3A_64 = tpu.vector_load %arg16[%swap3A_62, %swap3A_63] {strides = array<i32>} : memref<80x64xf32, #tpu.memory_space<vmem>>, vector<16xf32>,
      tpu.vector_store %arg16[%swap3A_62, %swap3A_63], %broadcast_in_dim3A_0 {strides = array<i32>} : memref<80x64xf32, #tpu.memory_space<vmem>>, vector<16xf32>,
      %swap3A_65 = arith.index_cast %scan3A_61 : i32 to index
      %swap3A_66 = arith.constant 16 : index
      %swap3A_67 = tpu.vector_load %arg16[%swap3A_65, %swap3A_66] {strides = array<i32>} : memref<80x64xf32, #tpu.memory_space<vmem>>, vector<16xf32>,
      tpu.vector_store %arg16[%swap3A_65, %swap3A_66], %broadcast_in_dim3A_0 {strides = array<i32>} : memref<80x64xf32, #tpu.memory_space<vmem>>, vector<16xf32>,
      %swap3A_68 = arith.index_cast %scan3A_61 : i32 to index
      %swap3A_69 = arith.constant 32 : index
      %swap3A_70 = tpu.vector_load %arg16[%swap3A_68, %swap3A_69] {strides = array<i32>} : memref<80x64xf32, #tpu.memory_space<vmem>>, vector<16xf32>,
      tpu.vector_store %arg16[%swap3A_68, %swap3A_69], %broadcast_in_dim3A_0 {strides = array<i32>} : memref<80x64xf32, #tpu.memory_space<vmem>>, vector<16xf32>,
      %swap3A_71 = arith.index_cast %scan3A_61 : i32 to index
      %swap3A_72 = arith.constant 48 : index
      %swap3A_73 = tpu.vector_load %arg16[%swap3A_71, %swap3A_72] {strides = array<i32>} : memref<80x64xf32, #tpu.memory_space<vmem>>, vector<16xf32>,
      tpu.vector_store %arg16[%swap3A_71, %swap3A_72], %broadcast_in_dim3A_0 {strides = array<i32>} : memref<80x64xf32, #tpu.memory_space<vmem>>, vector<16xf32>,
    }
    %scan3A_5 = arith.constant 80 : i32
    %swap3A = arith.constant 0 : index
    %swap3A_6 = tpu.vector_load %arg22[%swap3A] {strides = array<i32>} : memref<80xf32, #tpu.memory_space<vmem>>, vector<16xf32>,
    tpu.vector_store %arg22[%swap3A], %broadcast_in_dim3A_0 {strides = array<i32>} : memref<80xf32, #tpu.memory_space<vmem>>, vector<16xf32>,
    %swap3A_7 = arith.constant 16 : index
    %swap3A_8 = tpu.vector_load %arg22[%swap3A_7] {strides = array<i32>} : memref<80xf32, #tpu.memory_space<vmem>>, vector<16xf32>,
    tpu.vector_store %arg22[%swap3A_7], %broadcast_in_dim3A_0 {strides = array<i32>} : memref<80xf32, #tpu.memory_space<vmem>>, vector<16xf32>,
    %swap3A_9 = arith.constant 32 : index
    %swap3A_10 = tpu.vector_load %arg22[%swap3A_9] {strides = array<i32>} : memref<80xf32, #tpu.memory_space<vmem>>, vector<16xf32>,
    tpu.vector_store %arg22[%swap3A_9], %broadcast_in_dim3A_0 {strides = array<i32>} : memref<80xf32, #tpu.memory_space<vmem>>, vector<16xf32>,
    %swap3A_11 = arith.constant 48 : index
    %swap3A_12 = tpu.vector_load %arg22[%swap3A_11] {strides = array<i32>} : memref<80xf32, #tpu.memory_space<vmem>>, vector<16xf32>,
    tpu.vector_store %arg22[%swap3A_11], %broadcast_in_dim3A_0 {strides = array<i32>} : memref<80xf32, #tpu.memory_space<vmem>>, vector<16xf32>,
    %swap3A_13 = arith.constant 64 : index
    %swap3A_14 = tpu.vector_load %arg22[%swap3A_13] {strides = array<i32>} : memref<80xf32, #tpu.memory_space<vmem>>, vector<16xf32>,
    tpu.vector_store %arg22[%swap3A_13], %broadcast_in_dim3A_0 {strides = array<i32>} : memref<80xf32, #tpu.memory_space<vmem>>, vector<16xf32>,
    %mul3A = arith.constant 640 : i32
    %mul3A_15 = arith.muli %arg1, %mul3A : i32
    %min3A = arith.constant 9360 : i32
    %min3A_16 = arith.minsi %mul3A_15, %min3A : i32
    %add3A = arith.constant 0 : i32
    %add3A_17 = arith.addi %min3A_16, %add3A : i32
    "tpu.region"() ({
      %run_scoped3A = tpu.sem_alloc : memref<!tpu.dma_semaphore, #tpu.memory_space<semaphore_mem>>
      %dma_start3A = arith.constant 0 : i32
      %dma_start3A_61 = tpu.memref_slice %arg23[%add3A_17, %dma_start3A] : memref<10000x64xf32, #tpu.memory_space<vmem_shared>> -> memref<80x64xf32, #tpu.memory_space<vmem_shared>>
      %dma_start3A_62 = arith.constant 0 : i32
      %dma_start3A_63 = tpu.memref_slice %arg23[%add3A_17, %dma_start3A_62] : memref<10000x64xf32, #tpu.memory_space<vmem_shared>> -> memref<80x64xf32, #tpu.memory_space<vmem_shared>>
      tpu.enqueue_dma source(%arg16 : memref<80x64xf32, #tpu.memory_space<vmem>>) target(%dma_start3A_63 : memref<80x64xf32, #tpu.memory_space<vmem_shared>>) target_semaphore(%run_scoped3A : memref<!tpu.dma_semaphore, #tpu.memory_space<semaphore_mem>>)
      %dma_wait3A = arith.constant 0 : i32
      %dma_wait3A_64 = tpu.memref_slice %arg23[%add3A_17, %dma_wait3A] : memref<10000x64xf32, #tpu.memory_space<vmem_shared>> -> memref<80x64xf32, #tpu.memory_space<vmem_shared>>
      %dma_wait3A_65 = arith.constant 0 : i32
      %dma_wait3A_66 = tpu.memref_slice %arg23[%add3A_17, %dma_wait3A_65] : memref<10000x64xf32, #tpu.memory_space<vmem_shared>> -> memref<80x64xf32, #tpu.memory_space<vmem_shared>>
      tpu.wait_dma2 semaphore(%run_scoped3A : memref<!tpu.dma_semaphore, #tpu.memory_space<semaphore_mem>>) src(%arg16 : memref<80x64xf32, #tpu.memory_space<vmem>>) dst(%dma_wait3A_66 : memref<80x64xf32, #tpu.memory_space<vmem_shared>>)
      tpu.yield
    }) : () -> ()
    %add3A_18 = arith.constant 0 : i32
    %add3A_19 = arith.addi %min3A_16, %add3A_18 : i32
    "tpu.region"() ({
      %run_scoped3A = tpu.sem_alloc : memref<!tpu.dma_semaphore, #tpu.memory_space<semaphore_mem>>
      %dma_start3A = tpu.memref_slice %arg24[%add3A_19] : memref<10000xf32, #tpu.memory_space<vmem_shared>> -> memref<80xf32, #tpu.memory_space<vmem_shared>>
      %dma_start3A_61 = tpu.memref_slice %arg24[%add3A_19] : memref<10000xf32, #tpu.memory_space<vmem_shared>> -> memref<80xf32, #tpu.memory_space<vmem_shared>>
      tpu.enqueue_dma source(%arg22 : memref<80xf32, #tpu.memory_space<vmem>>) target(%dma_start3A_61 : memref<80xf32, #tpu.memory_space<vmem_shared>>) target_semaphore(%run_scoped3A : memref<!tpu.dma_semaphore, #tpu.memory_space<semaphore_mem>>)
      %dma_wait3A = tpu.memref_slice %arg24[%add3A_19] : memref<10000xf32, #tpu.memory_space<vmem_shared>> -> memref<80xf32, #tpu.memory_space<vmem_shared>>
      %dma_wait3A_62 = tpu.memref_slice %arg24[%add3A_19] : memref<10000xf32, #tpu.memory_space<vmem_shared>> -> memref<80xf32, #tpu.memory_space<vmem_shared>>
      tpu.wait_dma2 semaphore(%run_scoped3A : memref<!tpu.dma_semaphore, #tpu.memory_space<semaphore_mem>>) src(%arg22 : memref<80xf32, #tpu.memory_space<vmem>>) dst(%dma_wait3A_62 : memref<80xf32, #tpu.memory_space<vmem_shared>>)
      tpu.yield
    }) : () -> ()
    %add3A_20 = arith.constant 80 : i32
    %add3A_21 = arith.addi %min3A_16, %add3A_20 : i32
    "tpu.region"() ({
      %run_scoped3A = tpu.sem_alloc : memref<!tpu.dma_semaphore, #tpu.memory_space<semaphore_mem>>
      %dma_start3A = arith.constant 0 : i32
      %dma_start3A_61 = tpu.memref_slice %arg23[%add3A_21, %dma_start3A] : memref<10000x64xf32, #tpu.memory_space<vmem_shared>> -> memref<80x64xf32, #tpu.memory_space<vmem_shared>>
      %dma_start3A_62 = arith.constant 0 : i32
      %dma_start3A_63 = tpu.memref_slice %arg23[%add3A_21, %dma_start3A_62] : memref<10000x64xf32, #tpu.memory_space<vmem_shared>> -> memref<80x64xf32, #tpu.memory_space<vmem_shared>>
      tpu.enqueue_dma source(%arg16 : memref<80x64xf32, #tpu.memory_space<vmem>>) target(%dma_start3A_63 : memref<80x64xf32, #tpu.memory_space<vmem_shared>>) target_semaphore(%run_scoped3A : memref<!tpu.dma_semaphore, #tpu.memory_space<semaphore_mem>>)
      %dma_wait3A = arith.constant 0 : i32
      %dma_wait3A_64 = tpu.memref_slice %arg23[%add3A_21, %dma_wait3A] : memref<10000x64xf32, #tpu.memory_space<vmem_shared>> -> memref<80x64xf32, #tpu.memory_space<vmem_shared>>
      %dma_wait3A_65 = arith.constant 0 : i32
      %dma_wait3A_66 = tpu.memref_slice %arg23[%add3A_21, %dma_wait3A_65] : memref<10000x64xf32, #tpu.memory_space<vmem_shared>> -> memref<80x64xf32, #tpu.memory_space<vmem_shared>>
      tpu.wait_dma2 semaphore(%run_scoped3A : memref<!tpu.dma_semaphore, #tpu.memory_space<semaphore_mem>>) src(%arg16 : memref<80x64xf32, #tpu.memory_space<vmem>>) dst(%dma_wait3A_66 : memref<80x64xf32, #tpu.memory_space<vmem_shared>>)
      tpu.yield
    }) : () -> ()
    %add3A_22 = arith.constant 80 : i32
    %add3A_23 = arith.addi %min3A_16, %add3A_22 : i32
    "tpu.region"() ({
      %run_scoped3A = tpu.sem_alloc : memref<!tpu.dma_semaphore, #tpu.memory_space<semaphore_mem>>
      %dma_start3A = tpu.memref_slice %arg24[%add3A_23] : memref<10000xf32, #tpu.memory_space<vmem_shared>> -> memref<80xf32, #tpu.memory_space<vmem_shared>>
      %dma_start3A_61 = tpu.memref_slice %arg24[%add3A_23] : memref<10000xf32, #tpu.memory_space<vmem_shared>> -> memref<80xf32, #tpu.memory_space<vmem_shared>>
      tpu.enqueue_dma source(%arg22 : memref<80xf32, #tpu.memory_space<vmem>>) target(%dma_start3A_61 : memref<80xf32, #tpu.memory_space<vmem_shared>>) target_semaphore(%run_scoped3A : memref<!tpu.dma_semaphore, #tpu.memory_space<semaphore_mem>>)
      %dma_wait3A = tpu.memref_slice %arg24[%add3A_23] : memref<10000xf32, #tpu.memory_space<vmem_shared>> -> memref<80xf32, #tpu.memory_space<vmem_shared>>
      %dma_wait3A_62 = tpu.memref_slice %arg24[%add3A_23] : memref<10000xf32, #tpu.memory_space<vmem_shared>> -> memref<80xf32, #tpu.memory_space<vmem_shared>>
      tpu.wait_dma2 semaphore(%run_scoped3A : memref<!tpu.dma_semaphore, #tpu.memory_space<semaphore_mem>>) src(%arg22 : memref<80xf32, #tpu.memory_space<vmem>>) dst(%dma_wait3A_62 : memref<80xf32, #tpu.memory_space<vmem_shared>>)
      tpu.yield
    }) : () -> ()
    %add3A_24 = arith.constant 160 : i32
    %add3A_25 = arith.addi %min3A_16, %add3A_24 : i32
    "tpu.region"() ({
      %run_scoped3A = tpu.sem_alloc : memref<!tpu.dma_semaphore, #tpu.memory_space<semaphore_mem>>
      %dma_start3A = arith.constant 0 : i32
      %dma_start3A_61 = tpu.memref_slice %arg23[%add3A_25, %dma_start3A] : memref<10000x64xf32, #tpu.memory_space<vmem_shared>> -> memref<80x64xf32, #tpu.memory_space<vmem_shared>>
      %dma_start3A_62 = arith.constant 0 : i32
      %dma_start3A_63 = tpu.memref_slice %arg23[%add3A_25, %dma_start3A_62] : memref<10000x64xf32, #tpu.memory_space<vmem_shared>> -> memref<80x64xf32, #tpu.memory_space<vmem_shared>>
      tpu.enqueue_dma source(%arg16 : memref<80x64xf32, #tpu.memory_space<vmem>>) target(%dma_start3A_63 : memref<80x64xf32, #tpu.memory_space<vmem_shared>>) target_semaphore(%run_scoped3A : memref<!tpu.dma_semaphore, #tpu.memory_space<semaphore_mem>>)
      %dma_wait3A = arith.constant 0 : i32
      %dma_wait3A_64 = tpu.memref_slice %arg23[%add3A_25, %dma_wait3A] : memref<10000x64xf32, #tpu.memory_space<vmem_shared>> -> memref<80x64xf32, #tpu.memory_space<vmem_shared>>
      %dma_wait3A_65 = arith.constant 0 : i32
      %dma_wait3A_66 = tpu.memref_slice %arg23[%add3A_25, %dma_wait3A_65] : memref<10000x64xf32, #tpu.memory_space<vmem_shared>> -> memref<80x64xf32, #tpu.memory_space<vmem_shared>>
      tpu.wait_dma2 semaphore(%run_scoped3A : memref<!tpu.dma_semaphore, #tpu.memory_space<semaphore_mem>>) src(%arg16 : memref<80x64xf32, #tpu.memory_space<vmem>>) dst(%dma_wait3A_66 : memref<80x64xf32, #tpu.memory_space<vmem_shared>>)
      tpu.yield
    }) : () -> ()
    %add3A_26 = arith.constant 160 : i32
    %add3A_27 = arith.addi %min3A_16, %add3A_26 : i32
    "tpu.region"() ({
      %run_scoped3A = tpu.sem_alloc : memref<!tpu.dma_semaphore, #tpu.memory_space<semaphore_mem>>
      %dma_start3A = tpu.memref_slice %arg24[%add3A_27] : memref<10000xf32, #tpu.memory_space<vmem_shared>> -> memref<80xf32, #tpu.memory_space<vmem_shared>>
      %dma_start3A_61 = tpu.memref_slice %arg24[%add3A_27] : memref<10000xf32, #tpu.memory_space<vmem_shared>> -> memref<80xf32, #tpu.memory_space<vmem_shared>>
      tpu.enqueue_dma source(%arg22 : memref<80xf32, #tpu.memory_space<vmem>>) target(%dma_start3A_61 : memref<80xf32, #tpu.memory_space<vmem_shared>>) target_semaphore(%run_scoped3A : memref<!tpu.dma_semaphore, #tpu.memory_space<semaphore_mem>>)
      %dma_wait3A = tpu.memref_slice %arg24[%add3A_27] : memref<10000xf32, #tpu.memory_space<vmem_shared>> -> memref<80xf32, #tpu.memory_space<vmem_shared>>
      %dma_wait3A_62 = tpu.memref_slice %arg24[%add3A_27] : memref<10000xf32, #tpu.memory_space<vmem_shared>> -> memref<80xf32, #tpu.memory_space<vmem_shared>>
      tpu.wait_dma2 semaphore(%run_scoped3A : memref<!tpu.dma_semaphore, #tpu.memory_space<semaphore_mem>>) src(%arg22 : memref<80xf32, #tpu.memory_space<vmem>>) dst(%dma_wait3A_62 : memref<80xf32, #tpu.memory_space<vmem_shared>>)
      tpu.yield
    }) : () -> ()
    %add3A_28 = arith.constant 240 : i32
    %add3A_29 = arith.addi %min3A_16, %add3A_28 : i32
    "tpu.region"() ({
      %run_scoped3A = tpu.sem_alloc : memref<!tpu.dma_semaphore, #tpu.memory_space<semaphore_mem>>
      %dma_start3A = arith.constant 0 : i32
      %dma_start3A_61 = tpu.memref_slice %arg23[%add3A_29, %dma_start3A] : memref<10000x64xf32, #tpu.memory_space<vmem_shared>> -> memref<80x64xf32, #tpu.memory_space<vmem_shared>>
      %dma_start3A_62 = arith.constant 0 : i32
      %dma_start3A_63 = tpu.memref_slice %arg23[%add3A_29, %dma_start3A_62] : memref<10000x64xf32, #tpu.memory_space<vmem_shared>> -> memref<80x64xf32, #tpu.memory_space<vmem_shared>>
      tpu.enqueue_dma source(%arg16 : memref<80x64xf32, #tpu.memory_space<vmem>>) target(%dma_start3A_63 : memref<80x64xf32, #tpu.memory_space<vmem_shared>>) target_semaphore(%run_scoped3A : memref<!tpu.dma_semaphore, #tpu.memory_space<semaphore_mem>>)
      %dma_wait3A = arith.constant 0 : i32
      %dma_wait3A_64 = tpu.memref_slice %arg23[%add3A_29, %dma_wait3A] : memref<10000x64xf32, #tpu.memory_space<vmem_shared>> -> memref<80x64xf32, #tpu.memory_space<vmem_shared>>
      %dma_wait3A_65 = arith.constant 0 : i32
      %dma_wait3A_66 = tpu.memref_slice %arg23[%add3A_29, %dma_wait3A_65] : memref<10000x64xf32, #tpu.memory_space<vmem_shared>> -> memref<80x64xf32, #tpu.memory_space<vmem_shared>>
      tpu.wait_dma2 semaphore(%run_scoped3A : memref<!tpu.dma_semaphore, #tpu.memory_space<semaphore_mem>>) src(%arg16 : memref<80x64xf32, #tpu.memory_space<vmem>>) dst(%dma_wait3A_66 : memref<80x64xf32, #tpu.memory_space<vmem_shared>>)
      tpu.yield
    }) : () -> ()
    %add3A_30 = arith.constant 240 : i32
    %add3A_31 = arith.addi %min3A_16, %add3A_30 : i32
    "tpu.region"() ({
      %run_scoped3A = tpu.sem_alloc : memref<!tpu.dma_semaphore, #tpu.memory_space<semaphore_mem>>
      %dma_start3A = tpu.memref_slice %arg24[%add3A_31] : memref<10000xf32, #tpu.memory_space<vmem_shared>> -> memref<80xf32, #tpu.memory_space<vmem_shared>>
      %dma_start3A_61 = tpu.memref_slice %arg24[%add3A_31] : memref<10000xf32, #tpu.memory_space<vmem_shared>> -> memref<80xf32, #tpu.memory_space<vmem_shared>>
      tpu.enqueue_dma source(%arg22 : memref<80xf32, #tpu.memory_space<vmem>>) target(%dma_start3A_61 : memref<80xf32, #tpu.memory_space<vmem_shared>>) target_semaphore(%run_scoped3A : memref<!tpu.dma_semaphore, #tpu.memory_space<semaphore_mem>>)
      %dma_wait3A = tpu.memref_slice %arg24[%add3A_31] : memref<10000xf32, #tpu.memory_space<vmem_shared>> -> memref<80xf32, #tpu.memory_space<vmem_shared>>
      %dma_wait3A_62 = tpu.memref_slice %arg24[%add3A_31] : memref<10000xf32, #tpu.memory_space<vmem_shared>> -> memref<80xf32, #tpu.memory_space<vmem_shared>>
      tpu.wait_dma2 semaphore(%run_scoped3A : memref<!tpu.dma_semaphore, #tpu.memory_space<semaphore_mem>>) src(%arg22 : memref<80xf32, #tpu.memory_space<vmem>>) dst(%dma_wait3A_62 : memref<80xf32, #tpu.memory_space<vmem_shared>>)
      tpu.yield
    }) : () -> ()
    %add3A_32 = arith.constant 320 : i32
    %add3A_33 = arith.addi %min3A_16, %add3A_32 : i32
    "tpu.region"() ({
      %run_scoped3A = tpu.sem_alloc : memref<!tpu.dma_semaphore, #tpu.memory_space<semaphore_mem>>
      %dma_start3A = arith.constant 0 : i32
      %dma_start3A_61 = tpu.memref_slice %arg23[%add3A_33, %dma_start3A] : memref<10000x64xf32, #tpu.memory_space<vmem_shared>> -> memref<80x64xf32, #tpu.memory_space<vmem_shared>>
      %dma_start3A_62 = arith.constant 0 : i32
      %dma_start3A_63 = tpu.memref_slice %arg23[%add3A_33, %dma_start3A_62] : memref<10000x64xf32, #tpu.memory_space<vmem_shared>> -> memref<80x64xf32, #tpu.memory_space<vmem_shared>>
      tpu.enqueue_dma source(%arg16 : memref<80x64xf32, #tpu.memory_space<vmem>>) target(%dma_start3A_63 : memref<80x64xf32, #tpu.memory_space<vmem_shared>>) target_semaphore(%run_scoped3A : memref<!tpu.dma_semaphore, #tpu.memory_space<semaphore_mem>>)
      %dma_wait3A = arith.constant 0 : i32
      %dma_wait3A_64 = tpu.memref_slice %arg23[%add3A_33, %dma_wait3A] : memref<10000x64xf32, #tpu.memory_space<vmem_shared>> -> memref<80x64xf32, #tpu.memory_space<vmem_shared>>
      %dma_wait3A_65 = arith.constant 0 : i32
      %dma_wait3A_66 = tpu.memref_slice %arg23[%add3A_33, %dma_wait3A_65] : memref<10000x64xf32, #tpu.memory_space<vmem_shared>> -> memref<80x64xf32, #tpu.memory_space<vmem_shared>>
      tpu.wait_dma2 semaphore(%run_scoped3A : memref<!tpu.dma_semaphore, #tpu.memory_space<semaphore_mem>>) src(%arg16 : memref<80x64xf32, #tpu.memory_space<vmem>>) dst(%dma_wait3A_66 : memref<80x64xf32, #tpu.memory_space<vmem_shared>>)
      tpu.yield
    }) : () -> ()
    %add3A_34 = arith.constant 320 : i32
    %add3A_35 = arith.addi %min3A_16, %add3A_34 : i32
    "tpu.region"() ({
      %run_scoped3A = tpu.sem_alloc : memref<!tpu.dma_semaphore, #tpu.memory_space<semaphore_mem>>
      %dma_start3A = tpu.memref_slice %arg24[%add3A_35] : memref<10000xf32, #tpu.memory_space<vmem_shared>> -> memref<80xf32, #tpu.memory_space<vmem_shared>>
      %dma_start3A_61 = tpu.memref_slice %arg24[%add3A_35] : memref<10000xf32, #tpu.memory_space<vmem_shared>> -> memref<80xf32, #tpu.memory_space<vmem_shared>>
      tpu.enqueue_dma source(%arg22 : memref<80xf32, #tpu.memory_space<vmem>>) target(%dma_start3A_61 : memref<80xf32, #tpu.memory_space<vmem_shared>>) target_semaphore(%run_scoped3A : memref<!tpu.dma_semaphore, #tpu.memory_space<semaphore_mem>>)
      %dma_wait3A = tpu.memref_slice %arg24[%add3A_35] : memref<10000xf32, #tpu.memory_space<vmem_shared>> -> memref<80xf32, #tpu.memory_space<vmem_shared>>
      %dma_wait3A_62 = tpu.memref_slice %arg24[%add3A_35] : memref<10000xf32, #tpu.memory_space<vmem_shared>> -> memref<80xf32, #tpu.memory_space<vmem_shared>>
      tpu.wait_dma2 semaphore(%run_scoped3A : memref<!tpu.dma_semaphore, #tpu.memory_space<semaphore_mem>>) src(%arg22 : memref<80xf32, #tpu.memory_space<vmem>>) dst(%dma_wait3A_62 : memref<80xf32, #tpu.memory_space<vmem_shared>>)
      tpu.yield
    }) : () -> ()
    %add3A_36 = arith.constant 400 : i32
    %add3A_37 = arith.addi %min3A_16, %add3A_36 : i32
    "tpu.region"() ({
      %run_scoped3A = tpu.sem_alloc : memref<!tpu.dma_semaphore, #tpu.memory_space<semaphore_mem>>
      %dma_start3A = arith.constant 0 : i32
      %dma_start3A_61 = tpu.memref_slice %arg23[%add3A_37, %dma_start3A] : memref<10000x64xf32, #tpu.memory_space<vmem_shared>> -> memref<80x64xf32, #tpu.memory_space<vmem_shared>>
      %dma_start3A_62 = arith.constant 0 : i32
      %dma_start3A_63 = tpu.memref_slice %arg23[%add3A_37, %dma_start3A_62] : memref<10000x64xf32, #tpu.memory_space<vmem_shared>> -> memref<80x64xf32, #tpu.memory_space<vmem_shared>>
      tpu.enqueue_dma source(%arg16 : memref<80x64xf32, #tpu.memory_space<vmem>>) target(%dma_start3A_63 : memref<80x64xf32, #tpu.memory_space<vmem_shared>>) target_semaphore(%run_scoped3A : memref<!tpu.dma_semaphore, #tpu.memory_space<semaphore_mem>>)
      %dma_wait3A = arith.constant 0 : i32
      %dma_wait3A_64 = tpu.memref_slice %arg23[%add3A_37, %dma_wait3A] : memref<10000x64xf32, #tpu.memory_space<vmem_shared>> -> memref<80x64xf32, #tpu.memory_space<vmem_shared>>
      %dma_wait3A_65 = arith.constant 0 : i32
      %dma_wait3A_66 = tpu.memref_slice %arg23[%add3A_37, %dma_wait3A_65] : memref<10000x64xf32, #tpu.memory_space<vmem_shared>> -> memref<80x64xf32, #tpu.memory_space<vmem_shared>>
      tpu.wait_dma2 semaphore(%run_scoped3A : memref<!tpu.dma_semaphore, #tpu.memory_space<semaphore_mem>>) src(%arg16 : memref<80x64xf32, #tpu.memory_space<vmem>>) dst(%dma_wait3A_66 : memref<80x64xf32, #tpu.memory_space<vmem_shared>>)
      tpu.yield
    }) : () -> ()
    %add3A_38 = arith.constant 400 : i32
    %add3A_39 = arith.addi %min3A_16, %add3A_38 : i32
    "tpu.region"() ({
      %run_scoped3A = tpu.sem_alloc : memref<!tpu.dma_semaphore, #tpu.memory_space<semaphore_mem>>
      %dma_start3A = tpu.memref_slice %arg24[%add3A_39] : memref<10000xf32, #tpu.memory_space<vmem_shared>> -> memref<80xf32, #tpu.memory_space<vmem_shared>>
      %dma_start3A_61 = tpu.memref_slice %arg24[%add3A_39] : memref<10000xf32, #tpu.memory_space<vmem_shared>> -> memref<80xf32, #tpu.memory_space<vmem_shared>>
      tpu.enqueue_dma source(%arg22 : memref<80xf32, #tpu.memory_space<vmem>>) target(%dma_start3A_61 : memref<80xf32, #tpu.memory_space<vmem_shared>>) target_semaphore(%run_scoped3A : memref<!tpu.dma_semaphore, #tpu.memory_space<semaphore_mem>>)
      %dma_wait3A = tpu.memref_slice %arg24[%add3A_39] : memref<10000xf32, #tpu.memory_space<vmem_shared>> -> memref<80xf32, #tpu.memory_space<vmem_shared>>
      %dma_wait3A_62 = tpu.memref_slice %arg24[%add3A_39] : memref<10000xf32, #tpu.memory_space<vmem_shared>> -> memref<80xf32, #tpu.memory_space<vmem_shared>>
      tpu.wait_dma2 semaphore(%run_scoped3A : memref<!tpu.dma_semaphore, #tpu.memory_space<semaphore_mem>>) src(%arg22 : memref<80xf32, #tpu.memory_space<vmem>>) dst(%dma_wait3A_62 : memref<80xf32, #tpu.memory_space<vmem_shared>>)
      tpu.yield
    }) : () -> ()
    %add3A_40 = arith.constant 480 : i32
    %add3A_41 = arith.addi %min3A_16, %add3A_40 : i32
    "tpu.region"() ({
      %run_scoped3A = tpu.sem_alloc : memref<!tpu.dma_semaphore, #tpu.memory_space<semaphore_mem>>
      %dma_start3A = arith.constant 0 : i32
      %dma_start3A_61 = tpu.memref_slice %arg23[%add3A_41, %dma_start3A] : memref<10000x64xf32, #tpu.memory_space<vmem_shared>> -> memref<80x64xf32, #tpu.memory_space<vmem_shared>>
      %dma_start3A_62 = arith.constant 0 : i32
      %dma_start3A_63 = tpu.memref_slice %arg23[%add3A_41, %dma_start3A_62] : memref<10000x64xf32, #tpu.memory_space<vmem_shared>> -> memref<80x64xf32, #tpu.memory_space<vmem_shared>>
      tpu.enqueue_dma source(%arg16 : memref<80x64xf32, #tpu.memory_space<vmem>>) target(%dma_start3A_63 : memref<80x64xf32, #tpu.memory_space<vmem_shared>>) target_semaphore(%run_scoped3A : memref<!tpu.dma_semaphore, #tpu.memory_space<semaphore_mem>>)
      %dma_wait3A = arith.constant 0 : i32
      %dma_wait3A_64 = tpu.memref_slice %arg23[%add3A_41, %dma_wait3A] : memref<10000x64xf32, #tpu.memory_space<vmem_shared>> -> memref<80x64xf32, #tpu.memory_space<vmem_shared>>
      %dma_wait3A_65 = arith.constant 0 : i32
      %dma_wait3A_66 = tpu.memref_slice %arg23[%add3A_41, %dma_wait3A_65] : memref<10000x64xf32, #tpu.memory_space<vmem_shared>> -> memref<80x64xf32, #tpu.memory_space<vmem_shared>>
      tpu.wait_dma2 semaphore(%run_scoped3A : memref<!tpu.dma_semaphore, #tpu.memory_space<semaphore_mem>>) src(%arg16 : memref<80x64xf32, #tpu.memory_space<vmem>>) dst(%dma_wait3A_66 : memref<80x64xf32, #tpu.memory_space<vmem_shared>>)
      tpu.yield
    }) : () -> ()
    %add3A_42 = arith.constant 480 : i32
    %add3A_43 = arith.addi %min3A_16, %add3A_42 : i32
    "tpu.region"() ({
      %run_scoped3A = tpu.sem_alloc : memref<!tpu.dma_semaphore, #tpu.memory_space<semaphore_mem>>
      %dma_start3A = tpu.memref_slice %arg24[%add3A_43] : memref<10000xf32, #tpu.memory_space<vmem_shared>> -> memref<80xf32, #tpu.memory_space<vmem_shared>>
      %dma_start3A_61 = tpu.memref_slice %arg24[%add3A_43] : memref<10000xf32, #tpu.memory_space<vmem_shared>> -> memref<80xf32, #tpu.memory_space<vmem_shared>>
      tpu.enqueue_dma source(%arg22 : memref<80xf32, #tpu.memory_space<vmem>>) target(%dma_start3A_61 : memref<80xf32, #tpu.memory_space<vmem_shared>>) target_semaphore(%run_scoped3A : memref<!tpu.dma_semaphore, #tpu.memory_space<semaphore_mem>>)
      %dma_wait3A = tpu.memref_slice %arg24[%add3A_43] : memref<10000xf32, #tpu.memory_space<vmem_shared>> -> memref<80xf32, #tpu.memory_space<vmem_shared>>
      %dma_wait3A_62 = tpu.memref_slice %arg24[%add3A_43] : memref<10000xf32, #tpu.memory_space<vmem_shared>> -> memref<80xf32, #tpu.memory_space<vmem_shared>>
      tpu.wait_dma2 semaphore(%run_scoped3A : memref<!tpu.dma_semaphore, #tpu.memory_space<semaphore_mem>>) src(%arg22 : memref<80xf32, #tpu.memory_space<vmem>>) dst(%dma_wait3A_62 : memref<80xf32, #tpu.memory_space<vmem_shared>>)
      tpu.yield
    }) : () -> ()
    %add3A_44 = arith.constant 560 : i32
    %add3A_45 = arith.addi %min3A_16, %add3A_44 : i32
    "tpu.region"() ({
      %run_scoped3A = tpu.sem_alloc : memref<!tpu.dma_semaphore, #tpu.memory_space<semaphore_mem>>
      %dma_start3A = arith.constant 0 : i32
      %dma_start3A_61 = tpu.memref_slice %arg23[%add3A_45, %dma_start3A] : memref<10000x64xf32, #tpu.memory_space<vmem_shared>> -> memref<80x64xf32, #tpu.memory_space<vmem_shared>>
      %dma_start3A_62 = arith.constant 0 : i32
      %dma_start3A_63 = tpu.memref_slice %arg23[%add3A_45, %dma_start3A_62] : memref<10000x64xf32, #tpu.memory_space<vmem_shared>> -> memref<80x64xf32, #tpu.memory_space<vmem_shared>>
      tpu.enqueue_dma source(%arg16 : memref<80x64xf32, #tpu.memory_space<vmem>>) target(%dma_start3A_63 : memref<80x64xf32, #tpu.memory_space<vmem_shared>>) target_semaphore(%run_scoped3A : memref<!tpu.dma_semaphore, #tpu.memory_space<semaphore_mem>>)
      %dma_wait3A = arith.constant 0 : i32
      %dma_wait3A_64 = tpu.memref_slice %arg23[%add3A_45, %dma_wait3A] : memref<10000x64xf32, #tpu.memory_space<vmem_shared>> -> memref<80x64xf32, #tpu.memory_space<vmem_shared>>
      %dma_wait3A_65 = arith.constant 0 : i32
      %dma_wait3A_66 = tpu.memref_slice %arg23[%add3A_45, %dma_wait3A_65] : memref<10000x64xf32, #tpu.memory_space<vmem_shared>> -> memref<80x64xf32, #tpu.memory_space<vmem_shared>>
      tpu.wait_dma2 semaphore(%run_scoped3A : memref<!tpu.dma_semaphore, #tpu.memory_space<semaphore_mem>>) src(%arg16 : memref<80x64xf32, #tpu.memory_space<vmem>>) dst(%dma_wait3A_66 : memref<80x64xf32, #tpu.memory_space<vmem_shared>>)
      tpu.yield
    }) : () -> ()
    %add3A_46 = arith.constant 560 : i32
    %add3A_47 = arith.addi %min3A_16, %add3A_46 : i32
    "tpu.region"() ({
      %run_scoped3A = tpu.sem_alloc : memref<!tpu.dma_semaphore, #tpu.memory_space<semaphore_mem>>
      %dma_start3A = tpu.memref_slice %arg24[%add3A_47] : memref<10000xf32, #tpu.memory_space<vmem_shared>> -> memref<80xf32, #tpu.memory_space<vmem_shared>>
      %dma_start3A_61 = tpu.memref_slice %arg24[%add3A_47] : memref<10000xf32, #tpu.memory_space<vmem_shared>> -> memref<80xf32, #tpu.memory_space<vmem_shared>>
      tpu.enqueue_dma source(%arg22 : memref<80xf32, #tpu.memory_space<vmem>>) target(%dma_start3A_61 : memref<80xf32, #tpu.memory_space<vmem_shared>>) target_semaphore(%run_scoped3A : memref<!tpu.dma_semaphore, #tpu.memory_space<semaphore_mem>>)
      %dma_wait3A = tpu.memref_slice %arg24[%add3A_47] : memref<10000xf32, #tpu.memory_space<vmem_shared>> -> memref<80xf32, #tpu.memory_space<vmem_shared>>
      %dma_wait3A_62 = tpu.memref_slice %arg24[%add3A_47] : memref<10000xf32, #tpu.memory_space<vmem_shared>> -> memref<80xf32, #tpu.memory_space<vmem_shared>>
      tpu.wait_dma2 semaphore(%run_scoped3A : memref<!tpu.dma_semaphore, #tpu.memory_space<semaphore_mem>>) src(%arg22 : memref<80xf32, #tpu.memory_space<vmem>>) dst(%dma_wait3A_62 : memref<80xf32, #tpu.memory_space<vmem_shared>>)
      tpu.yield
    }) : () -> ()
    %barrier3A = arith.constant 0 : index
    tpu.barrier barrier_id(%barrier3A)
    %scan3A_48 = arith.constant 0 : i32
    %scan3A_49 = arith.constant 0 : i32
    %scan3A_50 = arith.constant 10 : i32
    %scan3A_51 = arith.addi %scan3A_49, %scan3A_50 : i32
    %scan3A_52 = arith.constant 1 : i32
    scf.for %scan3A_61 = %scan3A_49 to %scan3A_51 step %scan3A_52  : i32 {
      %mul3A_62 = arith.constant 20000 : i32
      %mul3A_63 = arith.muli %arg1, %mul3A_62 : i32
      %mul3A_64 = arith.constant 2000 : i32
      %mul3A_65 = arith.muli %scan3A_61, %mul3A_64 : i32
      %add3A_66 = arith.addi %mul3A_63, %mul3A_65 : i32
      "tpu.region"() ({
        %run_scoped3A = tpu.sem_alloc : memref<!tpu.dma_semaphore, #tpu.memory_space<semaphore_mem>>
        %dma_start3A_574 = tpu.memref_slice %arg5[%add3A_66] : memref<320000xi32, #tpu.memory_space<hbm>> -> memref<2000xi32, #tpu.memory_space<hbm>>
        %dma_start3A_575 = tpu.memref_slice %arg5[%add3A_66] : memref<320000xi32, #tpu.memory_space<hbm>> -> memref<2000xi32, #tpu.memory_space<hbm>>
        tpu.enqueue_dma source(%dma_start3A_575 : memref<2000xi32, #tpu.memory_space<hbm>>) target(%arg10 : memref<2000xi32, #tpu.memory_space<vmem>>) target_semaphore(%run_scoped3A : memref<!tpu.dma_semaphore, #tpu.memory_space<semaphore_mem>>)
        %dma_wait3A_576 = tpu.memref_slice %arg5[%add3A_66] : memref<320000xi32, #tpu.memory_space<hbm>> -> memref<2000xi32, #tpu.memory_space<hbm>>
        %dma_wait3A_577 = tpu.memref_slice %arg5[%add3A_66] : memref<320000xi32, #tpu.memory_space<hbm>> -> memref<2000xi32, #tpu.memory_space<hbm>>
        tpu.wait_dma2 semaphore(%run_scoped3A : memref<!tpu.dma_semaphore, #tpu.memory_space<semaphore_mem>>) src(%dma_wait3A_577 : memref<2000xi32, #tpu.memory_space<hbm>>) dst(%arg10 : memref<2000xi32, #tpu.memory_space<vmem>>)
        tpu.yield
      }) : () -> ()
      "tpu.region"() ({
        %run_scoped3A = tpu.sem_alloc : memref<!tpu.dma_semaphore, #tpu.memory_space<semaphore_mem>>
        %dma_start3A_574 = tpu.memref_slice %arg6[%add3A_66] : memref<320000xi32, #tpu.memory_space<hbm>> -> memref<2000xi32, #tpu.memory_space<hbm>>
        %dma_start3A_575 = tpu.memref_slice %arg6[%add3A_66] : memref<320000xi32, #tpu.memory_space<hbm>> -> memref<2000xi32, #tpu.memory_space<hbm>>
        tpu.enqueue_dma source(%dma_start3A_575 : memref<2000xi32, #tpu.memory_space<hbm>>) target(%arg11 : memref<2000xi32, #tpu.memory_space<vmem>>) target_semaphore(%run_scoped3A : memref<!tpu.dma_semaphore, #tpu.memory_space<semaphore_mem>>)
        %dma_wait3A_576 = tpu.memref_slice %arg6[%add3A_66] : memref<320000xi32, #tpu.memory_space<hbm>> -> memref<2000xi32, #tpu.memory_space<hbm>>
        %dma_wait3A_577 = tpu.memref_slice %arg6[%add3A_66] : memref<320000xi32, #tpu.memory_space<hbm>> -> memref<2000xi32, #tpu.memory_space<hbm>>
        tpu.wait_dma2 semaphore(%run_scoped3A : memref<!tpu.dma_semaphore, #tpu.memory_space<semaphore_mem>>) src(%dma_wait3A_577 : memref<2000xi32, #tpu.memory_space<hbm>>) dst(%arg11 : memref<2000xi32, #tpu.memory_space<vmem>>)
        tpu.yield
      }) : () -> ()
      %get3A = arith.constant 0 : index
      %get3A_67 = tpu.vector_load %arg10[%get3A] {strides = array<i32>} : memref<2000xi32, #tpu.memory_space<vmem>>, vector<16xi32>,
      %mul3A_68 = arith.constant 2 : i32
      %mul3A_69 = vector.broadcast %mul3A_68 : i32 to vector<16xi32>
      %mul3A_70 = arith.muli %get3A_67, %mul3A_69 : vector<16xi32>
      %add3A_71 = vector.broadcast %arg0 : i32 to vector<16xi32>
      %add3A_72 = arith.addi %mul3A_70, %add3A_71 : vector<16xi32>
      %swap3A_73 = arith.constant 0 : index
      %swap3A_74 = tpu.vector_load %arg12[%swap3A_73] {strides = array<i32>} : memref<80xi32, #tpu.memory_space<vmem>>, vector<16xi32>,
      tpu.vector_store %arg12[%swap3A_73], %add3A_72 {strides = array<i32>} : memref<80xi32, #tpu.memory_space<vmem>>, vector<16xi32>,
      %get3A_75 = arith.constant 0 : index
      %get3A_76 = tpu.vector_load %arg11[%get3A_75] {strides = array<i32>} : memref<2000xi32, #tpu.memory_space<vmem>>, vector<16xi32>,
      %swap3A_77 = arith.constant 0 : index
      %swap3A_78 = tpu.vector_load %arg13[%swap3A_77] {strides = array<i32>} : memref<80xi32, #tpu.memory_space<vmem>>, vector<16xi32>,
      tpu.vector_store %arg13[%swap3A_77], %get3A_76 {strides = array<i32>} : memref<80xi32, #tpu.memory_space<vmem>>, vector<16xi32>,
      %get3A_79 = arith.constant 16 : index
      %get3A_80 = tpu.vector_load %arg10[%get3A_79] {strides = array<i32>} : memref<2000xi32, #tpu.memory_space<vmem>>, vector<16xi32>,
      %mul3A_81 = arith.constant 2 : i32
      %mul3A_82 = vector.broadcast %mul3A_81 : i32 to vector<16xi32>
      %mul3A_83 = arith.muli %get3A_80, %mul3A_82 : vector<16xi32>
      %add3A_84 = vector.broadcast %arg0 : i32 to vector<16xi32>
      %add3A_85 = arith.addi %mul3A_83, %add3A_84 : vector<16xi32>
      %swap3A_86 = arith.constant 16 : index
      %swap3A_87 = tpu.vector_load %arg12[%swap3A_86] {strides = array<i32>} : memref<80xi32, #tpu.memory_space<vmem>>, vector<16xi32>,
      tpu.vector_store %arg12[%swap3A_86], %add3A_85 {strides = array<i32>} : memref<80xi32, #tpu.memory_space<vmem>>, vector<16xi32>,
      %get3A_88 = arith.constant 16 : index
      %get3A_89 = tpu.vector_load %arg11[%get3A_88] {strides = array<i32>} : memref<2000xi32, #tpu.memory_space<vmem>>, vector<16xi32>,
      %swap3A_90 = arith.constant 16 : index
      %swap3A_91 = tpu.vector_load %arg13[%swap3A_90] {strides = array<i32>} : memref<80xi32, #tpu.memory_space<vmem>>, vector<16xi32>,
      tpu.vector_store %arg13[%swap3A_90], %get3A_89 {strides = array<i32>} : memref<80xi32, #tpu.memory_space<vmem>>, vector<16xi32>,
      %get3A_92 = arith.constant 32 : index
      %get3A_93 = tpu.vector_load %arg10[%get3A_92] {strides = array<i32>} : memref<2000xi32, #tpu.memory_space<vmem>>, vector<16xi32>,
      %mul3A_94 = arith.constant 2 : i32
      %mul3A_95 = vector.broadcast %mul3A_94 : i32 to vector<16xi32>
      %mul3A_96 = arith.muli %get3A_93, %mul3A_95 : vector<16xi32>
      %add3A_97 = vector.broadcast %arg0 : i32 to vector<16xi32>
      %add3A_98 = arith.addi %mul3A_96, %add3A_97 : vector<16xi32>
      %swap3A_99 = arith.constant 32 : index
      %swap3A_100 = tpu.vector_load %arg12[%swap3A_99] {strides = array<i32>} : memref<80xi32, #tpu.memory_space<vmem>>, vector<16xi32>,
      tpu.vector_store %arg12[%swap3A_99], %add3A_98 {strides = array<i32>} : memref<80xi32, #tpu.memory_space<vmem>>, vector<16xi32>,
      %get3A_101 = arith.constant 32 : index
      %get3A_102 = tpu.vector_load %arg11[%get3A_101] {strides = array<i32>} : memref<2000xi32, #tpu.memory_space<vmem>>, vector<16xi32>,
      %swap3A_103 = arith.constant 32 : index
      %swap3A_104 = tpu.vector_load %arg13[%swap3A_103] {strides = array<i32>} : memref<80xi32, #tpu.memory_space<vmem>>, vector<16xi32>,
      tpu.vector_store %arg13[%swap3A_103], %get3A_102 {strides = array<i32>} : memref<80xi32, #tpu.memory_space<vmem>>, vector<16xi32>,
      %get3A_105 = arith.constant 48 : index
      %get3A_106 = tpu.vector_load %arg10[%get3A_105] {strides = array<i32>} : memref<2000xi32, #tpu.memory_space<vmem>>, vector<16xi32>,
      %mul3A_107 = arith.constant 2 : i32
      %mul3A_108 = vector.broadcast %mul3A_107 : i32 to vector<16xi32>
      %mul3A_109 = arith.muli %get3A_106, %mul3A_108 : vector<16xi32>
      %add3A_110 = vector.broadcast %arg0 : i32 to vector<16xi32>
      %add3A_111 = arith.addi %mul3A_109, %add3A_110 : vector<16xi32>
      %swap3A_112 = arith.constant 48 : index
      %swap3A_113 = tpu.vector_load %arg12[%swap3A_112] {strides = array<i32>} : memref<80xi32, #tpu.memory_space<vmem>>, vector<16xi32>,
      tpu.vector_store %arg12[%swap3A_112], %add3A_111 {strides = array<i32>} : memref<80xi32, #tpu.memory_space<vmem>>, vector<16xi32>,
      %get3A_114 = arith.constant 48 : index
      %get3A_115 = tpu.vector_load %arg11[%get3A_114] {strides = array<i32>} : memref<2000xi32, #tpu.memory_space<vmem>>, vector<16xi32>,
      %swap3A_116 = arith.constant 48 : index
      %swap3A_117 = tpu.vector_load %arg13[%swap3A_116] {strides = array<i32>} : memref<80xi32, #tpu.memory_space<vmem>>, vector<16xi32>,
      tpu.vector_store %arg13[%swap3A_116], %get3A_115 {strides = array<i32>} : memref<80xi32, #tpu.memory_space<vmem>>, vector<16xi32>,
      %get3A_118 = arith.constant 64 : index
      %get3A_119 = tpu.vector_load %arg10[%get3A_118] {strides = array<i32>} : memref<2000xi32, #tpu.memory_space<vmem>>, vector<16xi32>,
      %mul3A_120 = arith.constant 2 : i32
      %mul3A_121 = vector.broadcast %mul3A_120 : i32 to vector<16xi32>
      %mul3A_122 = arith.muli %get3A_119, %mul3A_121 : vector<16xi32>
      %add3A_123 = vector.broadcast %arg0 : i32 to vector<16xi32>
      %add3A_124 = arith.addi %mul3A_122, %add3A_123 : vector<16xi32>
      %swap3A_125 = arith.constant 64 : index
      %swap3A_126 = tpu.vector_load %arg12[%swap3A_125] {strides = array<i32>} : memref<80xi32, #tpu.memory_space<vmem>>, vector<16xi32>,
      tpu.vector_store %arg12[%swap3A_125], %add3A_124 {strides = array<i32>} : memref<80xi32, #tpu.memory_space<vmem>>, vector<16xi32>,
      %get3A_127 = arith.constant 64 : index
      %get3A_128 = tpu.vector_load %arg11[%get3A_127] {strides = array<i32>} : memref<2000xi32, #tpu.memory_space<vmem>>, vector<16xi32>,
      %swap3A_129 = arith.constant 64 : index
      %swap3A_130 = tpu.vector_load %arg13[%swap3A_129] {strides = array<i32>} : memref<80xi32, #tpu.memory_space<vmem>>, vector<16xi32>,
      tpu.vector_store %arg13[%swap3A_129], %get3A_128 {strides = array<i32>} : memref<80xi32, #tpu.memory_space<vmem>>, vector<16xi32>,
      %dma_start3A = arith.constant 0 : i32
      %dma_start3A_131 = arith.constant 0 : i32
      %dma_start3A_132 = tpu.memref_slice %arg2[%dma_start3A, %dma_start3A_131] : memref<20000x64xf32, #tpu.memory_space<hbm>> -> memref<20000x64xf32, #tpu.memory_space<hbm>>
      tpu.enqueue_indirect_dma source(%dma_start3A_132 : memref<20000x64xf32, #tpu.memory_space<hbm>>) target(%arg16 : memref<80x64xf32, #tpu.memory_space<vmem>>) offsets(%arg12 : memref<80xi32, #tpu.memory_space<vmem>>) semaphore(%arg25 : memref<!tpu.dma_semaphore, #tpu.memory_space<semaphore_mem>>)
      %dma_start3A_133 = arith.constant 0 : i32
      %dma_start3A_134 = tpu.memref_slice %arg10[%dma_start3A_133] : memref<2000xi32, #tpu.memory_space<vmem>> -> memref<80xi32, #tpu.memory_space<vmem>>
      %dma_start3A_135 = arith.constant 0 : i32
      %dma_start3A_136 = tpu.memref_slice %arg3[%dma_start3A_135] : memref<10000xf32, #tpu.memory_space<hbm>> -> memref<10000xf32, #tpu.memory_space<hbm>>
      tpu.enqueue_indirect_dma source(%dma_start3A_136 : memref<10000xf32, #tpu.memory_space<hbm>>) target(%arg14 : memref<80xf32, #tpu.memory_space<vmem>>) offsets(%dma_start3A_134 : memref<80xi32, #tpu.memory_space<vmem>>) semaphore(%arg26 : memref<!tpu.dma_semaphore, #tpu.memory_space<semaphore_mem>>)
      %dma_start3A_137 = arith.constant 0 : i32
      %dma_start3A_138 = tpu.memref_slice %arg4[%dma_start3A_137] : memref<10000xf32, #tpu.memory_space<hbm>> -> memref<10000xf32, #tpu.memory_space<hbm>>
      tpu.enqueue_indirect_dma source(%dma_start3A_138 : memref<10000xf32, #tpu.memory_space<hbm>>) target(%arg15 : memref<80xf32, #tpu.memory_space<vmem>>) offsets(%arg13 : memref<80xi32, #tpu.memory_space<vmem>>) semaphore(%arg26 : memref<!tpu.dma_semaphore, #tpu.memory_space<semaphore_mem>>)
      %scan3A_139 = arith.constant 0 : i32
      %scan3A_140 = arith.constant 0 : i32
      %scan3A_141 = arith.constant 11 : i32
      %scan3A_142 = arith.addi %scan3A_140, %scan3A_141 : i32
      %scan3A_143 = arith.constant 1 : i32
      scf.for %scan3A_574 = %scan3A_140 to %scan3A_142 step %scan3A_143  : i32 {
        %mul3A_575 = arith.constant 2 : i32
        %mul3A_576 = arith.muli %mul3A_575, %scan3A_574 : i32
        %add3A_577 = arith.constant 1 : i32
        %add3A_578 = arith.addi %mul3A_576, %add3A_577 : i32
        %mul3A_579 = arith.constant 80 : i32
        %mul3A_580 = arith.muli %add3A_578, %mul3A_579 : i32
        %add3A_581 = arith.constant 0 : i32
        %add3A_582 = arith.addi %mul3A_580, %add3A_581 : i32
        %get3A_583 = arith.index_cast %add3A_582 : i32 to index
        %get3A_584 = tpu.vector_load %arg10[%get3A_583] {strides = array<i32>} : memref<2000xi32, #tpu.memory_space<vmem>>, vector<16xi32>,
        %mul3A_585 = arith.constant 2 : i32
        %mul3A_586 = vector.broadcast %mul3A_585 : i32 to vector<16xi32>
        %mul3A_587 = arith.muli %get3A_584, %mul3A_586 : vector<16xi32>
        %add3A_588 = vector.broadcast %arg0 : i32 to vector<16xi32>
        %add3A_589 = arith.addi %mul3A_587, %add3A_588 : vector<16xi32>
        %swap3A_590 = arith.constant 0 : index
        %swap3A_591 = tpu.vector_load %arg17[%swap3A_590] {strides = array<i32>} : memref<80xi32, #tpu.memory_space<vmem>>, vector<16xi32>,
        tpu.vector_store %arg17[%swap3A_590], %add3A_589 {strides = array<i32>} : memref<80xi32, #tpu.memory_space<vmem>>, vector<16xi32>,
        %add3A_592 = arith.constant 0 : i32
        %add3A_593 = arith.addi %mul3A_580, %add3A_592 : i32
        %get3A_594 = arith.index_cast %add3A_593 : i32 to index
        %get3A_595 = tpu.vector_load %arg11[%get3A_594] {strides = array<i32>} : memref<2000xi32, #tpu.memory_space<vmem>>, vector<16xi32>,
        %swap3A_596 = arith.constant 0 : index
        %swap3A_597 = tpu.vector_load %arg18[%swap3A_596] {strides = array<i32>} : memref<80xi32, #tpu.memory_space<vmem>>, vector<16xi32>,
        tpu.vector_store %arg18[%swap3A_596], %get3A_595 {strides = array<i32>} : memref<80xi32, #tpu.memory_space<vmem>>, vector<16xi32>,
        %add3A_598 = arith.constant 16 : i32
        %add3A_599 = arith.addi %mul3A_580, %add3A_598 : i32
        %get3A_600 = arith.index_cast %add3A_599 : i32 to index
        %get3A_601 = tpu.vector_load %arg10[%get3A_600] {strides = array<i32>} : memref<2000xi32, #tpu.memory_space<vmem>>, vector<16xi32>,
        %mul3A_602 = arith.constant 2 : i32
        %mul3A_603 = vector.broadcast %mul3A_602 : i32 to vector<16xi32>
        %mul3A_604 = arith.muli %get3A_601, %mul3A_603 : vector<16xi32>
        %add3A_605 = vector.broadcast %arg0 : i32 to vector<16xi32>
        %add3A_606 = arith.addi %mul3A_604, %add3A_605 : vector<16xi32>
        %swap3A_607 = arith.constant 16 : index
        %swap3A_608 = tpu.vector_load %arg17[%swap3A_607] {strides = array<i32>} : memref<80xi32, #tpu.memory_space<vmem>>, vector<16xi32>,
        tpu.vector_store %arg17[%swap3A_607], %add3A_606 {strides = array<i32>} : memref<80xi32, #tpu.memory_space<vmem>>, vector<16xi32>,
        %add3A_609 = arith.constant 16 : i32
        %add3A_610 = arith.addi %mul3A_580, %add3A_609 : i32
        %get3A_611 = arith.index_cast %add3A_610 : i32 to index
        %get3A_612 = tpu.vector_load %arg11[%get3A_611] {strides = array<i32>} : memref<2000xi32, #tpu.memory_space<vmem>>, vector<16xi32>,
        %swap3A_613 = arith.constant 16 : index
        %swap3A_614 = tpu.vector_load %arg18[%swap3A_613] {strides = array<i32>} : memref<80xi32, #tpu.memory_space<vmem>>, vector<16xi32>,
        tpu.vector_store %arg18[%swap3A_613], %get3A_612 {strides = array<i32>} : memref<80xi32, #tpu.memory_space<vmem>>, vector<16xi32>,
        %add3A_615 = arith.constant 32 : i32
        %add3A_616 = arith.addi %mul3A_580, %add3A_615 : i32
        %get3A_617 = arith.index_cast %add3A_616 : i32 to index
        %get3A_618 = tpu.vector_load %arg10[%get3A_617] {strides = array<i32>} : memref<2000xi32, #tpu.memory_space<vmem>>, vector<16xi32>,
        %mul3A_619 = arith.constant 2 : i32
        %mul3A_620 = vector.broadcast %mul3A_619 : i32 to vector<16xi32>
        %mul3A_621 = arith.muli %get3A_618, %mul3A_620 : vector<16xi32>
        %add3A_622 = vector.broadcast %arg0 : i32 to vector<16xi32>
        %add3A_623 = arith.addi %mul3A_621, %add3A_622 : vector<16xi32>
        %swap3A_624 = arith.constant 32 : index
        %swap3A_625 = tpu.vector_load %arg17[%swap3A_624] {strides = array<i32>} : memref<80xi32, #tpu.memory_space<vmem>>, vector<16xi32>,
        tpu.vector_store %arg17[%swap3A_624], %add3A_623 {strides = array<i32>} : memref<80xi32, #tpu.memory_space<vmem>>, vector<16xi32>,
        %add3A_626 = arith.constant 32 : i32
        %add3A_627 = arith.addi %mul3A_580, %add3A_626 : i32
        %get3A_628 = arith.index_cast %add3A_627 : i32 to index
        %get3A_629 = tpu.vector_load %arg11[%get3A_628] {strides = array<i32>} : memref<2000xi32, #tpu.memory_space<vmem>>, vector<16xi32>,
        %swap3A_630 = arith.constant 32 : index
        %swap3A_631 = tpu.vector_load %arg18[%swap3A_630] {strides = array<i32>} : memref<80xi32, #tpu.memory_space<vmem>>, vector<16xi32>,
        tpu.vector_store %arg18[%swap3A_630], %get3A_629 {strides = array<i32>} : memref<80xi32, #tpu.memory_space<vmem>>, vector<16xi32>,
        %add3A_632 = arith.constant 48 : i32
        %add3A_633 = arith.addi %mul3A_580, %add3A_632 : i32
        %get3A_634 = arith.index_cast %add3A_633 : i32 to index
        %get3A_635 = tpu.vector_load %arg10[%get3A_634] {strides = array<i32>} : memref<2000xi32, #tpu.memory_space<vmem>>, vector<16xi32>,
        %mul3A_636 = arith.constant 2 : i32
        %mul3A_637 = vector.broadcast %mul3A_636 : i32 to vector<16xi32>
        %mul3A_638 = arith.muli %get3A_635, %mul3A_637 : vector<16xi32>
        %add3A_639 = vector.broadcast %arg0 : i32 to vector<16xi32>
        %add3A_640 = arith.addi %mul3A_638, %add3A_639 : vector<16xi32>
        %swap3A_641 = arith.constant 48 : index
        %swap3A_642 = tpu.vector_load %arg17[%swap3A_641] {strides = array<i32>} : memref<80xi32, #tpu.memory_space<vmem>>, vector<16xi32>,
        tpu.vector_store %arg17[%swap3A_641], %add3A_640 {strides = array<i32>} : memref<80xi32, #tpu.memory_space<vmem>>, vector<16xi32>,
        %add3A_643 = arith.constant 48 : i32
        %add3A_644 = arith.addi %mul3A_580, %add3A_643 : i32
        %get3A_645 = arith.index_cast %add3A_644 : i32 to index
        %get3A_646 = tpu.vector_load %arg11[%get3A_645] {strides = array<i32>} : memref<2000xi32, #tpu.memory_space<vmem>>, vector<16xi32>,
        %swap3A_647 = arith.constant 48 : index
        %swap3A_648 = tpu.vector_load %arg18[%swap3A_647] {strides = array<i32>} : memref<80xi32, #tpu.memory_space<vmem>>, vector<16xi32>,
        tpu.vector_store %arg18[%swap3A_647], %get3A_646 {strides = array<i32>} : memref<80xi32, #tpu.memory_space<vmem>>, vector<16xi32>,
        %add3A_649 = arith.constant 64 : i32
        %add3A_650 = arith.addi %mul3A_580, %add3A_649 : i32
        %get3A_651 = arith.index_cast %add3A_650 : i32 to index
        %get3A_652 = tpu.vector_load %arg10[%get3A_651] {strides = array<i32>} : memref<2000xi32, #tpu.memory_space<vmem>>, vector<16xi32>,
        %mul3A_653 = arith.constant 2 : i32
        %mul3A_654 = vector.broadcast %mul3A_653 : i32 to vector<16xi32>
        %mul3A_655 = arith.muli %get3A_652, %mul3A_654 : vector<16xi32>
        %add3A_656 = vector.broadcast %arg0 : i32 to vector<16xi32>
        %add3A_657 = arith.addi %mul3A_655, %add3A_656 : vector<16xi32>
        %swap3A_658 = arith.constant 64 : index
        %swap3A_659 = tpu.vector_load %arg17[%swap3A_658] {strides = array<i32>} : memref<80xi32, #tpu.memory_space<vmem>>, vector<16xi32>,
        tpu.vector_store %arg17[%swap3A_658], %add3A_657 {strides = array<i32>} : memref<80xi32, #tpu.memory_space<vmem>>, vector<16xi32>,
        %add3A_660 = arith.constant 64 : i32
        %add3A_661 = arith.addi %mul3A_580, %add3A_660 : i32
        %get3A_662 = arith.index_cast %add3A_661 : i32 to index
        %get3A_663 = tpu.vector_load %arg11[%get3A_662] {strides = array<i32>} : memref<2000xi32, #tpu.memory_space<vmem>>, vector<16xi32>,
        %swap3A_664 = arith.constant 64 : index
        %swap3A_665 = tpu.vector_load %arg18[%swap3A_664] {strides = array<i32>} : memref<80xi32, #tpu.memory_space<vmem>>, vector<16xi32>,
        tpu.vector_store %arg18[%swap3A_664], %get3A_663 {strides = array<i32>} : memref<80xi32, #tpu.memory_space<vmem>>, vector<16xi32>,
        %dma_start3A_666 = arith.constant 0 : i32
        %dma_start3A_667 = arith.constant 0 : i32
        %dma_start3A_668 = tpu.memref_slice %arg2[%dma_start3A_666, %dma_start3A_667] : memref<20000x64xf32, #tpu.memory_space<hbm>> -> memref<20000x64xf32, #tpu.memory_space<hbm>>
        tpu.enqueue_indirect_dma source(%dma_start3A_668 : memref<20000x64xf32, #tpu.memory_space<hbm>>) target(%arg21 : memref<80x64xf32, #tpu.memory_space<vmem>>) offsets(%arg17 : memref<80xi32, #tpu.memory_space<vmem>>) semaphore(%arg27 : memref<!tpu.dma_semaphore, #tpu.memory_space<semaphore_mem>>)
        %dma_start3A_669 = tpu.memref_slice %arg10[%mul3A_580] : memref<2000xi32, #tpu.memory_space<vmem>> -> memref<80xi32, #tpu.memory_space<vmem>>
        %dma_start3A_670 = arith.constant 0 : i32
        %dma_start3A_671 = tpu.memref_slice %arg3[%dma_start3A_670] : memref<10000xf32, #tpu.memory_space<hbm>> -> memref<10000xf32, #tpu.memory_space<hbm>>
        tpu.enqueue_indirect_dma source(%dma_start3A_671 : memref<10000xf32, #tpu.memory_space<hbm>>) target(%arg19 : memref<80xf32, #tpu.memory_space<vmem>>) offsets(%dma_start3A_669 : memref<80xi32, #tpu.memory_space<vmem>>) semaphore(%arg28 : memref<!tpu.dma_semaphore, #tpu.memory_space<semaphore_mem>>)
        %dma_start3A_672 = arith.constant 0 : i32
        %dma_start3A_673 = tpu.memref_slice %arg4[%dma_start3A_672] : memref<10000xf32, #tpu.memory_space<hbm>> -> memref<10000xf32, #tpu.memory_space<hbm>>
        tpu.enqueue_indirect_dma source(%dma_start3A_673 : memref<10000xf32, #tpu.memory_space<hbm>>) target(%arg20 : memref<80xf32, #tpu.memory_space<vmem>>) offsets(%arg18 : memref<80xi32, #tpu.memory_space<vmem>>) semaphore(%arg28 : memref<!tpu.dma_semaphore, #tpu.memory_space<semaphore_mem>>)
        %mul3A_674 = arith.constant 2 : i32
        %mul3A_675 = arith.muli %mul3A_674, %scan3A_574 : i32
        %dma_wait3A_676 = arith.constant 0 : i32
        %dma_wait3A_677 = tpu.memref_slice %arg10[%dma_wait3A_676] : memref<2000xi32, #tpu.memory_space<vmem>> -> memref<80xi32, #tpu.memory_space<vmem>>
        %dma_wait3A_678 = arith.constant 0 : i32
        %dma_wait3A_679 = tpu.memref_slice %arg3[%dma_wait3A_678] : memref<10000xf32, #tpu.memory_space<hbm>> -> memref<10000xf32, #tpu.memory_space<hbm>>
        tpu.wait_indirect_dma semaphore(%arg26 : memref<!tpu.dma_semaphore, #tpu.memory_space<semaphore_mem>>) src(%dma_wait3A_679 : memref<10000xf32, #tpu.memory_space<hbm>>) dst(%arg14 : memref<80xf32, #tpu.memory_space<vmem>>)
        %dma_wait3A_680 = arith.constant 0 : i32
        %dma_wait3A_681 = tpu.memref_slice %arg4[%dma_wait3A_680] : memref<10000xf32, #tpu.memory_space<hbm>> -> memref<10000xf32, #tpu.memory_space<hbm>>
        tpu.wait_indirect_dma semaphore(%arg26 : memref<!tpu.dma_semaphore, #tpu.memory_space<semaphore_mem>>) src(%dma_wait3A_681 : memref<10000xf32, #tpu.memory_space<hbm>>) dst(%arg15 : memref<80xf32, #tpu.memory_space<vmem>>)
        %get3A_682 = arith.constant 0 : index
        %get3A_683 = tpu.vector_load %arg14[%get3A_682] {strides = array<i32>} : memref<80xf32, #tpu.memory_space<vmem>>, vector<16xf32>,
        %get3A_684 = arith.constant 0 : index
        %get3A_685 = tpu.vector_load %arg15[%get3A_684] {strides = array<i32>} : memref<80xf32, #tpu.memory_space<vmem>>, vector<16xf32>,
        %add3A_686 = arith.addf %get3A_683, %get3A_685 : vector<16xf32>
        %ge3A_687 = arith.constant 0.000000e+00 : f32
        %ge3A_688 = vector.broadcast %ge3A_687 : f32 to vector<16xf32>
        %ge3A_689 = arith.cmpf oge, %add3A_686, %ge3A_688 : vector<16xf32>
        %mul3A_690 = arith.constant 2.000000e-01 : f32
        %mul3A_691 = vector.broadcast %mul3A_690 : f32 to vector<16xf32>
        %mul3A_692 = arith.mulf %mul3A_691, %add3A_686 : vector<16xf32>
        %select_n3A_693 = arith.select %ge3A_689, %add3A_686, %mul3A_692 : vector<16xi1>, vector<16xf32>
        %exp3A_694 = math.exp %select_n3A_693 : vector<16xf32>
        %swap3A_695 = arith.constant 0 : index
        %swap3A_696 = tpu.vector_load %arg22[%swap3A_695] {strides = array<i32>} : memref<80xf32, #tpu.memory_space<vmem>>, vector<16xf32>,
        tpu.vector_store %arg22[%swap3A_695], %exp3A_694 {strides = array<i32>} : memref<80xf32, #tpu.memory_space<vmem>>, vector<16xf32>,
        %get3A_697 = arith.constant 16 : index
        %get3A_698 = tpu.vector_load %arg14[%get3A_697] {strides = array<i32>} : memref<80xf32, #tpu.memory_space<vmem>>, vector<16xf32>,
        %get3A_699 = arith.constant 16 : index
        %get3A_700 = tpu.vector_load %arg15[%get3A_699] {strides = array<i32>} : memref<80xf32, #tpu.memory_space<vmem>>, vector<16xf32>,
        %add3A_701 = arith.addf %get3A_698, %get3A_700 : vector<16xf32>
        %ge3A_702 = arith.constant 0.000000e+00 : f32
        %ge3A_703 = vector.broadcast %ge3A_702 : f32 to vector<16xf32>
        %ge3A_704 = arith.cmpf oge, %add3A_701, %ge3A_703 : vector<16xf32>
        %mul3A_705 = arith.constant 2.000000e-01 : f32
        %mul3A_706 = vector.broadcast %mul3A_705 : f32 to vector<16xf32>
        %mul3A_707 = arith.mulf %mul3A_706, %add3A_701 : vector<16xf32>
        %select_n3A_708 = arith.select %ge3A_704, %add3A_701, %mul3A_707 : vector<16xi1>, vector<16xf32>
        %exp3A_709 = math.exp %select_n3A_708 : vector<16xf32>
        %swap3A_710 = arith.constant 16 : index
        %swap3A_711 = tpu.vector_load %arg22[%swap3A_710] {strides = array<i32>} : memref<80xf32, #tpu.memory_space<vmem>>, vector<16xf32>,
        tpu.vector_store %arg22[%swap3A_710], %exp3A_709 {strides = array<i32>} : memref<80xf32, #tpu.memory_space<vmem>>, vector<16xf32>,
        %get3A_712 = arith.constant 32 : index
        %get3A_713 = tpu.vector_load %arg14[%get3A_712] {strides = array<i32>} : memref<80xf32, #tpu.memory_space<vmem>>, vector<16xf32>,
        %get3A_714 = arith.constant 32 : index
        %get3A_715 = tpu.vector_load %arg15[%get3A_714] {strides = array<i32>} : memref<80xf32, #tpu.memory_space<vmem>>, vector<16xf32>,
        %add3A_716 = arith.addf %get3A_713, %get3A_715 : vector<16xf32>
        %ge3A_717 = arith.constant 0.000000e+00 : f32
        %ge3A_718 = vector.broadcast %ge3A_717 : f32 to vector<16xf32>
        %ge3A_719 = arith.cmpf oge, %add3A_716, %ge3A_718 : vector<16xf32>
        %mul3A_720 = arith.constant 2.000000e-01 : f32
        %mul3A_721 = vector.broadcast %mul3A_720 : f32 to vector<16xf32>
        %mul3A_722 = arith.mulf %mul3A_721, %add3A_716 : vector<16xf32>
        %select_n3A_723 = arith.select %ge3A_719, %add3A_716, %mul3A_722 : vector<16xi1>, vector<16xf32>
        %exp3A_724 = math.exp %select_n3A_723 : vector<16xf32>
        %swap3A_725 = arith.constant 32 : index
        %swap3A_726 = tpu.vector_load %arg22[%swap3A_725] {strides = array<i32>} : memref<80xf32, #tpu.memory_space<vmem>>, vector<16xf32>,
        tpu.vector_store %arg22[%swap3A_725], %exp3A_724 {strides = array<i32>} : memref<80xf32, #tpu.memory_space<vmem>>, vector<16xf32>,
        %get3A_727 = arith.constant 48 : index
        %get3A_728 = tpu.vector_load %arg14[%get3A_727] {strides = array<i32>} : memref<80xf32, #tpu.memory_space<vmem>>, vector<16xf32>,
        %get3A_729 = arith.constant 48 : index
        %get3A_730 = tpu.vector_load %arg15[%get3A_729] {strides = array<i32>} : memref<80xf32, #tpu.memory_space<vmem>>, vector<16xf32>,
        %add3A_731 = arith.addf %get3A_728, %get3A_730 : vector<16xf32>
        %ge3A_732 = arith.constant 0.000000e+00 : f32
        %ge3A_733 = vector.broadcast %ge3A_732 : f32 to vector<16xf32>
        %ge3A_734 = arith.cmpf oge, %add3A_731, %ge3A_733 : vector<16xf32>
        %mul3A_735 = arith.constant 2.000000e-01 : f32
        %mul3A_736 = vector.broadcast %mul3A_735 : f32 to vector<16xf32>
        %mul3A_737 = arith.mulf %mul3A_736, %add3A_731 : vector<16xf32>
        %select_n3A_738 = arith.select %ge3A_734, %add3A_731, %mul3A_737 : vector<16xi1>, vector<16xf32>
        %exp3A_739 = math.exp %select_n3A_738 : vector<16xf32>
        %swap3A_740 = arith.constant 48 : index
        %swap3A_741 = tpu.vector_load %arg22[%swap3A_740] {strides = array<i32>} : memref<80xf32, #tpu.memory_space<vmem>>, vector<16xf32>,
        tpu.vector_store %arg22[%swap3A_740], %exp3A_739 {strides = array<i32>} : memref<80xf32, #tpu.memory_space<vmem>>, vector<16xf32>,
        %get3A_742 = arith.constant 64 : index
        %get3A_743 = tpu.vector_load %arg14[%get3A_742] {strides = array<i32>} : memref<80xf32, #tpu.memory_space<vmem>>, vector<16xf32>,
        %get3A_744 = arith.constant 64 : index
        %get3A_745 = tpu.vector_load %arg15[%get3A_744] {strides = array<i32>} : memref<80xf32, #tpu.memory_space<vmem>>, vector<16xf32>,
        %add3A_746 = arith.addf %get3A_743, %get3A_745 : vector<16xf32>
        %ge3A_747 = arith.constant 0.000000e+00 : f32
        %ge3A_748 = vector.broadcast %ge3A_747 : f32 to vector<16xf32>
        %ge3A_749 = arith.cmpf oge, %add3A_746, %ge3A_748 : vector<16xf32>
        %mul3A_750 = arith.constant 2.000000e-01 : f32
        %mul3A_751 = vector.broadcast %mul3A_750 : f32 to vector<16xf32>
        %mul3A_752 = arith.mulf %mul3A_751, %add3A_746 : vector<16xf32>
        %select_n3A_753 = arith.select %ge3A_749, %add3A_746, %mul3A_752 : vector<16xi1>, vector<16xf32>
        %exp3A_754 = math.exp %select_n3A_753 : vector<16xf32>
        %swap3A_755 = arith.constant 64 : index
        %swap3A_756 = tpu.vector_load %arg22[%swap3A_755] {strides = array<i32>} : memref<80xf32, #tpu.memory_space<vmem>>, vector<16xf32>,
        tpu.vector_store %arg22[%swap3A_755], %exp3A_754 {strides = array<i32>} : memref<80xf32, #tpu.memory_space<vmem>>, vector<16xf32>,
        %dma_wait3A_757 = arith.constant 0 : i32
        %dma_wait3A_758 = arith.constant 0 : i32
        %dma_wait3A_759 = tpu.memref_slice %arg2[%dma_wait3A_757, %dma_wait3A_758] : memref<20000x64xf32, #tpu.memory_space<hbm>> -> memref<20000x64xf32, #tpu.memory_space<hbm>>
        tpu.wait_indirect_dma semaphore(%arg25 : memref<!tpu.dma_semaphore, #tpu.memory_space<semaphore_mem>>) src(%dma_wait3A_759 : memref<20000x64xf32, #tpu.memory_space<hbm>>) dst(%arg16 : memref<80x64xf32, #tpu.memory_space<vmem>>)
        %scan3A_760 = arith.constant 0 : i32
        %scan3A_761 = arith.constant 0 : i32
        %scan3A_762 = arith.constant 80 : i32
        %scan3A_763 = arith.addi %scan3A_761, %scan3A_762 : i32
        %scan3A_764 = arith.constant 1 : i32
        scf.for %scan3A_969 = %scan3A_761 to %scan3A_763 step %scan3A_764  : i32 {
          %broadcast_in_dim3A_970 = vector.broadcast %scan3A_969 : i32 to vector<16xi32>
          %gather3A = tpu.vector_load_idx %arg22[%broadcast_in_dim3A_970] : memref<80xf32, #tpu.memory_space<vmem>>[vector<16xi32>], vector<16xf32>,
          %get3A_971 = arith.index_cast %scan3A_969 : i32 to index
          %get3A_972 = arith.constant 0 : index
          %get3A_973 = tpu.vector_load %arg16[%get3A_971, %get3A_972] {strides = array<i32>} : memref<80x64xf32, #tpu.memory_space<vmem>>, vector<16xf32>,
          %mul3A_974 = arith.mulf %get3A_973, %gather3A : vector<16xf32>
          %swap3A_975 = arith.index_cast %scan3A_969 : i32 to index
          %swap3A_976 = arith.constant 0 : index
          %swap3A_977 = tpu.vector_load %arg16[%swap3A_975, %swap3A_976] {strides = array<i32>} : memref<80x64xf32, #tpu.memory_space<vmem>>, vector<16xf32>,
          tpu.vector_store %arg16[%swap3A_975, %swap3A_976], %mul3A_974 {strides = array<i32>} : memref<80x64xf32, #tpu.memory_space<vmem>>, vector<16xf32>,
          %get3A_978 = arith.index_cast %scan3A_969 : i32 to index
          %get3A_979 = arith.constant 16 : index
          %get3A_980 = tpu.vector_load %arg16[%get3A_978, %get3A_979] {strides = array<i32>} : memref<80x64xf32, #tpu.memory_space<vmem>>, vector<16xf32>,
          %mul3A_981 = arith.mulf %get3A_980, %gather3A : vector<16xf32>
          %swap3A_982 = arith.index_cast %scan3A_969 : i32 to index
          %swap3A_983 = arith.constant 16 : index
          %swap3A_984 = tpu.vector_load %arg16[%swap3A_982, %swap3A_983] {strides = array<i32>} : memref<80x64xf32, #tpu.memory_space<vmem>>, vector<16xf32>,
          tpu.vector_store %arg16[%swap3A_982, %swap3A_983], %mul3A_981 {strides = array<i32>} : memref<80x64xf32, #tpu.memory_space<vmem>>, vector<16xf32>,
          %get3A_985 = arith.index_cast %scan3A_969 : i32 to index
          %get3A_986 = arith.constant 32 : index
          %get3A_987 = tpu.vector_load %arg16[%get3A_985, %get3A_986] {strides = array<i32>} : memref<80x64xf32, #tpu.memory_space<vmem>>, vector<16xf32>,
          %mul3A_988 = arith.mulf %get3A_987, %gather3A : vector<16xf32>
          %swap3A_989 = arith.index_cast %scan3A_969 : i32 to index
          %swap3A_990 = arith.constant 32 : index
          %swap3A_991 = tpu.vector_load %arg16[%swap3A_989, %swap3A_990] {strides = array<i32>} : memref<80x64xf32, #tpu.memory_space<vmem>>, vector<16xf32>,
          tpu.vector_store %arg16[%swap3A_989, %swap3A_990], %mul3A_988 {strides = array<i32>} : memref<80x64xf32, #tpu.memory_space<vmem>>, vector<16xf32>,
          %get3A_992 = arith.index_cast %scan3A_969 : i32 to index
          %get3A_993 = arith.constant 48 : index
          %get3A_994 = tpu.vector_load %arg16[%get3A_992, %get3A_993] {strides = array<i32>} : memref<80x64xf32, #tpu.memory_space<vmem>>, vector<16xf32>,
          %mul3A_995 = arith.mulf %get3A_994, %gather3A : vector<16xf32>
          %swap3A_996 = arith.index_cast %scan3A_969 : i32 to index
          %swap3A_997 = arith.constant 48 : index
          %swap3A_998 = tpu.vector_load %arg16[%swap3A_996, %swap3A_997] {strides = array<i32>} : memref<80x64xf32, #tpu.memory_space<vmem>>, vector<16xf32>,
          tpu.vector_store %arg16[%swap3A_996, %swap3A_997], %mul3A_995 {strides = array<i32>} : memref<80x64xf32, #tpu.memory_space<vmem>>, vector<16xf32>,
        }
        %scan3A_765 = arith.constant 80 : i32
        %eq3A_766 = arith.constant 0 : i32
        %eq3A_767 = arith.cmpi eq, %arg0, %eq3A_766 : i32
        %convert_element_type3A_768 = arith.extui %eq3A_767 : i1 to i32
        %cond3A_769 = arith.constant 0 : i32
        %cond3A_770 = arith.cmpi ne, %convert_element_type3A_768, %cond3A_769 : i32
        scf.if %cond3A_770 {
          "tpu.region"() ({
            %run_scoped3A = tpu.sem_alloc : memref<!tpu.dma_semaphore, #tpu.memory_space<semaphore_mem>>
            %dma_start3A_969 = arith.constant 0 : i32
            %dma_start3A_970 = tpu.memref_slice %arg24[%dma_start3A_969] : memref<10000xf32, #tpu.memory_space<vmem_shared>> -> memref<10000xf32, #tpu.memory_space<vmem_shared>>
            tpu.enqueue_indirect_dma source(%arg22 : memref<80xf32, #tpu.memory_space<vmem>>) target(%dma_start3A_970 : memref<10000xf32, #tpu.memory_space<vmem_shared>>) offsets(%arg13 : memref<80xi32, #tpu.memory_space<vmem>>) semaphore(%run_scoped3A : memref<!tpu.dma_semaphore, #tpu.memory_space<semaphore_mem>>) {add = true}
            %dma_wait3A_971 = arith.constant 0 : i32
            %dma_wait3A_972 = tpu.memref_slice %arg24[%dma_wait3A_971] : memref<10000xf32, #tpu.memory_space<vmem_shared>> -> memref<10000xf32, #tpu.memory_space<vmem_shared>>
            tpu.wait_indirect_dma semaphore(%run_scoped3A : memref<!tpu.dma_semaphore, #tpu.memory_space<semaphore_mem>>) src(%arg22 : memref<80xf32, #tpu.memory_space<vmem>>) dst(%dma_wait3A_972 : memref<10000xf32, #tpu.memory_space<vmem_shared>>)
            tpu.yield
          }) : () -> ()
        } else {
        }
        "tpu.region"() ({
          %run_scoped3A = tpu.sem_alloc : memref<!tpu.dma_semaphore, #tpu.memory_space<semaphore_mem>>
          %dma_start3A_969 = arith.constant 0 : i32
          %dma_start3A_970 = arith.constant 0 : i32
          %dma_start3A_971 = tpu.memref_slice %arg23[%dma_start3A_969, %dma_start3A_970] : memref<10000x64xf32, #tpu.memory_space<vmem_shared>> -> memref<10000x64xf32, #tpu.memory_space<vmem_shared>>
          tpu.enqueue_indirect_dma source(%arg16 : memref<80x64xf32, #tpu.memory_space<vmem>>) target(%dma_start3A_971 : memref<10000x64xf32, #tpu.memory_space<vmem_shared>>) offsets(%arg13 : memref<80xi32, #tpu.memory_space<vmem>>) semaphore(%run_scoped3A : memref<!tpu.dma_semaphore, #tpu.memory_space<semaphore_mem>>) {add = true}
          %dma_wait3A_972 = arith.constant 0 : i32
          %dma_wait3A_973 = arith.constant 0 : i32
          %dma_wait3A_974 = tpu.memref_slice %arg23[%dma_wait3A_972, %dma_wait3A_973] : memref<10000x64xf32, #tpu.memory_space<vmem_shared>> -> memref<10000x64xf32, #tpu.memory_space<vmem_shared>>
          tpu.wait_indirect_dma semaphore(%run_scoped3A : memref<!tpu.dma_semaphore, #tpu.memory_space<semaphore_mem>>) src(%arg16 : memref<80x64xf32, #tpu.memory_space<vmem>>) dst(%dma_wait3A_974 : memref<10000x64xf32, #tpu.memory_space<vmem_shared>>)
          tpu.yield
        }) : () -> ()
        %mul3A_771 = arith.constant 2 : i32
        %mul3A_772 = arith.muli %mul3A_771, %scan3A_574 : i32
        %add3A_773 = arith.constant 2 : i32
        %add3A_774 = arith.addi %mul3A_772, %add3A_773 : i32
        %mul3A_775 = arith.constant 80 : i32
        %mul3A_776 = arith.muli %add3A_774, %mul3A_775 : i32
        %add3A_777 = arith.constant 0 : i32
        %add3A_778 = arith.addi %mul3A_776, %add3A_777 : i32
        %get3A_779 = arith.index_cast %add3A_778 : i32 to index
        %get3A_780 = tpu.vector_load %arg10[%get3A_779] {strides = array<i32>} : memref<2000xi32, #tpu.memory_space<vmem>>, vector<16xi32>,
        %mul3A_781 = arith.constant 2 : i32
        %mul3A_782 = vector.broadcast %mul3A_781 : i32 to vector<16xi32>
        %mul3A_783 = arith.muli %get3A_780, %mul3A_782 : vector<16xi32>
        %add3A_784 = vector.broadcast %arg0 : i32 to vector<16xi32>
        %add3A_785 = arith.addi %mul3A_783, %add3A_784 : vector<16xi32>
        %swap3A_786 = arith.constant 0 : index
        %swap3A_787 = tpu.vector_load %arg12[%swap3A_786] {strides = array<i32>} : memref<80xi32, #tpu.memory_space<vmem>>, vector<16xi32>,
        tpu.vector_store %arg12[%swap3A_786], %add3A_785 {strides = array<i32>} : memref<80xi32, #tpu.memory_space<vmem>>, vector<16xi32>,
        %add3A_788 = arith.constant 0 : i32
        %add3A_789 = arith.addi %mul3A_776, %add3A_788 : i32
        %get3A_790 = arith.index_cast %add3A_789 : i32 to index
        %get3A_791 = tpu.vector_load %arg11[%get3A_790] {strides = array<i32>} : memref<2000xi32, #tpu.memory_space<vmem>>, vector<16xi32>,
        %swap3A_792 = arith.constant 0 : index
        %swap3A_793 = tpu.vector_load %arg13[%swap3A_792] {strides = array<i32>} : memref<80xi32, #tpu.memory_space<vmem>>, vector<16xi32>,
        tpu.vector_store %arg13[%swap3A_792], %get3A_791 {strides = array<i32>} : memref<80xi32, #tpu.memory_space<vmem>>, vector<16xi32>,
        %add3A_794 = arith.constant 16 : i32
        %add3A_795 = arith.addi %mul3A_776, %add3A_794 : i32
        %get3A_796 = arith.index_cast %add3A_795 : i32 to index
        %get3A_797 = tpu.vector_load %arg10[%get3A_796] {strides = array<i32>} : memref<2000xi32, #tpu.memory_space<vmem>>, vector<16xi32>,
        %mul3A_798 = arith.constant 2 : i32
        %mul3A_799 = vector.broadcast %mul3A_798 : i32 to vector<16xi32>
        %mul3A_800 = arith.muli %get3A_797, %mul3A_799 : vector<16xi32>
        %add3A_801 = vector.broadcast %arg0 : i32 to vector<16xi32>
        %add3A_802 = arith.addi %mul3A_800, %add3A_801 : vector<16xi32>
        %swap3A_803 = arith.constant 16 : index
        %swap3A_804 = tpu.vector_load %arg12[%swap3A_803] {strides = array<i32>} : memref<80xi32, #tpu.memory_space<vmem>>, vector<16xi32>,
        tpu.vector_store %arg12[%swap3A_803], %add3A_802 {strides = array<i32>} : memref<80xi32, #tpu.memory_space<vmem>>, vector<16xi32>,
        %add3A_805 = arith.constant 16 : i32
        %add3A_806 = arith.addi %mul3A_776, %add3A_805 : i32
        %get3A_807 = arith.index_cast %add3A_806 : i32 to index
        %get3A_808 = tpu.vector_load %arg11[%get3A_807] {strides = array<i32>} : memref<2000xi32, #tpu.memory_space<vmem>>, vector<16xi32>,
        %swap3A_809 = arith.constant 16 : index
        %swap3A_810 = tpu.vector_load %arg13[%swap3A_809] {strides = array<i32>} : memref<80xi32, #tpu.memory_space<vmem>>, vector<16xi32>,
        tpu.vector_store %arg13[%swap3A_809], %get3A_808 {strides = array<i32>} : memref<80xi32, #tpu.memory_space<vmem>>, vector<16xi32>,
        %add3A_811 = arith.constant 32 : i32
        %add3A_812 = arith.addi %mul3A_776, %add3A_811 : i32
        %get3A_813 = arith.index_cast %add3A_812 : i32 to index
        %get3A_814 = tpu.vector_load %arg10[%get3A_813] {strides = array<i32>} : memref<2000xi32, #tpu.memory_space<vmem>>, vector<16xi32>,
        %mul3A_815 = arith.constant 2 : i32
        %mul3A_816 = vector.broadcast %mul3A_815 : i32 to vector<16xi32>
        %mul3A_817 = arith.muli %get3A_814, %mul3A_816 : vector<16xi32>
        %add3A_818 = vector.broadcast %arg0 : i32 to vector<16xi32>
        %add3A_819 = arith.addi %mul3A_817, %add3A_818 : vector<16xi32>
        %swap3A_820 = arith.constant 32 : index
        %swap3A_821 = tpu.vector_load %arg12[%swap3A_820] {strides = array<i32>} : memref<80xi32, #tpu.memory_space<vmem>>, vector<16xi32>,
        tpu.vector_store %arg12[%swap3A_820], %add3A_819 {strides = array<i32>} : memref<80xi32, #tpu.memory_space<vmem>>, vector<16xi32>,
        %add3A_822 = arith.constant 32 : i32
        %add3A_823 = arith.addi %mul3A_776, %add3A_822 : i32
        %get3A_824 = arith.index_cast %add3A_823 : i32 to index
        %get3A_825 = tpu.vector_load %arg11[%get3A_824] {strides = array<i32>} : memref<2000xi32, #tpu.memory_space<vmem>>, vector<16xi32>,
        %swap3A_826 = arith.constant 32 : index
        %swap3A_827 = tpu.vector_load %arg13[%swap3A_826] {strides = array<i32>} : memref<80xi32, #tpu.memory_space<vmem>>, vector<16xi32>,
        tpu.vector_store %arg13[%swap3A_826], %get3A_825 {strides = array<i32>} : memref<80xi32, #tpu.memory_space<vmem>>, vector<16xi32>,
        %add3A_828 = arith.constant 48 : i32
        %add3A_829 = arith.addi %mul3A_776, %add3A_828 : i32
        %get3A_830 = arith.index_cast %add3A_829 : i32 to index
        %get3A_831 = tpu.vector_load %arg10[%get3A_830] {strides = array<i32>} : memref<2000xi32, #tpu.memory_space<vmem>>, vector<16xi32>,
        %mul3A_832 = arith.constant 2 : i32
        %mul3A_833 = vector.broadcast %mul3A_832 : i32 to vector<16xi32>
        %mul3A_834 = arith.muli %get3A_831, %mul3A_833 : vector<16xi32>
        %add3A_835 = vector.broadcast %arg0 : i32 to vector<16xi32>
        %add3A_836 = arith.addi %mul3A_834, %add3A_835 : vector<16xi32>
        %swap3A_837 = arith.constant 48 : index
        %swap3A_838 = tpu.vector_load %arg12[%swap3A_837] {strides = array<i32>} : memref<80xi32, #tpu.memory_space<vmem>>, vector<16xi32>,
        tpu.vector_store %arg12[%swap3A_837], %add3A_836 {strides = array<i32>} : memref<80xi32, #tpu.memory_space<vmem>>, vector<16xi32>,
        %add3A_839 = arith.constant 48 : i32
        %add3A_840 = arith.addi %mul3A_776, %add3A_839 : i32
        %get3A_841 = arith.index_cast %add3A_840 : i32 to index
        %get3A_842 = tpu.vector_load %arg11[%get3A_841] {strides = array<i32>} : memref<2000xi32, #tpu.memory_space<vmem>>, vector<16xi32>,
        %swap3A_843 = arith.constant 48 : index
        %swap3A_844 = tpu.vector_load %arg13[%swap3A_843] {strides = array<i32>} : memref<80xi32, #tpu.memory_space<vmem>>, vector<16xi32>,
        tpu.vector_store %arg13[%swap3A_843], %get3A_842 {strides = array<i32>} : memref<80xi32, #tpu.memory_space<vmem>>, vector<16xi32>,
        %add3A_845 = arith.constant 64 : i32
        %add3A_846 = arith.addi %mul3A_776, %add3A_845 : i32
        %get3A_847 = arith.index_cast %add3A_846 : i32 to index
        %get3A_848 = tpu.vector_load %arg10[%get3A_847] {strides = array<i32>} : memref<2000xi32, #tpu.memory_space<vmem>>, vector<16xi32>,
        %mul3A_849 = arith.constant 2 : i32
        %mul3A_850 = vector.broadcast %mul3A_849 : i32 to vector<16xi32>
        %mul3A_851 = arith.muli %get3A_848, %mul3A_850 : vector<16xi32>
        %add3A_852 = vector.broadcast %arg0 : i32 to vector<16xi32>
        %add3A_853 = arith.addi %mul3A_851, %add3A_852 : vector<16xi32>
        %swap3A_854 = arith.constant 64 : index
        %swap3A_855 = tpu.vector_load %arg12[%swap3A_854] {strides = array<i32>} : memref<80xi32, #tpu.memory_space<vmem>>, vector<16xi32>,
        tpu.vector_store %arg12[%swap3A_854], %add3A_853 {strides = array<i32>} : memref<80xi32, #tpu.memory_space<vmem>>, vector<16xi32>,
        %add3A_856 = arith.constant 64 : i32
        %add3A_857 = arith.addi %mul3A_776, %add3A_856 : i32
        %get3A_858 = arith.index_cast %add3A_857 : i32 to index
        %get3A_859 = tpu.vector_load %arg11[%get3A_858] {strides = array<i32>} : memref<2000xi32, #tpu.memory_space<vmem>>, vector<16xi32>,
        %swap3A_860 = arith.constant 64 : index
        %swap3A_861 = tpu.vector_load %arg13[%swap3A_860] {strides = array<i32>} : memref<80xi32, #tpu.memory_space<vmem>>, vector<16xi32>,
        tpu.vector_store %arg13[%swap3A_860], %get3A_859 {strides = array<i32>} : memref<80xi32, #tpu.memory_space<vmem>>, vector<16xi32>,
        %dma_start3A_862 = arith.constant 0 : i32
        %dma_start3A_863 = arith.constant 0 : i32
        %dma_start3A_864 = tpu.memref_slice %arg2[%dma_start3A_862, %dma_start3A_863] : memref<20000x64xf32, #tpu.memory_space<hbm>> -> memref<20000x64xf32, #tpu.memory_space<hbm>>
        tpu.enqueue_indirect_dma source(%dma_start3A_864 : memref<20000x64xf32, #tpu.memory_space<hbm>>) target(%arg16 : memref<80x64xf32, #tpu.memory_space<vmem>>) offsets(%arg12 : memref<80xi32, #tpu.memory_space<vmem>>) semaphore(%arg25 : memref<!tpu.dma_semaphore, #tpu.memory_space<semaphore_mem>>)
        %dma_start3A_865 = tpu.memref_slice %arg10[%mul3A_776] : memref<2000xi32, #tpu.memory_space<vmem>> -> memref<80xi32, #tpu.memory_space<vmem>>
        %dma_start3A_866 = arith.constant 0 : i32
        %dma_start3A_867 = tpu.memref_slice %arg3[%dma_start3A_866] : memref<10000xf32, #tpu.memory_space<hbm>> -> memref<10000xf32, #tpu.memory_space<hbm>>
        tpu.enqueue_indirect_dma source(%dma_start3A_867 : memref<10000xf32, #tpu.memory_space<hbm>>) target(%arg14 : memref<80xf32, #tpu.memory_space<vmem>>) offsets(%dma_start3A_865 : memref<80xi32, #tpu.memory_space<vmem>>) semaphore(%arg26 : memref<!tpu.dma_semaphore, #tpu.memory_space<semaphore_mem>>)
        %dma_start3A_868 = arith.constant 0 : i32
        %dma_start3A_869 = tpu.memref_slice %arg4[%dma_start3A_868] : memref<10000xf32, #tpu.memory_space<hbm>> -> memref<10000xf32, #tpu.memory_space<hbm>>
        tpu.enqueue_indirect_dma source(%dma_start3A_869 : memref<10000xf32, #tpu.memory_space<hbm>>) target(%arg15 : memref<80xf32, #tpu.memory_space<vmem>>) offsets(%arg13 : memref<80xi32, #tpu.memory_space<vmem>>) semaphore(%arg26 : memref<!tpu.dma_semaphore, #tpu.memory_space<semaphore_mem>>)
        %mul3A_870 = arith.constant 2 : i32
        %mul3A_871 = arith.muli %mul3A_870, %scan3A_574 : i32
        %add3A_872 = arith.constant 1 : i32
        %add3A_873 = arith.addi %mul3A_871, %add3A_872 : i32
        %dma_wait3A_874 = arith.constant 0 : i32
        %dma_wait3A_875 = tpu.memref_slice %arg10[%dma_wait3A_874] : memref<2000xi32, #tpu.memory_space<vmem>> -> memref<80xi32, #tpu.memory_space<vmem>>
        %dma_wait3A_876 = arith.constant 0 : i32
        %dma_wait3A_877 = tpu.memref_slice %arg3[%dma_wait3A_876] : memref<10000xf32, #tpu.memory_space<hbm>> -> memref<10000xf32, #tpu.memory_space<hbm>>
        tpu.wait_indirect_dma semaphore(%arg28 : memref<!tpu.dma_semaphore, #tpu.memory_space<semaphore_mem>>) src(%dma_wait3A_877 : memref<10000xf32, #tpu.memory_space<hbm>>) dst(%arg19 : memref<80xf32, #tpu.memory_space<vmem>>)
        %dma_wait3A_878 = arith.constant 0 : i32
        %dma_wait3A_879 = tpu.memref_slice %arg4[%dma_wait3A_878] : memref<10000xf32, #tpu.memory_space<hbm>> -> memref<10000xf32, #tpu.memory_space<hbm>>
        tpu.wait_indirect_dma semaphore(%arg28 : memref<!tpu.dma_semaphore, #tpu.memory_space<semaphore_mem>>) src(%dma_wait3A_879 : memref<10000xf32, #tpu.memory_space<hbm>>) dst(%arg20 : memref<80xf32, #tpu.memory_space<vmem>>)
        %get3A_880 = arith.constant 0 : index
        %get3A_881 = tpu.vector_load %arg19[%get3A_880] {strides = array<i32>} : memref<80xf32, #tpu.memory_space<vmem>>, vector<16xf32>,
        %get3A_882 = arith.constant 0 : index
        %get3A_883 = tpu.vector_load %arg20[%get3A_882] {strides = array<i32>} : memref<80xf32, #tpu.memory_space<vmem>>, vector<16xf32>,
        %add3A_884 = arith.addf %get3A_881, %get3A_883 : vector<16xf32>
        %ge3A_885 = arith.constant 0.000000e+00 : f32
        %ge3A_886 = vector.broadcast %ge3A_885 : f32 to vector<16xf32>
        %ge3A_887 = arith.cmpf oge, %add3A_884, %ge3A_886 : vector<16xf32>
        %mul3A_888 = arith.constant 2.000000e-01 : f32
        %mul3A_889 = vector.broadcast %mul3A_888 : f32 to vector<16xf32>
        %mul3A_890 = arith.mulf %mul3A_889, %add3A_884 : vector<16xf32>
        %select_n3A_891 = arith.select %ge3A_887, %add3A_884, %mul3A_890 : vector<16xi1>, vector<16xf32>
        %exp3A_892 = math.exp %select_n3A_891 : vector<16xf32>
        %swap3A_893 = arith.constant 0 : index
        %swap3A_894 = tpu.vector_load %arg22[%swap3A_893] {strides = array<i32>} : memref<80xf32, #tpu.memory_space<vmem>>, vector<16xf32>,
        tpu.vector_store %arg22[%swap3A_893], %exp3A_892 {strides = array<i32>} : memref<80xf32, #tpu.memory_space<vmem>>, vector<16xf32>,
        %get3A_895 = arith.constant 16 : index
        %get3A_896 = tpu.vector_load %arg19[%get3A_895] {strides = array<i32>} : memref<80xf32, #tpu.memory_space<vmem>>, vector<16xf32>,
        %get3A_897 = arith.constant 16 : index
        %get3A_898 = tpu.vector_load %arg20[%get3A_897] {strides = array<i32>} : memref<80xf32, #tpu.memory_space<vmem>>, vector<16xf32>,
        %add3A_899 = arith.addf %get3A_896, %get3A_898 : vector<16xf32>
        %ge3A_900 = arith.constant 0.000000e+00 : f32
        %ge3A_901 = vector.broadcast %ge3A_900 : f32 to vector<16xf32>
        %ge3A_902 = arith.cmpf oge, %add3A_899, %ge3A_901 : vector<16xf32>
        %mul3A_903 = arith.constant 2.000000e-01 : f32
        %mul3A_904 = vector.broadcast %mul3A_903 : f32 to vector<16xf32>
        %mul3A_905 = arith.mulf %mul3A_904, %add3A_899 : vector<16xf32>
        %select_n3A_906 = arith.select %ge3A_902, %add3A_899, %mul3A_905 : vector<16xi1>, vector<16xf32>
        %exp3A_907 = math.exp %select_n3A_906 : vector<16xf32>
        %swap3A_908 = arith.constant 16 : index
        %swap3A_909 = tpu.vector_load %arg22[%swap3A_908] {strides = array<i32>} : memref<80xf32, #tpu.memory_space<vmem>>, vector<16xf32>,
        tpu.vector_store %arg22[%swap3A_908], %exp3A_907 {strides = array<i32>} : memref<80xf32, #tpu.memory_space<vmem>>, vector<16xf32>,
        %get3A_910 = arith.constant 32 : index
        %get3A_911 = tpu.vector_load %arg19[%get3A_910] {strides = array<i32>} : memref<80xf32, #tpu.memory_space<vmem>>, vector<16xf32>,
        %get3A_912 = arith.constant 32 : index
        %get3A_913 = tpu.vector_load %arg20[%get3A_912] {strides = array<i32>} : memref<80xf32, #tpu.memory_space<vmem>>, vector<16xf32>,
        %add3A_914 = arith.addf %get3A_911, %get3A_913 : vector<16xf32>
        %ge3A_915 = arith.constant 0.000000e+00 : f32
        %ge3A_916 = vector.broadcast %ge3A_915 : f32 to vector<16xf32>
        %ge3A_917 = arith.cmpf oge, %add3A_914, %ge3A_916 : vector<16xf32>
        %mul3A_918 = arith.constant 2.000000e-01 : f32
        %mul3A_919 = vector.broadcast %mul3A_918 : f32 to vector<16xf32>
        %mul3A_920 = arith.mulf %mul3A_919, %add3A_914 : vector<16xf32>
        %select_n3A_921 = arith.select %ge3A_917, %add3A_914, %mul3A_920 : vector<16xi1>, vector<16xf32>
        %exp3A_922 = math.exp %select_n3A_921 : vector<16xf32>
        %swap3A_923 = arith.constant 32 : index
        %swap3A_924 = tpu.vector_load %arg22[%swap3A_923] {strides = array<i32>} : memref<80xf32, #tpu.memory_space<vmem>>, vector<16xf32>,
        tpu.vector_store %arg22[%swap3A_923], %exp3A_922 {strides = array<i32>} : memref<80xf32, #tpu.memory_space<vmem>>, vector<16xf32>,
        %get3A_925 = arith.constant 48 : index
        %get3A_926 = tpu.vector_load %arg19[%get3A_925] {strides = array<i32>} : memref<80xf32, #tpu.memory_space<vmem>>, vector<16xf32>,
        %get3A_927 = arith.constant 48 : index
        %get3A_928 = tpu.vector_load %arg20[%get3A_927] {strides = array<i32>} : memref<80xf32, #tpu.memory_space<vmem>>, vector<16xf32>,
        %add3A_929 = arith.addf %get3A_926, %get3A_928 : vector<16xf32>
        %ge3A_930 = arith.constant 0.000000e+00 : f32
        %ge3A_931 = vector.broadcast %ge3A_930 : f32 to vector<16xf32>
        %ge3A_932 = arith.cmpf oge, %add3A_929, %ge3A_931 : vector<16xf32>
        %mul3A_933 = arith.constant 2.000000e-01 : f32
        %mul3A_934 = vector.broadcast %mul3A_933 : f32 to vector<16xf32>
        %mul3A_935 = arith.mulf %mul3A_934, %add3A_929 : vector<16xf32>
        %select_n3A_936 = arith.select %ge3A_932, %add3A_929, %mul3A_935 : vector<16xi1>, vector<16xf32>
        %exp3A_937 = math.exp %select_n3A_936 : vector<16xf32>
        %swap3A_938 = arith.constant 48 : index
        %swap3A_939 = tpu.vector_load %arg22[%swap3A_938] {strides = array<i32>} : memref<80xf32, #tpu.memory_space<vmem>>, vector<16xf32>,
        tpu.vector_store %arg22[%swap3A_938], %exp3A_937 {strides = array<i32>} : memref<80xf32, #tpu.memory_space<vmem>>, vector<16xf32>,
        %get3A_940 = arith.constant 64 : index
        %get3A_941 = tpu.vector_load %arg19[%get3A_940] {strides = array<i32>} : memref<80xf32, #tpu.memory_space<vmem>>, vector<16xf32>,
        %get3A_942 = arith.constant 64 : index
        %get3A_943 = tpu.vector_load %arg20[%get3A_942] {strides = array<i32>} : memref<80xf32, #tpu.memory_space<vmem>>, vector<16xf32>,
        %add3A_944 = arith.addf %get3A_941, %get3A_943 : vector<16xf32>
        %ge3A_945 = arith.constant 0.000000e+00 : f32
        %ge3A_946 = vector.broadcast %ge3A_945 : f32 to vector<16xf32>
        %ge3A_947 = arith.cmpf oge, %add3A_944, %ge3A_946 : vector<16xf32>
        %mul3A_948 = arith.constant 2.000000e-01 : f32
        %mul3A_949 = vector.broadcast %mul3A_948 : f32 to vector<16xf32>
        %mul3A_950 = arith.mulf %mul3A_949, %add3A_944 : vector<16xf32>
        %select_n3A_951 = arith.select %ge3A_947, %add3A_944, %mul3A_950 : vector<16xi1>, vector<16xf32>
        %exp3A_952 = math.exp %select_n3A_951 : vector<16xf32>
        %swap3A_953 = arith.constant 64 : index
        %swap3A_954 = tpu.vector_load %arg22[%swap3A_953] {strides = array<i32>} : memref<80xf32, #tpu.memory_space<vmem>>, vector<16xf32>,
        tpu.vector_store %arg22[%swap3A_953], %exp3A_952 {strides = array<i32>} : memref<80xf32, #tpu.memory_space<vmem>>, vector<16xf32>,
        %dma_wait3A_955 = arith.constant 0 : i32
        %dma_wait3A_956 = arith.constant 0 : i32
        %dma_wait3A_957 = tpu.memref_slice %arg2[%dma_wait3A_955, %dma_wait3A_956] : memref<20000x64xf32, #tpu.memory_space<hbm>> -> memref<20000x64xf32, #tpu.memory_space<hbm>>
        tpu.wait_indirect_dma semaphore(%arg27 : memref<!tpu.dma_semaphore, #tpu.memory_space<semaphore_mem>>) src(%dma_wait3A_957 : memref<20000x64xf32, #tpu.memory_space<hbm>>) dst(%arg21 : memref<80x64xf32, #tpu.memory_space<vmem>>)
        %scan3A_958 = arith.constant 0 : i32
        %scan3A_959 = arith.constant 0 : i32
        %scan3A_960 = arith.constant 80 : i32
        %scan3A_961 = arith.addi %scan3A_959, %scan3A_960 : i32
        %scan3A_962 = arith.constant 1 : i32
        scf.for %scan3A_969 = %scan3A_959 to %scan3A_961 step %scan3A_962  : i32 {
          %broadcast_in_dim3A_970 = vector.broadcast %scan3A_969 : i32 to vector<16xi32>
          %gather3A = tpu.vector_load_idx %arg22[%broadcast_in_dim3A_970] : memref<80xf32, #tpu.memory_space<vmem>>[vector<16xi32>], vector<16xf32>,
          %get3A_971 = arith.index_cast %scan3A_969 : i32 to index
          %get3A_972 = arith.constant 0 : index
          %get3A_973 = tpu.vector_load %arg21[%get3A_971, %get3A_972] {strides = array<i32>} : memref<80x64xf32, #tpu.memory_space<vmem>>, vector<16xf32>,
          %mul3A_974 = arith.mulf %get3A_973, %gather3A : vector<16xf32>
          %swap3A_975 = arith.index_cast %scan3A_969 : i32 to index
          %swap3A_976 = arith.constant 0 : index
          %swap3A_977 = tpu.vector_load %arg21[%swap3A_975, %swap3A_976] {strides = array<i32>} : memref<80x64xf32, #tpu.memory_space<vmem>>, vector<16xf32>,
          tpu.vector_store %arg21[%swap3A_975, %swap3A_976], %mul3A_974 {strides = array<i32>} : memref<80x64xf32, #tpu.memory_space<vmem>>, vector<16xf32>,
          %get3A_978 = arith.index_cast %scan3A_969 : i32 to index
          %get3A_979 = arith.constant 16 : index
          %get3A_980 = tpu.vector_load %arg21[%get3A_978, %get3A_979] {strides = array<i32>} : memref<80x64xf32, #tpu.memory_space<vmem>>, vector<16xf32>,
          %mul3A_981 = arith.mulf %get3A_980, %gather3A : vector<16xf32>
          %swap3A_982 = arith.index_cast %scan3A_969 : i32 to index
          %swap3A_983 = arith.constant 16 : index
          %swap3A_984 = tpu.vector_load %arg21[%swap3A_982, %swap3A_983] {strides = array<i32>} : memref<80x64xf32, #tpu.memory_space<vmem>>, vector<16xf32>,
          tpu.vector_store %arg21[%swap3A_982, %swap3A_983], %mul3A_981 {strides = array<i32>} : memref<80x64xf32, #tpu.memory_space<vmem>>, vector<16xf32>,
          %get3A_985 = arith.index_cast %scan3A_969 : i32 to index
          %get3A_986 = arith.constant 32 : index
          %get3A_987 = tpu.vector_load %arg21[%get3A_985, %get3A_986] {strides = array<i32>} : memref<80x64xf32, #tpu.memory_space<vmem>>, vector<16xf32>,
          %mul3A_988 = arith.mulf %get3A_987, %gather3A : vector<16xf32>
          %swap3A_989 = arith.index_cast %scan3A_969 : i32 to index
          %swap3A_990 = arith.constant 32 : index
          %swap3A_991 = tpu.vector_load %arg21[%swap3A_989, %swap3A_990] {strides = array<i32>} : memref<80x64xf32, #tpu.memory_space<vmem>>, vector<16xf32>,
          tpu.vector_store %arg21[%swap3A_989, %swap3A_990], %mul3A_988 {strides = array<i32>} : memref<80x64xf32, #tpu.memory_space<vmem>>, vector<16xf32>,
          %get3A_992 = arith.index_cast %scan3A_969 : i32 to index
          %get3A_993 = arith.constant 48 : index
          %get3A_994 = tpu.vector_load %arg21[%get3A_992, %get3A_993] {strides = array<i32>} : memref<80x64xf32, #tpu.memory_space<vmem>>, vector<16xf32>,
          %mul3A_995 = arith.mulf %get3A_994, %gather3A : vector<16xf32>
          %swap3A_996 = arith.index_cast %scan3A_969 : i32 to index
          %swap3A_997 = arith.constant 48 : index
          %swap3A_998 = tpu.vector_load %arg21[%swap3A_996, %swap3A_997] {strides = array<i32>} : memref<80x64xf32, #tpu.memory_space<vmem>>, vector<16xf32>,
          tpu.vector_store %arg21[%swap3A_996, %swap3A_997], %mul3A_995 {strides = array<i32>} : memref<80x64xf32, #tpu.memory_space<vmem>>, vector<16xf32>,
        }
        %scan3A_963 = arith.constant 80 : i32
        %eq3A_964 = arith.constant 0 : i32
        %eq3A_965 = arith.cmpi eq, %arg0, %eq3A_964 : i32
        %convert_element_type3A_966 = arith.extui %eq3A_965 : i1 to i32
        %cond3A_967 = arith.constant 0 : i32
        %cond3A_968 = arith.cmpi ne, %convert_element_type3A_966, %cond3A_967 : i32
        scf.if %cond3A_968 {
          "tpu.region"() ({
            %run_scoped3A = tpu.sem_alloc : memref<!tpu.dma_semaphore, #tpu.memory_space<semaphore_mem>>
            %dma_start3A_969 = arith.constant 0 : i32
            %dma_start3A_970 = tpu.memref_slice %arg24[%dma_start3A_969] : memref<10000xf32, #tpu.memory_space<vmem_shared>> -> memref<10000xf32, #tpu.memory_space<vmem_shared>>
            tpu.enqueue_indirect_dma source(%arg22 : memref<80xf32, #tpu.memory_space<vmem>>) target(%dma_start3A_970 : memref<10000xf32, #tpu.memory_space<vmem_shared>>) offsets(%arg18 : memref<80xi32, #tpu.memory_space<vmem>>) semaphore(%run_scoped3A : memref<!tpu.dma_semaphore, #tpu.memory_space<semaphore_mem>>) {add = true}
            %dma_wait3A_971 = arith.constant 0 : i32
            %dma_wait3A_972 = tpu.memref_slice %arg24[%dma_wait3A_971] : memref<10000xf32, #tpu.memory_space<vmem_shared>> -> memref<10000xf32, #tpu.memory_space<vmem_shared>>
            tpu.wait_indirect_dma semaphore(%run_scoped3A : memref<!tpu.dma_semaphore, #tpu.memory_space<semaphore_mem>>) src(%arg22 : memref<80xf32, #tpu.memory_space<vmem>>) dst(%dma_wait3A_972 : memref<10000xf32, #tpu.memory_space<vmem_shared>>)
            tpu.yield
          }) : () -> ()
        } else {
        }
        "tpu.region"() ({
          %run_scoped3A = tpu.sem_alloc : memref<!tpu.dma_semaphore, #tpu.memory_space<semaphore_mem>>
          %dma_start3A_969 = arith.constant 0 : i32
          %dma_start3A_970 = arith.constant 0 : i32
          %dma_start3A_971 = tpu.memref_slice %arg23[%dma_start3A_969, %dma_start3A_970] : memref<10000x64xf32, #tpu.memory_space<vmem_shared>> -> memref<10000x64xf32, #tpu.memory_space<vmem_shared>>
          tpu.enqueue_indirect_dma source(%arg21 : memref<80x64xf32, #tpu.memory_space<vmem>>) target(%dma_start3A_971 : memref<10000x64xf32, #tpu.memory_space<vmem_shared>>) offsets(%arg18 : memref<80xi32, #tpu.memory_space<vmem>>) semaphore(%run_scoped3A : memref<!tpu.dma_semaphore, #tpu.memory_space<semaphore_mem>>) {add = true}
          %dma_wait3A_972 = arith.constant 0 : i32
          %dma_wait3A_973 = arith.constant 0 : i32
          %dma_wait3A_974 = tpu.memref_slice %arg23[%dma_wait3A_972, %dma_wait3A_973] : memref<10000x64xf32, #tpu.memory_space<vmem_shared>> -> memref<10000x64xf32, #tpu.memory_space<vmem_shared>>
          tpu.wait_indirect_dma semaphore(%run_scoped3A : memref<!tpu.dma_semaphore, #tpu.memory_space<semaphore_mem>>) src(%arg21 : memref<80x64xf32, #tpu.memory_space<vmem>>) dst(%dma_wait3A_974 : memref<10000x64xf32, #tpu.memory_space<vmem_shared>>)
          tpu.yield
        }) : () -> ()
      }
      %scan3A_144 = arith.constant 11 : i32
      %get3A_145 = arith.constant 1840 : index
      %get3A_146 = tpu.vector_load %arg10[%get3A_145] {strides = array<i32>} : memref<2000xi32, #tpu.memory_space<vmem>>, vector<16xi32>,
      %mul3A_147 = arith.constant 2 : i32
      %mul3A_148 = vector.broadcast %mul3A_147 : i32 to vector<16xi32>
      %mul3A_149 = arith.muli %get3A_146, %mul3A_148 : vector<16xi32>
      %add3A_150 = vector.broadcast %arg0 : i32 to vector<16xi32>
      %add3A_151 = arith.addi %mul3A_149, %add3A_150 : vector<16xi32>
      %swap3A_152 = arith.constant 0 : index
      %swap3A_153 = tpu.vector_load %arg17[%swap3A_152] {strides = array<i32>} : memref<80xi32, #tpu.memory_space<vmem>>, vector<16xi32>,
      tpu.vector_store %arg17[%swap3A_152], %add3A_151 {strides = array<i32>} : memref<80xi32, #tpu.memory_space<vmem>>, vector<16xi32>,
      %get3A_154 = arith.constant 1840 : index
      %get3A_155 = tpu.vector_load %arg11[%get3A_154] {strides = array<i32>} : memref<2000xi32, #tpu.memory_space<vmem>>, vector<16xi32>,
      %swap3A_156 = arith.constant 0 : index
      %swap3A_157 = tpu.vector_load %arg18[%swap3A_156] {strides = array<i32>} : memref<80xi32, #tpu.memory_space<vmem>>, vector<16xi32>,
      tpu.vector_store %arg18[%swap3A_156], %get3A_155 {strides = array<i32>} : memref<80xi32, #tpu.memory_space<vmem>>, vector<16xi32>,
      %get3A_158 = arith.constant 1856 : index
      %get3A_159 = tpu.vector_load %arg10[%get3A_158] {strides = array<i32>} : memref<2000xi32, #tpu.memory_space<vmem>>, vector<16xi32>,
      %mul3A_160 = arith.constant 2 : i32
      %mul3A_161 = vector.broadcast %mul3A_160 : i32 to vector<16xi32>
      %mul3A_162 = arith.muli %get3A_159, %mul3A_161 : vector<16xi32>
      %add3A_163 = vector.broadcast %arg0 : i32 to vector<16xi32>
      %add3A_164 = arith.addi %mul3A_162, %add3A_163 : vector<16xi32>
      %swap3A_165 = arith.constant 16 : index
      %swap3A_166 = tpu.vector_load %arg17[%swap3A_165] {strides = array<i32>} : memref<80xi32, #tpu.memory_space<vmem>>, vector<16xi32>,
      tpu.vector_store %arg17[%swap3A_165], %add3A_164 {strides = array<i32>} : memref<80xi32, #tpu.memory_space<vmem>>, vector<16xi32>,
      %get3A_167 = arith.constant 1856 : index
      %get3A_168 = tpu.vector_load %arg11[%get3A_167] {strides = array<i32>} : memref<2000xi32, #tpu.memory_space<vmem>>, vector<16xi32>,
      %swap3A_169 = arith.constant 16 : index
      %swap3A_170 = tpu.vector_load %arg18[%swap3A_169] {strides = array<i32>} : memref<80xi32, #tpu.memory_space<vmem>>, vector<16xi32>,
      tpu.vector_store %arg18[%swap3A_169], %get3A_168 {strides = array<i32>} : memref<80xi32, #tpu.memory_space<vmem>>, vector<16xi32>,
      %get3A_171 = arith.constant 1872 : index
      %get3A_172 = tpu.vector_load %arg10[%get3A_171] {strides = array<i32>} : memref<2000xi32, #tpu.memory_space<vmem>>, vector<16xi32>,
      %mul3A_173 = arith.constant 2 : i32
      %mul3A_174 = vector.broadcast %mul3A_173 : i32 to vector<16xi32>
      %mul3A_175 = arith.muli %get3A_172, %mul3A_174 : vector<16xi32>
      %add3A_176 = vector.broadcast %arg0 : i32 to vector<16xi32>
      %add3A_177 = arith.addi %mul3A_175, %add3A_176 : vector<16xi32>
      %swap3A_178 = arith.constant 32 : index
      %swap3A_179 = tpu.vector_load %arg17[%swap3A_178] {strides = array<i32>} : memref<80xi32, #tpu.memory_space<vmem>>, vector<16xi32>,
      tpu.vector_store %arg17[%swap3A_178], %add3A_177 {strides = array<i32>} : memref<80xi32, #tpu.memory_space<vmem>>, vector<16xi32>,
      %get3A_180 = arith.constant 1872 : index
      %get3A_181 = tpu.vector_load %arg11[%get3A_180] {strides = array<i32>} : memref<2000xi32, #tpu.memory_space<vmem>>, vector<16xi32>,
      %swap3A_182 = arith.constant 32 : index
      %swap3A_183 = tpu.vector_load %arg18[%swap3A_182] {strides = array<i32>} : memref<80xi32, #tpu.memory_space<vmem>>, vector<16xi32>,
      tpu.vector_store %arg18[%swap3A_182], %get3A_181 {strides = array<i32>} : memref<80xi32, #tpu.memory_space<vmem>>, vector<16xi32>,
      %get3A_184 = arith.constant 1888 : index
      %get3A_185 = tpu.vector_load %arg10[%get3A_184] {strides = array<i32>} : memref<2000xi32, #tpu.memory_space<vmem>>, vector<16xi32>,
      %mul3A_186 = arith.constant 2 : i32
      %mul3A_187 = vector.broadcast %mul3A_186 : i32 to vector<16xi32>
      %mul3A_188 = arith.muli %get3A_185, %mul3A_187 : vector<16xi32>
      %add3A_189 = vector.broadcast %arg0 : i32 to vector<16xi32>
      %add3A_190 = arith.addi %mul3A_188, %add3A_189 : vector<16xi32>
      %swap3A_191 = arith.constant 48 : index
      %swap3A_192 = tpu.vector_load %arg17[%swap3A_191] {strides = array<i32>} : memref<80xi32, #tpu.memory_space<vmem>>, vector<16xi32>,
      tpu.vector_store %arg17[%swap3A_191], %add3A_190 {strides = array<i32>} : memref<80xi32, #tpu.memory_space<vmem>>, vector<16xi32>,
      %get3A_193 = arith.constant 1888 : index
      %get3A_194 = tpu.vector_load %arg11[%get3A_193] {strides = array<i32>} : memref<2000xi32, #tpu.memory_space<vmem>>, vector<16xi32>,
      %swap3A_195 = arith.constant 48 : index
      %swap3A_196 = tpu.vector_load %arg18[%swap3A_195] {strides = array<i32>} : memref<80xi32, #tpu.memory_space<vmem>>, vector<16xi32>,
      tpu.vector_store %arg18[%swap3A_195], %get3A_194 {strides = array<i32>} : memref<80xi32, #tpu.memory_space<vmem>>, vector<16xi32>,
      %get3A_197 = arith.constant 1904 : index
      %get3A_198 = tpu.vector_load %arg10[%get3A_197] {strides = array<i32>} : memref<2000xi32, #tpu.memory_space<vmem>>, vector<16xi32>,
      %mul3A_199 = arith.constant 2 : i32
      %mul3A_200 = vector.broadcast %mul3A_199 : i32 to vector<16xi32>
      %mul3A_201 = arith.muli %get3A_198, %mul3A_200 : vector<16xi32>
      %add3A_202 = vector.broadcast %arg0 : i32 to vector<16xi32>
      %add3A_203 = arith.addi %mul3A_201, %add3A_202 : vector<16xi32>
      %swap3A_204 = arith.constant 64 : index
      %swap3A_205 = tpu.vector_load %arg17[%swap3A_204] {strides = array<i32>} : memref<80xi32, #tpu.memory_space<vmem>>, vector<16xi32>,
      tpu.vector_store %arg17[%swap3A_204], %add3A_203 {strides = array<i32>} : memref<80xi32, #tpu.memory_space<vmem>>, vector<16xi32>,
      %get3A_206 = arith.constant 1904 : index
      %get3A_207 = tpu.vector_load %arg11[%get3A_206] {strides = array<i32>} : memref<2000xi32, #tpu.memory_space<vmem>>, vector<16xi32>,
      %swap3A_208 = arith.constant 64 : index
      %swap3A_209 = tpu.vector_load %arg18[%swap3A_208] {strides = array<i32>} : memref<80xi32, #tpu.memory_space<vmem>>, vector<16xi32>,
      tpu.vector_store %arg18[%swap3A_208], %get3A_207 {strides = array<i32>} : memref<80xi32, #tpu.memory_space<vmem>>, vector<16xi32>,
      %dma_start3A_210 = arith.constant 0 : i32
      %dma_start3A_211 = arith.constant 0 : i32
      %dma_start3A_212 = tpu.memref_slice %arg2[%dma_start3A_210, %dma_start3A_211] : memref<20000x64xf32, #tpu.memory_space<hbm>> -> memref<20000x64xf32, #tpu.memory_space<hbm>>
      tpu.enqueue_indirect_dma source(%dma_start3A_212 : memref<20000x64xf32, #tpu.memory_space<hbm>>) target(%arg21 : memref<80x64xf32, #tpu.memory_space<vmem>>) offsets(%arg17 : memref<80xi32, #tpu.memory_space<vmem>>) semaphore(%arg27 : memref<!tpu.dma_semaphore, #tpu.memory_space<semaphore_mem>>)
      %dma_start3A_213 = arith.constant 1840 : i32
      %dma_start3A_214 = tpu.memref_slice %arg10[%dma_start3A_213] : memref<2000xi32, #tpu.memory_space<vmem>> -> memref<80xi32, #tpu.memory_space<vmem>>
      %dma_start3A_215 = arith.constant 0 : i32
      %dma_start3A_216 = tpu.memref_slice %arg3[%dma_start3A_215] : memref<10000xf32, #tpu.memory_space<hbm>> -> memref<10000xf32, #tpu.memory_space<hbm>>
      tpu.enqueue_indirect_dma source(%dma_start3A_216 : memref<10000xf32, #tpu.memory_space<hbm>>) target(%arg19 : memref<80xf32, #tpu.memory_space<vmem>>) offsets(%dma_start3A_214 : memref<80xi32, #tpu.memory_space<vmem>>) semaphore(%arg28 : memref<!tpu.dma_semaphore, #tpu.memory_space<semaphore_mem>>)
      %dma_start3A_217 = arith.constant 0 : i32
      %dma_start3A_218 = tpu.memref_slice %arg4[%dma_start3A_217] : memref<10000xf32, #tpu.memory_space<hbm>> -> memref<10000xf32, #tpu.memory_space<hbm>>
      tpu.enqueue_indirect_dma source(%dma_start3A_218 : memref<10000xf32, #tpu.memory_space<hbm>>) target(%arg20 : memref<80xf32, #tpu.memory_space<vmem>>) offsets(%arg18 : memref<80xi32, #tpu.memory_space<vmem>>) semaphore(%arg28 : memref<!tpu.dma_semaphore, #tpu.memory_space<semaphore_mem>>)
      %dma_wait3A = arith.constant 0 : i32
      %dma_wait3A_219 = tpu.memref_slice %arg10[%dma_wait3A] : memref<2000xi32, #tpu.memory_space<vmem>> -> memref<80xi32, #tpu.memory_space<vmem>>
      %dma_wait3A_220 = arith.constant 0 : i32
      %dma_wait3A_221 = tpu.memref_slice %arg3[%dma_wait3A_220] : memref<10000xf32, #tpu.memory_space<hbm>> -> memref<10000xf32, #tpu.memory_space<hbm>>
      tpu.wait_indirect_dma semaphore(%arg26 : memref<!tpu.dma_semaphore, #tpu.memory_space<semaphore_mem>>) src(%dma_wait3A_221 : memref<10000xf32, #tpu.memory_space<hbm>>) dst(%arg14 : memref<80xf32, #tpu.memory_space<vmem>>)
      %dma_wait3A_222 = arith.constant 0 : i32
      %dma_wait3A_223 = tpu.memref_slice %arg4[%dma_wait3A_222] : memref<10000xf32, #tpu.memory_space<hbm>> -> memref<10000xf32, #tpu.memory_space<hbm>>
      tpu.wait_indirect_dma semaphore(%arg26 : memref<!tpu.dma_semaphore, #tpu.memory_space<semaphore_mem>>) src(%dma_wait3A_223 : memref<10000xf32, #tpu.memory_space<hbm>>) dst(%arg15 : memref<80xf32, #tpu.memory_space<vmem>>)
      %get3A_224 = arith.constant 0 : index
      %get3A_225 = tpu.vector_load %arg14[%get3A_224] {strides = array<i32>} : memref<80xf32, #tpu.memory_space<vmem>>, vector<16xf32>,
      %get3A_226 = arith.constant 0 : index
      %get3A_227 = tpu.vector_load %arg15[%get3A_226] {strides = array<i32>} : memref<80xf32, #tpu.memory_space<vmem>>, vector<16xf32>,
      %add3A_228 = arith.addf %get3A_225, %get3A_227 : vector<16xf32>
      %ge3A = arith.constant 0.000000e+00 : f32
      %ge3A_229 = vector.broadcast %ge3A : f32 to vector<16xf32>
      %ge3A_230 = arith.cmpf oge, %add3A_228, %ge3A_229 : vector<16xf32>
      %mul3A_231 = arith.constant 2.000000e-01 : f32
      %mul3A_232 = vector.broadcast %mul3A_231 : f32 to vector<16xf32>
      %mul3A_233 = arith.mulf %mul3A_232, %add3A_228 : vector<16xf32>
      %select_n3A = arith.select %ge3A_230, %add3A_228, %mul3A_233 : vector<16xi1>, vector<16xf32>
      %exp3A = math.exp %select_n3A : vector<16xf32>
      %swap3A_234 = arith.constant 0 : index
      %swap3A_235 = tpu.vector_load %arg22[%swap3A_234] {strides = array<i32>} : memref<80xf32, #tpu.memory_space<vmem>>, vector<16xf32>,
      tpu.vector_store %arg22[%swap3A_234], %exp3A {strides = array<i32>} : memref<80xf32, #tpu.memory_space<vmem>>, vector<16xf32>,
      %get3A_236 = arith.constant 16 : index
      %get3A_237 = tpu.vector_load %arg14[%get3A_236] {strides = array<i32>} : memref<80xf32, #tpu.memory_space<vmem>>, vector<16xf32>,
      %get3A_238 = arith.constant 16 : index
      %get3A_239 = tpu.vector_load %arg15[%get3A_238] {strides = array<i32>} : memref<80xf32, #tpu.memory_space<vmem>>, vector<16xf32>,
      %add3A_240 = arith.addf %get3A_237, %get3A_239 : vector<16xf32>
      %ge3A_241 = arith.constant 0.000000e+00 : f32
      %ge3A_242 = vector.broadcast %ge3A_241 : f32 to vector<16xf32>
      %ge3A_243 = arith.cmpf oge, %add3A_240, %ge3A_242 : vector<16xf32>
      %mul3A_244 = arith.constant 2.000000e-01 : f32
      %mul3A_245 = vector.broadcast %mul3A_244 : f32 to vector<16xf32>
      %mul3A_246 = arith.mulf %mul3A_245, %add3A_240 : vector<16xf32>
      %select_n3A_247 = arith.select %ge3A_243, %add3A_240, %mul3A_246 : vector<16xi1>, vector<16xf32>
      %exp3A_248 = math.exp %select_n3A_247 : vector<16xf32>
      %swap3A_249 = arith.constant 16 : index
      %swap3A_250 = tpu.vector_load %arg22[%swap3A_249] {strides = array<i32>} : memref<80xf32, #tpu.memory_space<vmem>>, vector<16xf32>,
      tpu.vector_store %arg22[%swap3A_249], %exp3A_248 {strides = array<i32>} : memref<80xf32, #tpu.memory_space<vmem>>, vector<16xf32>,
      %get3A_251 = arith.constant 32 : index
      %get3A_252 = tpu.vector_load %arg14[%get3A_251] {strides = array<i32>} : memref<80xf32, #tpu.memory_space<vmem>>, vector<16xf32>,
      %get3A_253 = arith.constant 32 : index
      %get3A_254 = tpu.vector_load %arg15[%get3A_253] {strides = array<i32>} : memref<80xf32, #tpu.memory_space<vmem>>, vector<16xf32>,
      %add3A_255 = arith.addf %get3A_252, %get3A_254 : vector<16xf32>
      %ge3A_256 = arith.constant 0.000000e+00 : f32
      %ge3A_257 = vector.broadcast %ge3A_256 : f32 to vector<16xf32>
      %ge3A_258 = arith.cmpf oge, %add3A_255, %ge3A_257 : vector<16xf32>
      %mul3A_259 = arith.constant 2.000000e-01 : f32
      %mul3A_260 = vector.broadcast %mul3A_259 : f32 to vector<16xf32>
      %mul3A_261 = arith.mulf %mul3A_260, %add3A_255 : vector<16xf32>
      %select_n3A_262 = arith.select %ge3A_258, %add3A_255, %mul3A_261 : vector<16xi1>, vector<16xf32>
      %exp3A_263 = math.exp %select_n3A_262 : vector<16xf32>
      %swap3A_264 = arith.constant 32 : index
      %swap3A_265 = tpu.vector_load %arg22[%swap3A_264] {strides = array<i32>} : memref<80xf32, #tpu.memory_space<vmem>>, vector<16xf32>,
      tpu.vector_store %arg22[%swap3A_264], %exp3A_263 {strides = array<i32>} : memref<80xf32, #tpu.memory_space<vmem>>, vector<16xf32>,
      %get3A_266 = arith.constant 48 : index
      %get3A_267 = tpu.vector_load %arg14[%get3A_266] {strides = array<i32>} : memref<80xf32, #tpu.memory_space<vmem>>, vector<16xf32>,
      %get3A_268 = arith.constant 48 : index
      %get3A_269 = tpu.vector_load %arg15[%get3A_268] {strides = array<i32>} : memref<80xf32, #tpu.memory_space<vmem>>, vector<16xf32>,
      %add3A_270 = arith.addf %get3A_267, %get3A_269 : vector<16xf32>
      %ge3A_271 = arith.constant 0.000000e+00 : f32
      %ge3A_272 = vector.broadcast %ge3A_271 : f32 to vector<16xf32>
      %ge3A_273 = arith.cmpf oge, %add3A_270, %ge3A_272 : vector<16xf32>
      %mul3A_274 = arith.constant 2.000000e-01 : f32
      %mul3A_275 = vector.broadcast %mul3A_274 : f32 to vector<16xf32>
      %mul3A_276 = arith.mulf %mul3A_275, %add3A_270 : vector<16xf32>
      %select_n3A_277 = arith.select %ge3A_273, %add3A_270, %mul3A_276 : vector<16xi1>, vector<16xf32>
      %exp3A_278 = math.exp %select_n3A_277 : vector<16xf32>
      %swap3A_279 = arith.constant 48 : index
      %swap3A_280 = tpu.vector_load %arg22[%swap3A_279] {strides = array<i32>} : memref<80xf32, #tpu.memory_space<vmem>>, vector<16xf32>,
      tpu.vector_store %arg22[%swap3A_279], %exp3A_278 {strides = array<i32>} : memref<80xf32, #tpu.memory_space<vmem>>, vector<16xf32>,
      %get3A_281 = arith.constant 64 : index
      %get3A_282 = tpu.vector_load %arg14[%get3A_281] {strides = array<i32>} : memref<80xf32, #tpu.memory_space<vmem>>, vector<16xf32>,
      %get3A_283 = arith.constant 64 : index
      %get3A_284 = tpu.vector_load %arg15[%get3A_283] {strides = array<i32>} : memref<80xf32, #tpu.memory_space<vmem>>, vector<16xf32>,
      %add3A_285 = arith.addf %get3A_282, %get3A_284 : vector<16xf32>
      %ge3A_286 = arith.constant 0.000000e+00 : f32
      %ge3A_287 = vector.broadcast %ge3A_286 : f32 to vector<16xf32>
      %ge3A_288 = arith.cmpf oge, %add3A_285, %ge3A_287 : vector<16xf32>
      %mul3A_289 = arith.constant 2.000000e-01 : f32
      %mul3A_290 = vector.broadcast %mul3A_289 : f32 to vector<16xf32>
      %mul3A_291 = arith.mulf %mul3A_290, %add3A_285 : vector<16xf32>
      %select_n3A_292 = arith.select %ge3A_288, %add3A_285, %mul3A_291 : vector<16xi1>, vector<16xf32>
      %exp3A_293 = math.exp %select_n3A_292 : vector<16xf32>
      %swap3A_294 = arith.constant 64 : index
      %swap3A_295 = tpu.vector_load %arg22[%swap3A_294] {strides = array<i32>} : memref<80xf32, #tpu.memory_space<vmem>>, vector<16xf32>,
      tpu.vector_store %arg22[%swap3A_294], %exp3A_293 {strides = array<i32>} : memref<80xf32, #tpu.memory_space<vmem>>, vector<16xf32>,
      %dma_wait3A_296 = arith.constant 0 : i32
      %dma_wait3A_297 = arith.constant 0 : i32
      %dma_wait3A_298 = tpu.memref_slice %arg2[%dma_wait3A_296, %dma_wait3A_297] : memref<20000x64xf32, #tpu.memory_space<hbm>> -> memref<20000x64xf32, #tpu.memory_space<hbm>>
      tpu.wait_indirect_dma semaphore(%arg25 : memref<!tpu.dma_semaphore, #tpu.memory_space<semaphore_mem>>) src(%dma_wait3A_298 : memref<20000x64xf32, #tpu.memory_space<hbm>>) dst(%arg16 : memref<80x64xf32, #tpu.memory_space<vmem>>)
      %scan3A_299 = arith.constant 0 : i32
      %scan3A_300 = arith.constant 0 : i32
      %scan3A_301 = arith.constant 80 : i32
      %scan3A_302 = arith.addi %scan3A_300, %scan3A_301 : i32
      %scan3A_303 = arith.constant 1 : i32
      scf.for %scan3A_574 = %scan3A_300 to %scan3A_302 step %scan3A_303  : i32 {
        %broadcast_in_dim3A_575 = vector.broadcast %scan3A_574 : i32 to vector<16xi32>
        %gather3A = tpu.vector_load_idx %arg22[%broadcast_in_dim3A_575] : memref<80xf32, #tpu.memory_space<vmem>>[vector<16xi32>], vector<16xf32>,
        %get3A_576 = arith.index_cast %scan3A_574 : i32 to index
        %get3A_577 = arith.constant 0 : index
        %get3A_578 = tpu.vector_load %arg16[%get3A_576, %get3A_577] {strides = array<i32>} : memref<80x64xf32, #tpu.memory_space<vmem>>, vector<16xf32>,
        %mul3A_579 = arith.mulf %get3A_578, %gather3A : vector<16xf32>
        %swap3A_580 = arith.index_cast %scan3A_574 : i32 to index
        %swap3A_581 = arith.constant 0 : index
        %swap3A_582 = tpu.vector_load %arg16[%swap3A_580, %swap3A_581] {strides = array<i32>} : memref<80x64xf32, #tpu.memory_space<vmem>>, vector<16xf32>,
        tpu.vector_store %arg16[%swap3A_580, %swap3A_581], %mul3A_579 {strides = array<i32>} : memref<80x64xf32, #tpu.memory_space<vmem>>, vector<16xf32>,
        %get3A_583 = arith.index_cast %scan3A_574 : i32 to index
        %get3A_584 = arith.constant 16 : index
        %get3A_585 = tpu.vector_load %arg16[%get3A_583, %get3A_584] {strides = array<i32>} : memref<80x64xf32, #tpu.memory_space<vmem>>, vector<16xf32>,
        %mul3A_586 = arith.mulf %get3A_585, %gather3A : vector<16xf32>
        %swap3A_587 = arith.index_cast %scan3A_574 : i32 to index
        %swap3A_588 = arith.constant 16 : index
        %swap3A_589 = tpu.vector_load %arg16[%swap3A_587, %swap3A_588] {strides = array<i32>} : memref<80x64xf32, #tpu.memory_space<vmem>>, vector<16xf32>,
        tpu.vector_store %arg16[%swap3A_587, %swap3A_588], %mul3A_586 {strides = array<i32>} : memref<80x64xf32, #tpu.memory_space<vmem>>, vector<16xf32>,
        %get3A_590 = arith.index_cast %scan3A_574 : i32 to index
        %get3A_591 = arith.constant 32 : index
        %get3A_592 = tpu.vector_load %arg16[%get3A_590, %get3A_591] {strides = array<i32>} : memref<80x64xf32, #tpu.memory_space<vmem>>, vector<16xf32>,
        %mul3A_593 = arith.mulf %get3A_592, %gather3A : vector<16xf32>
        %swap3A_594 = arith.index_cast %scan3A_574 : i32 to index
        %swap3A_595 = arith.constant 32 : index
        %swap3A_596 = tpu.vector_load %arg16[%swap3A_594, %swap3A_595] {strides = array<i32>} : memref<80x64xf32, #tpu.memory_space<vmem>>, vector<16xf32>,
        tpu.vector_store %arg16[%swap3A_594, %swap3A_595], %mul3A_593 {strides = array<i32>} : memref<80x64xf32, #tpu.memory_space<vmem>>, vector<16xf32>,
        %get3A_597 = arith.index_cast %scan3A_574 : i32 to index
        %get3A_598 = arith.constant 48 : index
        %get3A_599 = tpu.vector_load %arg16[%get3A_597, %get3A_598] {strides = array<i32>} : memref<80x64xf32, #tpu.memory_space<vmem>>, vector<16xf32>,
        %mul3A_600 = arith.mulf %get3A_599, %gather3A : vector<16xf32>
        %swap3A_601 = arith.index_cast %scan3A_574 : i32 to index
        %swap3A_602 = arith.constant 48 : index
        %swap3A_603 = tpu.vector_load %arg16[%swap3A_601, %swap3A_602] {strides = array<i32>} : memref<80x64xf32, #tpu.memory_space<vmem>>, vector<16xf32>,
        tpu.vector_store %arg16[%swap3A_601, %swap3A_602], %mul3A_600 {strides = array<i32>} : memref<80x64xf32, #tpu.memory_space<vmem>>, vector<16xf32>,
      }
      %scan3A_304 = arith.constant 80 : i32
      %eq3A_305 = arith.constant 0 : i32
      %eq3A_306 = arith.cmpi eq, %arg0, %eq3A_305 : i32
      %convert_element_type3A_307 = arith.extui %eq3A_306 : i1 to i32
      %cond3A_308 = arith.constant 0 : i32
      %cond3A_309 = arith.cmpi ne, %convert_element_type3A_307, %cond3A_308 : i32
      scf.if %cond3A_309 {
        "tpu.region"() ({
          %run_scoped3A = tpu.sem_alloc : memref<!tpu.dma_semaphore, #tpu.memory_space<semaphore_mem>>
          %dma_start3A_574 = arith.constant 0 : i32
          %dma_start3A_575 = tpu.memref_slice %arg24[%dma_start3A_574] : memref<10000xf32, #tpu.memory_space<vmem_shared>> -> memref<10000xf32, #tpu.memory_space<vmem_shared>>
          tpu.enqueue_indirect_dma source(%arg22 : memref<80xf32, #tpu.memory_space<vmem>>) target(%dma_start3A_575 : memref<10000xf32, #tpu.memory_space<vmem_shared>>) offsets(%arg13 : memref<80xi32, #tpu.memory_space<vmem>>) semaphore(%run_scoped3A : memref<!tpu.dma_semaphore, #tpu.memory_space<semaphore_mem>>) {add = true}
          %dma_wait3A_576 = arith.constant 0 : i32
          %dma_wait3A_577 = tpu.memref_slice %arg24[%dma_wait3A_576] : memref<10000xf32, #tpu.memory_space<vmem_shared>> -> memref<10000xf32, #tpu.memory_space<vmem_shared>>
          tpu.wait_indirect_dma semaphore(%run_scoped3A : memref<!tpu.dma_semaphore, #tpu.memory_space<semaphore_mem>>) src(%arg22 : memref<80xf32, #tpu.memory_space<vmem>>) dst(%dma_wait3A_577 : memref<10000xf32, #tpu.memory_space<vmem_shared>>)
          tpu.yield
        }) : () -> ()
      } else {
      }
      "tpu.region"() ({
        %run_scoped3A = tpu.sem_alloc : memref<!tpu.dma_semaphore, #tpu.memory_space<semaphore_mem>>
        %dma_start3A_574 = arith.constant 0 : i32
        %dma_start3A_575 = arith.constant 0 : i32
        %dma_start3A_576 = tpu.memref_slice %arg23[%dma_start3A_574, %dma_start3A_575] : memref<10000x64xf32, #tpu.memory_space<vmem_shared>> -> memref<10000x64xf32, #tpu.memory_space<vmem_shared>>
        tpu.enqueue_indirect_dma source(%arg16 : memref<80x64xf32, #tpu.memory_space<vmem>>) target(%dma_start3A_576 : memref<10000x64xf32, #tpu.memory_space<vmem_shared>>) offsets(%arg13 : memref<80xi32, #tpu.memory_space<vmem>>) semaphore(%run_scoped3A : memref<!tpu.dma_semaphore, #tpu.memory_space<semaphore_mem>>) {add = true}
        %dma_wait3A_577 = arith.constant 0 : i32
        %dma_wait3A_578 = arith.constant 0 : i32
        %dma_wait3A_579 = tpu.memref_slice %arg23[%dma_wait3A_577, %dma_wait3A_578] : memref<10000x64xf32, #tpu.memory_space<vmem_shared>> -> memref<10000x64xf32, #tpu.memory_space<vmem_shared>>
        tpu.wait_indirect_dma semaphore(%run_scoped3A : memref<!tpu.dma_semaphore, #tpu.memory_space<semaphore_mem>>) src(%arg16 : memref<80x64xf32, #tpu.memory_space<vmem>>) dst(%dma_wait3A_579 : memref<10000x64xf32, #tpu.memory_space<vmem_shared>>)
        tpu.yield
      }) : () -> ()
      %get3A_310 = arith.constant 1920 : index
      %get3A_311 = tpu.vector_load %arg10[%get3A_310] {strides = array<i32>} : memref<2000xi32, #tpu.memory_space<vmem>>, vector<16xi32>,
      %mul3A_312 = arith.constant 2 : i32
      %mul3A_313 = vector.broadcast %mul3A_312 : i32 to vector<16xi32>
      %mul3A_314 = arith.muli %get3A_311, %mul3A_313 : vector<16xi32>
      %add3A_315 = vector.broadcast %arg0 : i32 to vector<16xi32>
      %add3A_316 = arith.addi %mul3A_314, %add3A_315 : vector<16xi32>
      %swap3A_317 = arith.constant 0 : index
      %swap3A_318 = tpu.vector_load %arg12[%swap3A_317] {strides = array<i32>} : memref<80xi32, #tpu.memory_space<vmem>>, vector<16xi32>,
      tpu.vector_store %arg12[%swap3A_317], %add3A_316 {strides = array<i32>} : memref<80xi32, #tpu.memory_space<vmem>>, vector<16xi32>,
      %get3A_319 = arith.constant 1920 : index
      %get3A_320 = tpu.vector_load %arg11[%get3A_319] {strides = array<i32>} : memref<2000xi32, #tpu.memory_space<vmem>>, vector<16xi32>,
      %swap3A_321 = arith.constant 0 : index
      %swap3A_322 = tpu.vector_load %arg13[%swap3A_321] {strides = array<i32>} : memref<80xi32, #tpu.memory_space<vmem>>, vector<16xi32>,
      tpu.vector_store %arg13[%swap3A_321], %get3A_320 {strides = array<i32>} : memref<80xi32, #tpu.memory_space<vmem>>, vector<16xi32>,
      %get3A_323 = arith.constant 1936 : index
      %get3A_324 = tpu.vector_load %arg10[%get3A_323] {strides = array<i32>} : memref<2000xi32, #tpu.memory_space<vmem>>, vector<16xi32>,
      %mul3A_325 = arith.constant 2 : i32
      %mul3A_326 = vector.broadcast %mul3A_325 : i32 to vector<16xi32>
      %mul3A_327 = arith.muli %get3A_324, %mul3A_326 : vector<16xi32>
      %add3A_328 = vector.broadcast %arg0 : i32 to vector<16xi32>
      %add3A_329 = arith.addi %mul3A_327, %add3A_328 : vector<16xi32>
      %swap3A_330 = arith.constant 16 : index
      %swap3A_331 = tpu.vector_load %arg12[%swap3A_330] {strides = array<i32>} : memref<80xi32, #tpu.memory_space<vmem>>, vector<16xi32>,
      tpu.vector_store %arg12[%swap3A_330], %add3A_329 {strides = array<i32>} : memref<80xi32, #tpu.memory_space<vmem>>, vector<16xi32>,
      %get3A_332 = arith.constant 1936 : index
      %get3A_333 = tpu.vector_load %arg11[%get3A_332] {strides = array<i32>} : memref<2000xi32, #tpu.memory_space<vmem>>, vector<16xi32>,
      %swap3A_334 = arith.constant 16 : index
      %swap3A_335 = tpu.vector_load %arg13[%swap3A_334] {strides = array<i32>} : memref<80xi32, #tpu.memory_space<vmem>>, vector<16xi32>,
      tpu.vector_store %arg13[%swap3A_334], %get3A_333 {strides = array<i32>} : memref<80xi32, #tpu.memory_space<vmem>>, vector<16xi32>,
      %get3A_336 = arith.constant 1952 : index
      %get3A_337 = tpu.vector_load %arg10[%get3A_336] {strides = array<i32>} : memref<2000xi32, #tpu.memory_space<vmem>>, vector<16xi32>,
      %mul3A_338 = arith.constant 2 : i32
      %mul3A_339 = vector.broadcast %mul3A_338 : i32 to vector<16xi32>
      %mul3A_340 = arith.muli %get3A_337, %mul3A_339 : vector<16xi32>
      %add3A_341 = vector.broadcast %arg0 : i32 to vector<16xi32>
      %add3A_342 = arith.addi %mul3A_340, %add3A_341 : vector<16xi32>
      %swap3A_343 = arith.constant 32 : index
      %swap3A_344 = tpu.vector_load %arg12[%swap3A_343] {strides = array<i32>} : memref<80xi32, #tpu.memory_space<vmem>>, vector<16xi32>,
      tpu.vector_store %arg12[%swap3A_343], %add3A_342 {strides = array<i32>} : memref<80xi32, #tpu.memory_space<vmem>>, vector<16xi32>,
      %get3A_345 = arith.constant 1952 : index
      %get3A_346 = tpu.vector_load %arg11[%get3A_345] {strides = array<i32>} : memref<2000xi32, #tpu.memory_space<vmem>>, vector<16xi32>,
      %swap3A_347 = arith.constant 32 : index
      %swap3A_348 = tpu.vector_load %arg13[%swap3A_347] {strides = array<i32>} : memref<80xi32, #tpu.memory_space<vmem>>, vector<16xi32>,
      tpu.vector_store %arg13[%swap3A_347], %get3A_346 {strides = array<i32>} : memref<80xi32, #tpu.memory_space<vmem>>, vector<16xi32>,
      %get3A_349 = arith.constant 1968 : index
      %get3A_350 = tpu.vector_load %arg10[%get3A_349] {strides = array<i32>} : memref<2000xi32, #tpu.memory_space<vmem>>, vector<16xi32>,
      %mul3A_351 = arith.constant 2 : i32
      %mul3A_352 = vector.broadcast %mul3A_351 : i32 to vector<16xi32>
      %mul3A_353 = arith.muli %get3A_350, %mul3A_352 : vector<16xi32>
      %add3A_354 = vector.broadcast %arg0 : i32 to vector<16xi32>
      %add3A_355 = arith.addi %mul3A_353, %add3A_354 : vector<16xi32>
      %swap3A_356 = arith.constant 48 : index
      %swap3A_357 = tpu.vector_load %arg12[%swap3A_356] {strides = array<i32>} : memref<80xi32, #tpu.memory_space<vmem>>, vector<16xi32>,
      tpu.vector_store %arg12[%swap3A_356], %add3A_355 {strides = array<i32>} : memref<80xi32, #tpu.memory_space<vmem>>, vector<16xi32>,
      %get3A_358 = arith.constant 1968 : index
      %get3A_359 = tpu.vector_load %arg11[%get3A_358] {strides = array<i32>} : memref<2000xi32, #tpu.memory_space<vmem>>, vector<16xi32>,
      %swap3A_360 = arith.constant 48 : index
      %swap3A_361 = tpu.vector_load %arg13[%swap3A_360] {strides = array<i32>} : memref<80xi32, #tpu.memory_space<vmem>>, vector<16xi32>,
      tpu.vector_store %arg13[%swap3A_360], %get3A_359 {strides = array<i32>} : memref<80xi32, #tpu.memory_space<vmem>>, vector<16xi32>,
      %get3A_362 = arith.constant 1984 : index
      %get3A_363 = tpu.vector_load %arg10[%get3A_362] {strides = array<i32>} : memref<2000xi32, #tpu.memory_space<vmem>>, vector<16xi32>,
      %mul3A_364 = arith.constant 2 : i32
      %mul3A_365 = vector.broadcast %mul3A_364 : i32 to vector<16xi32>
      %mul3A_366 = arith.muli %get3A_363, %mul3A_365 : vector<16xi32>
      %add3A_367 = vector.broadcast %arg0 : i32 to vector<16xi32>
      %add3A_368 = arith.addi %mul3A_366, %add3A_367 : vector<16xi32>
      %swap3A_369 = arith.constant 64 : index
      %swap3A_370 = tpu.vector_load %arg12[%swap3A_369] {strides = array<i32>} : memref<80xi32, #tpu.memory_space<vmem>>, vector<16xi32>,
      tpu.vector_store %arg12[%swap3A_369], %add3A_368 {strides = array<i32>} : memref<80xi32, #tpu.memory_space<vmem>>, vector<16xi32>,
      %get3A_371 = arith.constant 1984 : index
      %get3A_372 = tpu.vector_load %arg11[%get3A_371] {strides = array<i32>} : memref<2000xi32, #tpu.memory_space<vmem>>, vector<16xi32>,
      %swap3A_373 = arith.constant 64 : index
      %swap3A_374 = tpu.vector_load %arg13[%swap3A_373] {strides = array<i32>} : memref<80xi32, #tpu.memory_space<vmem>>, vector<16xi32>,
      tpu.vector_store %arg13[%swap3A_373], %get3A_372 {strides = array<i32>} : memref<80xi32, #tpu.memory_space<vmem>>, vector<16xi32>,
      %dma_start3A_375 = arith.constant 0 : i32
      %dma_start3A_376 = arith.constant 0 : i32
      %dma_start3A_377 = tpu.memref_slice %arg2[%dma_start3A_375, %dma_start3A_376] : memref<20000x64xf32, #tpu.memory_space<hbm>> -> memref<20000x64xf32, #tpu.memory_space<hbm>>
      tpu.enqueue_indirect_dma source(%dma_start3A_377 : memref<20000x64xf32, #tpu.memory_space<hbm>>) target(%arg16 : memref<80x64xf32, #tpu.memory_space<vmem>>) offsets(%arg12 : memref<80xi32, #tpu.memory_space<vmem>>) semaphore(%arg25 : memref<!tpu.dma_semaphore, #tpu.memory_space<semaphore_mem>>)
      %dma_start3A_378 = arith.constant 1920 : i32
      %dma_start3A_379 = tpu.memref_slice %arg10[%dma_start3A_378] : memref<2000xi32, #tpu.memory_space<vmem>> -> memref<80xi32, #tpu.memory_space<vmem>>
      %dma_start3A_380 = arith.constant 0 : i32
      %dma_start3A_381 = tpu.memref_slice %arg3[%dma_start3A_380] : memref<10000xf32, #tpu.memory_space<hbm>> -> memref<10000xf32, #tpu.memory_space<hbm>>
      tpu.enqueue_indirect_dma source(%dma_start3A_381 : memref<10000xf32, #tpu.memory_space<hbm>>) target(%arg14 : memref<80xf32, #tpu.memory_space<vmem>>) offsets(%dma_start3A_379 : memref<80xi32, #tpu.memory_space<vmem>>) semaphore(%arg26 : memref<!tpu.dma_semaphore, #tpu.memory_space<semaphore_mem>>)
      %dma_start3A_382 = arith.constant 0 : i32
      %dma_start3A_383 = tpu.memref_slice %arg4[%dma_start3A_382] : memref<10000xf32, #tpu.memory_space<hbm>> -> memref<10000xf32, #tpu.memory_space<hbm>>
      tpu.enqueue_indirect_dma source(%dma_start3A_383 : memref<10000xf32, #tpu.memory_space<hbm>>) target(%arg15 : memref<80xf32, #tpu.memory_space<vmem>>) offsets(%arg13 : memref<80xi32, #tpu.memory_space<vmem>>) semaphore(%arg26 : memref<!tpu.dma_semaphore, #tpu.memory_space<semaphore_mem>>)
      %dma_wait3A_384 = arith.constant 0 : i32
      %dma_wait3A_385 = tpu.memref_slice %arg10[%dma_wait3A_384] : memref<2000xi32, #tpu.memory_space<vmem>> -> memref<80xi32, #tpu.memory_space<vmem>>
      %dma_wait3A_386 = arith.constant 0 : i32
      %dma_wait3A_387 = tpu.memref_slice %arg3[%dma_wait3A_386] : memref<10000xf32, #tpu.memory_space<hbm>> -> memref<10000xf32, #tpu.memory_space<hbm>>
      tpu.wait_indirect_dma semaphore(%arg28 : memref<!tpu.dma_semaphore, #tpu.memory_space<semaphore_mem>>) src(%dma_wait3A_387 : memref<10000xf32, #tpu.memory_space<hbm>>) dst(%arg19 : memref<80xf32, #tpu.memory_space<vmem>>)
      %dma_wait3A_388 = arith.constant 0 : i32
      %dma_wait3A_389 = tpu.memref_slice %arg4[%dma_wait3A_388] : memref<10000xf32, #tpu.memory_space<hbm>> -> memref<10000xf32, #tpu.memory_space<hbm>>
      tpu.wait_indirect_dma semaphore(%arg28 : memref<!tpu.dma_semaphore, #tpu.memory_space<semaphore_mem>>) src(%dma_wait3A_389 : memref<10000xf32, #tpu.memory_space<hbm>>) dst(%arg20 : memref<80xf32, #tpu.memory_space<vmem>>)
      %get3A_390 = arith.constant 0 : index
      %get3A_391 = tpu.vector_load %arg19[%get3A_390] {strides = array<i32>} : memref<80xf32, #tpu.memory_space<vmem>>, vector<16xf32>,
      %get3A_392 = arith.constant 0 : index
      %get3A_393 = tpu.vector_load %arg20[%get3A_392] {strides = array<i32>} : memref<80xf32, #tpu.memory_space<vmem>>, vector<16xf32>,
      %add3A_394 = arith.addf %get3A_391, %get3A_393 : vector<16xf32>
      %ge3A_395 = arith.constant 0.000000e+00 : f32
      %ge3A_396 = vector.broadcast %ge3A_395 : f32 to vector<16xf32>
      %ge3A_397 = arith.cmpf oge, %add3A_394, %ge3A_396 : vector<16xf32>
      %mul3A_398 = arith.constant 2.000000e-01 : f32
      %mul3A_399 = vector.broadcast %mul3A_398 : f32 to vector<16xf32>
      %mul3A_400 = arith.mulf %mul3A_399, %add3A_394 : vector<16xf32>
      %select_n3A_401 = arith.select %ge3A_397, %add3A_394, %mul3A_400 : vector<16xi1>, vector<16xf32>
      %exp3A_402 = math.exp %select_n3A_401 : vector<16xf32>
      %swap3A_403 = arith.constant 0 : index
      %swap3A_404 = tpu.vector_load %arg22[%swap3A_403] {strides = array<i32>} : memref<80xf32, #tpu.memory_space<vmem>>, vector<16xf32>,
      tpu.vector_store %arg22[%swap3A_403], %exp3A_402 {strides = array<i32>} : memref<80xf32, #tpu.memory_space<vmem>>, vector<16xf32>,
      %get3A_405 = arith.constant 16 : index
      %get3A_406 = tpu.vector_load %arg19[%get3A_405] {strides = array<i32>} : memref<80xf32, #tpu.memory_space<vmem>>, vector<16xf32>,
      %get3A_407 = arith.constant 16 : index
      %get3A_408 = tpu.vector_load %arg20[%get3A_407] {strides = array<i32>} : memref<80xf32, #tpu.memory_space<vmem>>, vector<16xf32>,
      %add3A_409 = arith.addf %get3A_406, %get3A_408 : vector<16xf32>
      %ge3A_410 = arith.constant 0.000000e+00 : f32
      %ge3A_411 = vector.broadcast %ge3A_410 : f32 to vector<16xf32>
      %ge3A_412 = arith.cmpf oge, %add3A_409, %ge3A_411 : vector<16xf32>
      %mul3A_413 = arith.constant 2.000000e-01 : f32
      %mul3A_414 = vector.broadcast %mul3A_413 : f32 to vector<16xf32>
      %mul3A_415 = arith.mulf %mul3A_414, %add3A_409 : vector<16xf32>
      %select_n3A_416 = arith.select %ge3A_412, %add3A_409, %mul3A_415 : vector<16xi1>, vector<16xf32>
      %exp3A_417 = math.exp %select_n3A_416 : vector<16xf32>
      %swap3A_418 = arith.constant 16 : index
      %swap3A_419 = tpu.vector_load %arg22[%swap3A_418] {strides = array<i32>} : memref<80xf32, #tpu.memory_space<vmem>>, vector<16xf32>,
      tpu.vector_store %arg22[%swap3A_418], %exp3A_417 {strides = array<i32>} : memref<80xf32, #tpu.memory_space<vmem>>, vector<16xf32>,
      %get3A_420 = arith.constant 32 : index
      %get3A_421 = tpu.vector_load %arg19[%get3A_420] {strides = array<i32>} : memref<80xf32, #tpu.memory_space<vmem>>, vector<16xf32>,
      %get3A_422 = arith.constant 32 : index
      %get3A_423 = tpu.vector_load %arg20[%get3A_422] {strides = array<i32>} : memref<80xf32, #tpu.memory_space<vmem>>, vector<16xf32>,
      %add3A_424 = arith.addf %get3A_421, %get3A_423 : vector<16xf32>
      %ge3A_425 = arith.constant 0.000000e+00 : f32
      %ge3A_426 = vector.broadcast %ge3A_425 : f32 to vector<16xf32>
      %ge3A_427 = arith.cmpf oge, %add3A_424, %ge3A_426 : vector<16xf32>
      %mul3A_428 = arith.constant 2.000000e-01 : f32
      %mul3A_429 = vector.broadcast %mul3A_428 : f32 to vector<16xf32>
      %mul3A_430 = arith.mulf %mul3A_429, %add3A_424 : vector<16xf32>
      %select_n3A_431 = arith.select %ge3A_427, %add3A_424, %mul3A_430 : vector<16xi1>, vector<16xf32>
      %exp3A_432 = math.exp %select_n3A_431 : vector<16xf32>
      %swap3A_433 = arith.constant 32 : index
      %swap3A_434 = tpu.vector_load %arg22[%swap3A_433] {strides = array<i32>} : memref<80xf32, #tpu.memory_space<vmem>>, vector<16xf32>,
      tpu.vector_store %arg22[%swap3A_433], %exp3A_432 {strides = array<i32>} : memref<80xf32, #tpu.memory_space<vmem>>, vector<16xf32>,
      %get3A_435 = arith.constant 48 : index
      %get3A_436 = tpu.vector_load %arg19[%get3A_435] {strides = array<i32>} : memref<80xf32, #tpu.memory_space<vmem>>, vector<16xf32>,
      %get3A_437 = arith.constant 48 : index
      %get3A_438 = tpu.vector_load %arg20[%get3A_437] {strides = array<i32>} : memref<80xf32, #tpu.memory_space<vmem>>, vector<16xf32>,
      %add3A_439 = arith.addf %get3A_436, %get3A_438 : vector<16xf32>
      %ge3A_440 = arith.constant 0.000000e+00 : f32
      %ge3A_441 = vector.broadcast %ge3A_440 : f32 to vector<16xf32>
      %ge3A_442 = arith.cmpf oge, %add3A_439, %ge3A_441 : vector<16xf32>
      %mul3A_443 = arith.constant 2.000000e-01 : f32
      %mul3A_444 = vector.broadcast %mul3A_443 : f32 to vector<16xf32>
      %mul3A_445 = arith.mulf %mul3A_444, %add3A_439 : vector<16xf32>
      %select_n3A_446 = arith.select %ge3A_442, %add3A_439, %mul3A_445 : vector<16xi1>, vector<16xf32>
      %exp3A_447 = math.exp %select_n3A_446 : vector<16xf32>
      %swap3A_448 = arith.constant 48 : index
      %swap3A_449 = tpu.vector_load %arg22[%swap3A_448] {strides = array<i32>} : memref<80xf32, #tpu.memory_space<vmem>>, vector<16xf32>,
      tpu.vector_store %arg22[%swap3A_448], %exp3A_447 {strides = array<i32>} : memref<80xf32, #tpu.memory_space<vmem>>, vector<16xf32>,
      %get3A_450 = arith.constant 64 : index
      %get3A_451 = tpu.vector_load %arg19[%get3A_450] {strides = array<i32>} : memref<80xf32, #tpu.memory_space<vmem>>, vector<16xf32>,
      %get3A_452 = arith.constant 64 : index
      %get3A_453 = tpu.vector_load %arg20[%get3A_452] {strides = array<i32>} : memref<80xf32, #tpu.memory_space<vmem>>, vector<16xf32>,
      %add3A_454 = arith.addf %get3A_451, %get3A_453 : vector<16xf32>
      %ge3A_455 = arith.constant 0.000000e+00 : f32
      %ge3A_456 = vector.broadcast %ge3A_455 : f32 to vector<16xf32>
      %ge3A_457 = arith.cmpf oge, %add3A_454, %ge3A_456 : vector<16xf32>
      %mul3A_458 = arith.constant 2.000000e-01 : f32
      %mul3A_459 = vector.broadcast %mul3A_458 : f32 to vector<16xf32>
      %mul3A_460 = arith.mulf %mul3A_459, %add3A_454 : vector<16xf32>
      %select_n3A_461 = arith.select %ge3A_457, %add3A_454, %mul3A_460 : vector<16xi1>, vector<16xf32>
      %exp3A_462 = math.exp %select_n3A_461 : vector<16xf32>
      %swap3A_463 = arith.constant 64 : index
      %swap3A_464 = tpu.vector_load %arg22[%swap3A_463] {strides = array<i32>} : memref<80xf32, #tpu.memory_space<vmem>>, vector<16xf32>,
      tpu.vector_store %arg22[%swap3A_463], %exp3A_462 {strides = array<i32>} : memref<80xf32, #tpu.memory_space<vmem>>, vector<16xf32>,
      %dma_wait3A_465 = arith.constant 0 : i32
      %dma_wait3A_466 = arith.constant 0 : i32
      %dma_wait3A_467 = tpu.memref_slice %arg2[%dma_wait3A_465, %dma_wait3A_466] : memref<20000x64xf32, #tpu.memory_space<hbm>> -> memref<20000x64xf32, #tpu.memory_space<hbm>>
      tpu.wait_indirect_dma semaphore(%arg27 : memref<!tpu.dma_semaphore, #tpu.memory_space<semaphore_mem>>) src(%dma_wait3A_467 : memref<20000x64xf32, #tpu.memory_space<hbm>>) dst(%arg21 : memref<80x64xf32, #tpu.memory_space<vmem>>)
      %scan3A_468 = arith.constant 0 : i32
      %scan3A_469 = arith.constant 0 : i32
      %scan3A_470 = arith.constant 80 : i32
      %scan3A_471 = arith.addi %scan3A_469, %scan3A_470 : i32
      %scan3A_472 = arith.constant 1 : i32
      scf.for %scan3A_574 = %scan3A_469 to %scan3A_471 step %scan3A_472  : i32 {
        %broadcast_in_dim3A_575 = vector.broadcast %scan3A_574 : i32 to vector<16xi32>
        %gather3A = tpu.vector_load_idx %arg22[%broadcast_in_dim3A_575] : memref<80xf32, #tpu.memory_space<vmem>>[vector<16xi32>], vector<16xf32>,
        %get3A_576 = arith.index_cast %scan3A_574 : i32 to index
        %get3A_577 = arith.constant 0 : index
        %get3A_578 = tpu.vector_load %arg21[%get3A_576, %get3A_577] {strides = array<i32>} : memref<80x64xf32, #tpu.memory_space<vmem>>, vector<16xf32>,
        %mul3A_579 = arith.mulf %get3A_578, %gather3A : vector<16xf32>
        %swap3A_580 = arith.index_cast %scan3A_574 : i32 to index
        %swap3A_581 = arith.constant 0 : index
        %swap3A_582 = tpu.vector_load %arg21[%swap3A_580, %swap3A_581] {strides = array<i32>} : memref<80x64xf32, #tpu.memory_space<vmem>>, vector<16xf32>,
        tpu.vector_store %arg21[%swap3A_580, %swap3A_581], %mul3A_579 {strides = array<i32>} : memref<80x64xf32, #tpu.memory_space<vmem>>, vector<16xf32>,
        %get3A_583 = arith.index_cast %scan3A_574 : i32 to index
        %get3A_584 = arith.constant 16 : index
        %get3A_585 = tpu.vector_load %arg21[%get3A_583, %get3A_584] {strides = array<i32>} : memref<80x64xf32, #tpu.memory_space<vmem>>, vector<16xf32>,
        %mul3A_586 = arith.mulf %get3A_585, %gather3A : vector<16xf32>
        %swap3A_587 = arith.index_cast %scan3A_574 : i32 to index
        %swap3A_588 = arith.constant 16 : index
        %swap3A_589 = tpu.vector_load %arg21[%swap3A_587, %swap3A_588] {strides = array<i32>} : memref<80x64xf32, #tpu.memory_space<vmem>>, vector<16xf32>,
        tpu.vector_store %arg21[%swap3A_587, %swap3A_588], %mul3A_586 {strides = array<i32>} : memref<80x64xf32, #tpu.memory_space<vmem>>, vector<16xf32>,
        %get3A_590 = arith.index_cast %scan3A_574 : i32 to index
        %get3A_591 = arith.constant 32 : index
        %get3A_592 = tpu.vector_load %arg21[%get3A_590, %get3A_591] {strides = array<i32>} : memref<80x64xf32, #tpu.memory_space<vmem>>, vector<16xf32>,
        %mul3A_593 = arith.mulf %get3A_592, %gather3A : vector<16xf32>
        %swap3A_594 = arith.index_cast %scan3A_574 : i32 to index
        %swap3A_595 = arith.constant 32 : index
        %swap3A_596 = tpu.vector_load %arg21[%swap3A_594, %swap3A_595] {strides = array<i32>} : memref<80x64xf32, #tpu.memory_space<vmem>>, vector<16xf32>,
        tpu.vector_store %arg21[%swap3A_594, %swap3A_595], %mul3A_593 {strides = array<i32>} : memref<80x64xf32, #tpu.memory_space<vmem>>, vector<16xf32>,
        %get3A_597 = arith.index_cast %scan3A_574 : i32 to index
        %get3A_598 = arith.constant 48 : index
        %get3A_599 = tpu.vector_load %arg21[%get3A_597, %get3A_598] {strides = array<i32>} : memref<80x64xf32, #tpu.memory_space<vmem>>, vector<16xf32>,
        %mul3A_600 = arith.mulf %get3A_599, %gather3A : vector<16xf32>
        %swap3A_601 = arith.index_cast %scan3A_574 : i32 to index
        %swap3A_602 = arith.constant 48 : index
        %swap3A_603 = tpu.vector_load %arg21[%swap3A_601, %swap3A_602] {strides = array<i32>} : memref<80x64xf32, #tpu.memory_space<vmem>>, vector<16xf32>,
        tpu.vector_store %arg21[%swap3A_601, %swap3A_602], %mul3A_600 {strides = array<i32>} : memref<80x64xf32, #tpu.memory_space<vmem>>, vector<16xf32>,
      }
      %scan3A_473 = arith.constant 80 : i32
      %eq3A_474 = arith.constant 0 : i32
      %eq3A_475 = arith.cmpi eq, %arg0, %eq3A_474 : i32
      %convert_element_type3A_476 = arith.extui %eq3A_475 : i1 to i32
      %cond3A_477 = arith.constant 0 : i32
      %cond3A_478 = arith.cmpi ne, %convert_element_type3A_476, %cond3A_477 : i32
      scf.if %cond3A_478 {
        "tpu.region"() ({
          %run_scoped3A = tpu.sem_alloc : memref<!tpu.dma_semaphore, #tpu.memory_space<semaphore_mem>>
          %dma_start3A_574 = arith.constant 0 : i32
          %dma_start3A_575 = tpu.memref_slice %arg24[%dma_start3A_574] : memref<10000xf32, #tpu.memory_space<vmem_shared>> -> memref<10000xf32, #tpu.memory_space<vmem_shared>>
          tpu.enqueue_indirect_dma source(%arg22 : memref<80xf32, #tpu.memory_space<vmem>>) target(%dma_start3A_575 : memref<10000xf32, #tpu.memory_space<vmem_shared>>) offsets(%arg18 : memref<80xi32, #tpu.memory_space<vmem>>) semaphore(%run_scoped3A : memref<!tpu.dma_semaphore, #tpu.memory_space<semaphore_mem>>) {add = true}
          %dma_wait3A_576 = arith.constant 0 : i32
          %dma_wait3A_577 = tpu.memref_slice %arg24[%dma_wait3A_576] : memref<10000xf32, #tpu.memory_space<vmem_shared>> -> memref<10000xf32, #tpu.memory_space<vmem_shared>>
          tpu.wait_indirect_dma semaphore(%run_scoped3A : memref<!tpu.dma_semaphore, #tpu.memory_space<semaphore_mem>>) src(%arg22 : memref<80xf32, #tpu.memory_space<vmem>>) dst(%dma_wait3A_577 : memref<10000xf32, #tpu.memory_space<vmem_shared>>)
          tpu.yield
        }) : () -> ()
      } else {
      }
      "tpu.region"() ({
        %run_scoped3A = tpu.sem_alloc : memref<!tpu.dma_semaphore, #tpu.memory_space<semaphore_mem>>
        %dma_start3A_574 = arith.constant 0 : i32
        %dma_start3A_575 = arith.constant 0 : i32
        %dma_start3A_576 = tpu.memref_slice %arg23[%dma_start3A_574, %dma_start3A_575] : memref<10000x64xf32, #tpu.memory_space<vmem_shared>> -> memref<10000x64xf32, #tpu.memory_space<vmem_shared>>
        tpu.enqueue_indirect_dma source(%arg21 : memref<80x64xf32, #tpu.memory_space<vmem>>) target(%dma_start3A_576 : memref<10000x64xf32, #tpu.memory_space<vmem_shared>>) offsets(%arg18 : memref<80xi32, #tpu.memory_space<vmem>>) semaphore(%run_scoped3A : memref<!tpu.dma_semaphore, #tpu.memory_space<semaphore_mem>>) {add = true}
        %dma_wait3A_577 = arith.constant 0 : i32
        %dma_wait3A_578 = arith.constant 0 : i32
        %dma_wait3A_579 = tpu.memref_slice %arg23[%dma_wait3A_577, %dma_wait3A_578] : memref<10000x64xf32, #tpu.memory_space<vmem_shared>> -> memref<10000x64xf32, #tpu.memory_space<vmem_shared>>
        tpu.wait_indirect_dma semaphore(%run_scoped3A : memref<!tpu.dma_semaphore, #tpu.memory_space<semaphore_mem>>) src(%arg21 : memref<80x64xf32, #tpu.memory_space<vmem>>) dst(%dma_wait3A_579 : memref<10000x64xf32, #tpu.memory_space<vmem_shared>>)
        tpu.yield
      }) : () -> ()
      %dma_wait3A_479 = arith.constant 0 : i32
      %dma_wait3A_480 = tpu.memref_slice %arg10[%dma_wait3A_479] : memref<2000xi32, #tpu.memory_space<vmem>> -> memref<80xi32, #tpu.memory_space<vmem>>
      %dma_wait3A_481 = arith.constant 0 : i32
      %dma_wait3A_482 = tpu.memref_slice %arg3[%dma_wait3A_481] : memref<10000xf32, #tpu.memory_space<hbm>> -> memref<10000xf32, #tpu.memory_space<hbm>>
      tpu.wait_indirect_dma semaphore(%arg26 : memref<!tpu.dma_semaphore, #tpu.memory_space<semaphore_mem>>) src(%dma_wait3A_482 : memref<10000xf32, #tpu.memory_space<hbm>>) dst(%arg14 : memref<80xf32, #tpu.memory_space<vmem>>)
      %dma_wait3A_483 = arith.constant 0 : i32
      %dma_wait3A_484 = tpu.memref_slice %arg4[%dma_wait3A_483] : memref<10000xf32, #tpu.memory_space<hbm>> -> memref<10000xf32, #tpu.memory_space<hbm>>
      tpu.wait_indirect_dma semaphore(%arg26 : memref<!tpu.dma_semaphore, #tpu.memory_space<semaphore_mem>>) src(%dma_wait3A_484 : memref<10000xf32, #tpu.memory_space<hbm>>) dst(%arg15 : memref<80xf32, #tpu.memory_space<vmem>>)
      %get3A_485 = arith.constant 0 : index
      %get3A_486 = tpu.vector_load %arg14[%get3A_485] {strides = array<i32>} : memref<80xf32, #tpu.memory_space<vmem>>, vector<16xf32>,
      %get3A_487 = arith.constant 0 : index
      %get3A_488 = tpu.vector_load %arg15[%get3A_487] {strides = array<i32>} : memref<80xf32, #tpu.memory_space<vmem>>, vector<16xf32>,
      %add3A_489 = arith.addf %get3A_486, %get3A_488 : vector<16xf32>
      %ge3A_490 = arith.constant 0.000000e+00 : f32
      %ge3A_491 = vector.broadcast %ge3A_490 : f32 to vector<16xf32>
      %ge3A_492 = arith.cmpf oge, %add3A_489, %ge3A_491 : vector<16xf32>
      %mul3A_493 = arith.constant 2.000000e-01 : f32
      %mul3A_494 = vector.broadcast %mul3A_493 : f32 to vector<16xf32>
      %mul3A_495 = arith.mulf %mul3A_494, %add3A_489 : vector<16xf32>
      %select_n3A_496 = arith.select %ge3A_492, %add3A_489, %mul3A_495 : vector<16xi1>, vector<16xf32>
      %exp3A_497 = math.exp %select_n3A_496 : vector<16xf32>
      %swap3A_498 = arith.constant 0 : index
      %swap3A_499 = tpu.vector_load %arg22[%swap3A_498] {strides = array<i32>} : memref<80xf32, #tpu.memory_space<vmem>>, vector<16xf32>,
      tpu.vector_store %arg22[%swap3A_498], %exp3A_497 {strides = array<i32>} : memref<80xf32, #tpu.memory_space<vmem>>, vector<16xf32>,
      %get3A_500 = arith.constant 16 : index
      %get3A_501 = tpu.vector_load %arg14[%get3A_500] {strides = array<i32>} : memref<80xf32, #tpu.memory_space<vmem>>, vector<16xf32>,
      %get3A_502 = arith.constant 16 : index
      %get3A_503 = tpu.vector_load %arg15[%get3A_502] {strides = array<i32>} : memref<80xf32, #tpu.memory_space<vmem>>, vector<16xf32>,
      %add3A_504 = arith.addf %get3A_501, %get3A_503 : vector<16xf32>
      %ge3A_505 = arith.constant 0.000000e+00 : f32
      %ge3A_506 = vector.broadcast %ge3A_505 : f32 to vector<16xf32>
      %ge3A_507 = arith.cmpf oge, %add3A_504, %ge3A_506 : vector<16xf32>
      %mul3A_508 = arith.constant 2.000000e-01 : f32
      %mul3A_509 = vector.broadcast %mul3A_508 : f32 to vector<16xf32>
      %mul3A_510 = arith.mulf %mul3A_509, %add3A_504 : vector<16xf32>
      %select_n3A_511 = arith.select %ge3A_507, %add3A_504, %mul3A_510 : vector<16xi1>, vector<16xf32>
      %exp3A_512 = math.exp %select_n3A_511 : vector<16xf32>
      %swap3A_513 = arith.constant 16 : index
      %swap3A_514 = tpu.vector_load %arg22[%swap3A_513] {strides = array<i32>} : memref<80xf32, #tpu.memory_space<vmem>>, vector<16xf32>,
      tpu.vector_store %arg22[%swap3A_513], %exp3A_512 {strides = array<i32>} : memref<80xf32, #tpu.memory_space<vmem>>, vector<16xf32>,
      %get3A_515 = arith.constant 32 : index
      %get3A_516 = tpu.vector_load %arg14[%get3A_515] {strides = array<i32>} : memref<80xf32, #tpu.memory_space<vmem>>, vector<16xf32>,
      %get3A_517 = arith.constant 32 : index
      %get3A_518 = tpu.vector_load %arg15[%get3A_517] {strides = array<i32>} : memref<80xf32, #tpu.memory_space<vmem>>, vector<16xf32>,
      %add3A_519 = arith.addf %get3A_516, %get3A_518 : vector<16xf32>
      %ge3A_520 = arith.constant 0.000000e+00 : f32
      %ge3A_521 = vector.broadcast %ge3A_520 : f32 to vector<16xf32>
      %ge3A_522 = arith.cmpf oge, %add3A_519, %ge3A_521 : vector<16xf32>
      %mul3A_523 = arith.constant 2.000000e-01 : f32
      %mul3A_524 = vector.broadcast %mul3A_523 : f32 to vector<16xf32>
      %mul3A_525 = arith.mulf %mul3A_524, %add3A_519 : vector<16xf32>
      %select_n3A_526 = arith.select %ge3A_522, %add3A_519, %mul3A_525 : vector<16xi1>, vector<16xf32>
      %exp3A_527 = math.exp %select_n3A_526 : vector<16xf32>
      %swap3A_528 = arith.constant 32 : index
      %swap3A_529 = tpu.vector_load %arg22[%swap3A_528] {strides = array<i32>} : memref<80xf32, #tpu.memory_space<vmem>>, vector<16xf32>,
      tpu.vector_store %arg22[%swap3A_528], %exp3A_527 {strides = array<i32>} : memref<80xf32, #tpu.memory_space<vmem>>, vector<16xf32>,
      %get3A_530 = arith.constant 48 : index
      %get3A_531 = tpu.vector_load %arg14[%get3A_530] {strides = array<i32>} : memref<80xf32, #tpu.memory_space<vmem>>, vector<16xf32>,
      %get3A_532 = arith.constant 48 : index
      %get3A_533 = tpu.vector_load %arg15[%get3A_532] {strides = array<i32>} : memref<80xf32, #tpu.memory_space<vmem>>, vector<16xf32>,
      %add3A_534 = arith.addf %get3A_531, %get3A_533 : vector<16xf32>
      %ge3A_535 = arith.constant 0.000000e+00 : f32
      %ge3A_536 = vector.broadcast %ge3A_535 : f32 to vector<16xf32>
      %ge3A_537 = arith.cmpf oge, %add3A_534, %ge3A_536 : vector<16xf32>
      %mul3A_538 = arith.constant 2.000000e-01 : f32
      %mul3A_539 = vector.broadcast %mul3A_538 : f32 to vector<16xf32>
      %mul3A_540 = arith.mulf %mul3A_539, %add3A_534 : vector<16xf32>
      %select_n3A_541 = arith.select %ge3A_537, %add3A_534, %mul3A_540 : vector<16xi1>, vector<16xf32>
      %exp3A_542 = math.exp %select_n3A_541 : vector<16xf32>
      %swap3A_543 = arith.constant 48 : index
      %swap3A_544 = tpu.vector_load %arg22[%swap3A_543] {strides = array<i32>} : memref<80xf32, #tpu.memory_space<vmem>>, vector<16xf32>,
      tpu.vector_store %arg22[%swap3A_543], %exp3A_542 {strides = array<i32>} : memref<80xf32, #tpu.memory_space<vmem>>, vector<16xf32>,
      %get3A_545 = arith.constant 64 : index
      %get3A_546 = tpu.vector_load %arg14[%get3A_545] {strides = array<i32>} : memref<80xf32, #tpu.memory_space<vmem>>, vector<16xf32>,
      %get3A_547 = arith.constant 64 : index
      %get3A_548 = tpu.vector_load %arg15[%get3A_547] {strides = array<i32>} : memref<80xf32, #tpu.memory_space<vmem>>, vector<16xf32>,
      %add3A_549 = arith.addf %get3A_546, %get3A_548 : vector<16xf32>
      %ge3A_550 = arith.constant 0.000000e+00 : f32
      %ge3A_551 = vector.broadcast %ge3A_550 : f32 to vector<16xf32>
      %ge3A_552 = arith.cmpf oge, %add3A_549, %ge3A_551 : vector<16xf32>
      %mul3A_553 = arith.constant 2.000000e-01 : f32
      %mul3A_554 = vector.broadcast %mul3A_553 : f32 to vector<16xf32>
      %mul3A_555 = arith.mulf %mul3A_554, %add3A_549 : vector<16xf32>
      %select_n3A_556 = arith.select %ge3A_552, %add3A_549, %mul3A_555 : vector<16xi1>, vector<16xf32>
      %exp3A_557 = math.exp %select_n3A_556 : vector<16xf32>
      %swap3A_558 = arith.constant 64 : index
      %swap3A_559 = tpu.vector_load %arg22[%swap3A_558] {strides = array<i32>} : memref<80xf32, #tpu.memory_space<vmem>>, vector<16xf32>,
      tpu.vector_store %arg22[%swap3A_558], %exp3A_557 {strides = array<i32>} : memref<80xf32, #tpu.memory_space<vmem>>, vector<16xf32>,
      %dma_wait3A_560 = arith.constant 0 : i32
      %dma_wait3A_561 = arith.constant 0 : i32
      %dma_wait3A_562 = tpu.memref_slice %arg2[%dma_wait3A_560, %dma_wait3A_561] : memref<20000x64xf32, #tpu.memory_space<hbm>> -> memref<20000x64xf32, #tpu.memory_space<hbm>>
      tpu.wait_indirect_dma semaphore(%arg25 : memref<!tpu.dma_semaphore, #tpu.memory_space<semaphore_mem>>) src(%dma_wait3A_562 : memref<20000x64xf32, #tpu.memory_space<hbm>>) dst(%arg16 : memref<80x64xf32, #tpu.memory_space<vmem>>)
      %scan3A_563 = arith.constant 0 : i32
      %scan3A_564 = arith.constant 0 : i32
      %scan3A_565 = arith.constant 80 : i32
      %scan3A_566 = arith.addi %scan3A_564, %scan3A_565 : i32
      %scan3A_567 = arith.constant 1 : i32
      scf.for %scan3A_574 = %scan3A_564 to %scan3A_566 step %scan3A_567  : i32 {
        %broadcast_in_dim3A_575 = vector.broadcast %scan3A_574 : i32 to vector<16xi32>
        %gather3A = tpu.vector_load_idx %arg22[%broadcast_in_dim3A_575] : memref<80xf32, #tpu.memory_space<vmem>>[vector<16xi32>], vector<16xf32>,
        %get3A_576 = arith.index_cast %scan3A_574 : i32 to index
        %get3A_577 = arith.constant 0 : index
        %get3A_578 = tpu.vector_load %arg16[%get3A_576, %get3A_577] {strides = array<i32>} : memref<80x64xf32, #tpu.memory_space<vmem>>, vector<16xf32>,
        %mul3A_579 = arith.mulf %get3A_578, %gather3A : vector<16xf32>
        %swap3A_580 = arith.index_cast %scan3A_574 : i32 to index
        %swap3A_581 = arith.constant 0 : index
        %swap3A_582 = tpu.vector_load %arg16[%swap3A_580, %swap3A_581] {strides = array<i32>} : memref<80x64xf32, #tpu.memory_space<vmem>>, vector<16xf32>,
        tpu.vector_store %arg16[%swap3A_580, %swap3A_581], %mul3A_579 {strides = array<i32>} : memref<80x64xf32, #tpu.memory_space<vmem>>, vector<16xf32>,
        %get3A_583 = arith.index_cast %scan3A_574 : i32 to index
        %get3A_584 = arith.constant 16 : index
        %get3A_585 = tpu.vector_load %arg16[%get3A_583, %get3A_584] {strides = array<i32>} : memref<80x64xf32, #tpu.memory_space<vmem>>, vector<16xf32>,
        %mul3A_586 = arith.mulf %get3A_585, %gather3A : vector<16xf32>
        %swap3A_587 = arith.index_cast %scan3A_574 : i32 to index
        %swap3A_588 = arith.constant 16 : index
        %swap3A_589 = tpu.vector_load %arg16[%swap3A_587, %swap3A_588] {strides = array<i32>} : memref<80x64xf32, #tpu.memory_space<vmem>>, vector<16xf32>,
        tpu.vector_store %arg16[%swap3A_587, %swap3A_588], %mul3A_586 {strides = array<i32>} : memref<80x64xf32, #tpu.memory_space<vmem>>, vector<16xf32>,
        %get3A_590 = arith.index_cast %scan3A_574 : i32 to index
        %get3A_591 = arith.constant 32 : index
        %get3A_592 = tpu.vector_load %arg16[%get3A_590, %get3A_591] {strides = array<i32>} : memref<80x64xf32, #tpu.memory_space<vmem>>, vector<16xf32>,
        %mul3A_593 = arith.mulf %get3A_592, %gather3A : vector<16xf32>
        %swap3A_594 = arith.index_cast %scan3A_574 : i32 to index
        %swap3A_595 = arith.constant 32 : index
        %swap3A_596 = tpu.vector_load %arg16[%swap3A_594, %swap3A_595] {strides = array<i32>} : memref<80x64xf32, #tpu.memory_space<vmem>>, vector<16xf32>,
        tpu.vector_store %arg16[%swap3A_594, %swap3A_595], %mul3A_593 {strides = array<i32>} : memref<80x64xf32, #tpu.memory_space<vmem>>, vector<16xf32>,
        %get3A_597 = arith.index_cast %scan3A_574 : i32 to index
        %get3A_598 = arith.constant 48 : index
        %get3A_599 = tpu.vector_load %arg16[%get3A_597, %get3A_598] {strides = array<i32>} : memref<80x64xf32, #tpu.memory_space<vmem>>, vector<16xf32>,
        %mul3A_600 = arith.mulf %get3A_599, %gather3A : vector<16xf32>
        %swap3A_601 = arith.index_cast %scan3A_574 : i32 to index
        %swap3A_602 = arith.constant 48 : index
        %swap3A_603 = tpu.vector_load %arg16[%swap3A_601, %swap3A_602] {strides = array<i32>} : memref<80x64xf32, #tpu.memory_space<vmem>>, vector<16xf32>,
        tpu.vector_store %arg16[%swap3A_601, %swap3A_602], %mul3A_600 {strides = array<i32>} : memref<80x64xf32, #tpu.memory_space<vmem>>, vector<16xf32>,
      }
      %scan3A_568 = arith.constant 80 : i32
      %eq3A_569 = arith.constant 0 : i32
      %eq3A_570 = arith.cmpi eq, %arg0, %eq3A_569 : i32
      %convert_element_type3A_571 = arith.extui %eq3A_570 : i1 to i32
      %cond3A_572 = arith.constant 0 : i32
      %cond3A_573 = arith.cmpi ne, %convert_element_type3A_571, %cond3A_572 : i32
      scf.if %cond3A_573 {
        "tpu.region"() ({
          %run_scoped3A = tpu.sem_alloc : memref<!tpu.dma_semaphore, #tpu.memory_space<semaphore_mem>>
          %dma_start3A_574 = arith.constant 0 : i32
          %dma_start3A_575 = tpu.memref_slice %arg24[%dma_start3A_574] : memref<10000xf32, #tpu.memory_space<vmem_shared>> -> memref<10000xf32, #tpu.memory_space<vmem_shared>>
          tpu.enqueue_indirect_dma source(%arg22 : memref<80xf32, #tpu.memory_space<vmem>>) target(%dma_start3A_575 : memref<10000xf32, #tpu.memory_space<vmem_shared>>) offsets(%arg13 : memref<80xi32, #tpu.memory_space<vmem>>) semaphore(%run_scoped3A : memref<!tpu.dma_semaphore, #tpu.memory_space<semaphore_mem>>) {add = true}
          %dma_wait3A_576 = arith.constant 0 : i32
          %dma_wait3A_577 = tpu.memref_slice %arg24[%dma_wait3A_576] : memref<10000xf32, #tpu.memory_space<vmem_shared>> -> memref<10000xf32, #tpu.memory_space<vmem_shared>>
          tpu.wait_indirect_dma semaphore(%run_scoped3A : memref<!tpu.dma_semaphore, #tpu.memory_space<semaphore_mem>>) src(%arg22 : memref<80xf32, #tpu.memory_space<vmem>>) dst(%dma_wait3A_577 : memref<10000xf32, #tpu.memory_space<vmem_shared>>)
          tpu.yield
        }) : () -> ()
      } else {
      }
      "tpu.region"() ({
        %run_scoped3A = tpu.sem_alloc : memref<!tpu.dma_semaphore, #tpu.memory_space<semaphore_mem>>
        %dma_start3A_574 = arith.constant 0 : i32
        %dma_start3A_575 = arith.constant 0 : i32
        %dma_start3A_576 = tpu.memref_slice %arg23[%dma_start3A_574, %dma_start3A_575] : memref<10000x64xf32, #tpu.memory_space<vmem_shared>> -> memref<10000x64xf32, #tpu.memory_space<vmem_shared>>
        tpu.enqueue_indirect_dma source(%arg16 : memref<80x64xf32, #tpu.memory_space<vmem>>) target(%dma_start3A_576 : memref<10000x64xf32, #tpu.memory_space<vmem_shared>>) offsets(%arg13 : memref<80xi32, #tpu.memory_space<vmem>>) semaphore(%run_scoped3A : memref<!tpu.dma_semaphore, #tpu.memory_space<semaphore_mem>>) {add = true}
        %dma_wait3A_577 = arith.constant 0 : i32
        %dma_wait3A_578 = arith.constant 0 : i32
        %dma_wait3A_579 = tpu.memref_slice %arg23[%dma_wait3A_577, %dma_wait3A_578] : memref<10000x64xf32, #tpu.memory_space<vmem_shared>> -> memref<10000x64xf32, #tpu.memory_space<vmem_shared>>
        tpu.wait_indirect_dma semaphore(%run_scoped3A : memref<!tpu.dma_semaphore, #tpu.memory_space<semaphore_mem>>) src(%arg16 : memref<80x64xf32, #tpu.memory_space<vmem>>) dst(%dma_wait3A_579 : memref<10000x64xf32, #tpu.memory_space<vmem_shared>>)
        tpu.yield
      }) : () -> ()
    }
    %scan3A_53 = arith.constant 10 : i32
    %barrier3A_54 = arith.constant 0 : index
    tpu.barrier barrier_id(%barrier3A_54)
    %lt3A = arith.constant 15 : i32
    %lt3A_55 = arith.cmpi slt, %arg1, %lt3A : i32
    %convert_element_type3A = arith.extui %lt3A_55 : i1 to i32
    %cond3A = arith.constant 0 : i32
    %cond3A_56 = arith.cmpi ne, %convert_element_type3A, %cond3A : i32
    scf.if %cond3A_56 {
      %mul3A_61 = arith.constant 624 : i32
      %mul3A_62 = arith.muli %arg1, %mul3A_61 : i32
      %eq3A_63 = arith.constant 0 : i32
      %eq3A_64 = arith.cmpi eq, %arg0, %eq3A_63 : i32
      %convert_element_type3A_65 = arith.extui %eq3A_64 : i1 to i32
      %cond3A_66 = arith.constant 0 : i32
      %cond3A_67 = arith.cmpi ne, %convert_element_type3A_65, %cond3A_66 : i32
      scf.if %cond3A_67 {
        "tpu.region"() ({
          %run_scoped3A = tpu.sem_alloc : memref<!tpu.dma_semaphore, #tpu.memory_space<semaphore_mem>>
          %dma_start3A = arith.constant 0 : i32
          %dma_start3A_73 = tpu.memref_slice %arg7[%mul3A_62, %dma_start3A] : memref<10000x64xf32, #tpu.memory_space<hbm>> -> memref<624x64xf32, #tpu.memory_space<hbm>>
          %dma_start3A_74 = arith.constant 0 : i32
          %dma_start3A_75 = tpu.memref_slice %arg23[%mul3A_62, %dma_start3A_74] : memref<10000x64xf32, #tpu.memory_space<vmem_shared>> -> memref<624x64xf32, #tpu.memory_space<vmem_shared>>
          tpu.enqueue_dma source(%dma_start3A_75 : memref<624x64xf32, #tpu.memory_space<vmem_shared>>) target(%dma_start3A_73 : memref<624x64xf32, #tpu.memory_space<hbm>>) target_semaphore(%run_scoped3A : memref<!tpu.dma_semaphore, #tpu.memory_space<semaphore_mem>>)
          %dma_wait3A = arith.constant 0 : i32
          %dma_wait3A_76 = tpu.memref_slice %arg7[%mul3A_62, %dma_wait3A] : memref<10000x64xf32, #tpu.memory_space<hbm>> -> memref<624x64xf32, #tpu.memory_space<hbm>>
          %dma_wait3A_77 = arith.constant 0 : i32
          %dma_wait3A_78 = tpu.memref_slice %arg23[%mul3A_62, %dma_wait3A_77] : memref<10000x64xf32, #tpu.memory_space<vmem_shared>> -> memref<624x64xf32, #tpu.memory_space<vmem_shared>>
          tpu.wait_dma2 semaphore(%run_scoped3A : memref<!tpu.dma_semaphore, #tpu.memory_space<semaphore_mem>>) src(%dma_wait3A_78 : memref<624x64xf32, #tpu.memory_space<vmem_shared>>) dst(%dma_wait3A_76 : memref<624x64xf32, #tpu.memory_space<hbm>>)
          tpu.yield
        }) : () -> ()
        "tpu.region"() ({
          %run_scoped3A = tpu.sem_alloc : memref<!tpu.dma_semaphore, #tpu.memory_space<semaphore_mem>>
          %dma_start3A = tpu.memref_slice %arg9[%mul3A_62] : memref<10000xf32, #tpu.memory_space<hbm>> -> memref<624xf32, #tpu.memory_space<hbm>>
          %dma_start3A_73 = tpu.memref_slice %arg24[%mul3A_62] : memref<10000xf32, #tpu.memory_space<vmem_shared>> -> memref<624xf32, #tpu.memory_space<vmem_shared>>
          tpu.enqueue_dma source(%dma_start3A_73 : memref<624xf32, #tpu.memory_space<vmem_shared>>) target(%dma_start3A : memref<624xf32, #tpu.memory_space<hbm>>) target_semaphore(%run_scoped3A : memref<!tpu.dma_semaphore, #tpu.memory_space<semaphore_mem>>)
          %dma_wait3A = tpu.memref_slice %arg9[%mul3A_62] : memref<10000xf32, #tpu.memory_space<hbm>> -> memref<624xf32, #tpu.memory_space<hbm>>
          %dma_wait3A_74 = tpu.memref_slice %arg24[%mul3A_62] : memref<10000xf32, #tpu.memory_space<vmem_shared>> -> memref<624xf32, #tpu.memory_space<vmem_shared>>
          tpu.wait_dma2 semaphore(%run_scoped3A : memref<!tpu.dma_semaphore, #tpu.memory_space<semaphore_mem>>) src(%dma_wait3A_74 : memref<624xf32, #tpu.memory_space<vmem_shared>>) dst(%dma_wait3A : memref<624xf32, #tpu.memory_space<hbm>>)
          tpu.yield
        }) : () -> ()
      } else {
      }
      %eq3A_68 = arith.constant 1 : i32
      %eq3A_69 = arith.cmpi eq, %arg0, %eq3A_68 : i32
      %convert_element_type3A_70 = arith.extui %eq3A_69 : i1 to i32
      %cond3A_71 = arith.constant 0 : i32
      %cond3A_72 = arith.cmpi ne, %convert_element_type3A_70, %cond3A_71 : i32
      scf.if %cond3A_72 {
        "tpu.region"() ({
          %run_scoped3A = tpu.sem_alloc : memref<!tpu.dma_semaphore, #tpu.memory_space<semaphore_mem>>
          %dma_start3A = arith.constant 0 : i32
          %dma_start3A_73 = tpu.memref_slice %arg8[%mul3A_62, %dma_start3A] : memref<10000x64xf32, #tpu.memory_space<hbm>> -> memref<624x64xf32, #tpu.memory_space<hbm>>
          %dma_start3A_74 = arith.constant 0 : i32
          %dma_start3A_75 = tpu.memref_slice %arg23[%mul3A_62, %dma_start3A_74] : memref<10000x64xf32, #tpu.memory_space<vmem_shared>> -> memref<624x64xf32, #tpu.memory_space<vmem_shared>>
          tpu.enqueue_dma source(%dma_start3A_75 : memref<624x64xf32, #tpu.memory_space<vmem_shared>>) target(%dma_start3A_73 : memref<624x64xf32, #tpu.memory_space<hbm>>) target_semaphore(%run_scoped3A : memref<!tpu.dma_semaphore, #tpu.memory_space<semaphore_mem>>)
          %dma_wait3A = arith.constant 0 : i32
          %dma_wait3A_76 = tpu.memref_slice %arg8[%mul3A_62, %dma_wait3A] : memref<10000x64xf32, #tpu.memory_space<hbm>> -> memref<624x64xf32, #tpu.memory_space<hbm>>
          %dma_wait3A_77 = arith.constant 0 : i32
          %dma_wait3A_78 = tpu.memref_slice %arg23[%mul3A_62, %dma_wait3A_77] : memref<10000x64xf32, #tpu.memory_space<vmem_shared>> -> memref<624x64xf32, #tpu.memory_space<vmem_shared>>
          tpu.wait_dma2 semaphore(%run_scoped3A : memref<!tpu.dma_semaphore, #tpu.memory_space<semaphore_mem>>) src(%dma_wait3A_78 : memref<624x64xf32, #tpu.memory_space<vmem_shared>>) dst(%dma_wait3A_76 : memref<624x64xf32, #tpu.memory_space<hbm>>)
          tpu.yield
        }) : () -> ()
      } else {
      }
    } else {
    }
    %eq3A = arith.constant 15 : i32
    %eq3A_57 = arith.cmpi eq, %arg1, %eq3A : i32
    %convert_element_type3A_58 = arith.extui %eq3A_57 : i1 to i32
    %cond3A_59 = arith.constant 0 : i32
    %cond3A_60 = arith.cmpi ne, %convert_element_type3A_58, %cond3A_59 : i32
    scf.if %cond3A_60 {
      %eq3A_61 = arith.constant 0 : i32
      %eq3A_62 = arith.cmpi eq, %arg0, %eq3A_61 : i32
      %convert_element_type3A_63 = arith.extui %eq3A_62 : i1 to i32
      %cond3A_64 = arith.constant 0 : i32
      %cond3A_65 = arith.cmpi ne, %convert_element_type3A_63, %cond3A_64 : i32
      scf.if %cond3A_65 {
        "tpu.region"() ({
          %run_scoped3A = tpu.sem_alloc : memref<!tpu.dma_semaphore, #tpu.memory_space<semaphore_mem>>
          %dma_start3A = arith.constant 9360 : i32
          %dma_start3A_71 = arith.constant 0 : i32
          %dma_start3A_72 = tpu.memref_slice %arg7[%dma_start3A, %dma_start3A_71] : memref<10000x64xf32, #tpu.memory_space<hbm>> -> memref<640x64xf32, #tpu.memory_space<hbm>>
          %dma_start3A_73 = arith.constant 9360 : i32
          %dma_start3A_74 = arith.constant 0 : i32
          %dma_start3A_75 = tpu.memref_slice %arg23[%dma_start3A_73, %dma_start3A_74] : memref<10000x64xf32, #tpu.memory_space<vmem_shared>> -> memref<640x64xf32, #tpu.memory_space<vmem_shared>>
          tpu.enqueue_dma source(%dma_start3A_75 : memref<640x64xf32, #tpu.memory_space<vmem_shared>>) target(%dma_start3A_72 : memref<640x64xf32, #tpu.memory_space<hbm>>) target_semaphore(%run_scoped3A : memref<!tpu.dma_semaphore, #tpu.memory_space<semaphore_mem>>)
          %dma_wait3A = arith.constant 9360 : i32
          %dma_wait3A_76 = arith.constant 0 : i32
          %dma_wait3A_77 = tpu.memref_slice %arg7[%dma_wait3A, %dma_wait3A_76] : memref<10000x64xf32, #tpu.memory_space<hbm>> -> memref<640x64xf32, #tpu.memory_space<hbm>>
          %dma_wait3A_78 = arith.constant 9360 : i32
          %dma_wait3A_79 = arith.constant 0 : i32
          %dma_wait3A_80 = tpu.memref_slice %arg23[%dma_wait3A_78, %dma_wait3A_79] : memref<10000x64xf32, #tpu.memory_space<vmem_shared>> -> memref<640x64xf32, #tpu.memory_space<vmem_shared>>
          tpu.wait_dma2 semaphore(%run_scoped3A : memref<!tpu.dma_semaphore, #tpu.memory_space<semaphore_mem>>) src(%dma_wait3A_80 : memref<640x64xf32, #tpu.memory_space<vmem_shared>>) dst(%dma_wait3A_77 : memref<640x64xf32, #tpu.memory_space<hbm>>)
          tpu.yield
        }) : () -> ()
        "tpu.region"() ({
          %run_scoped3A = tpu.sem_alloc : memref<!tpu.dma_semaphore, #tpu.memory_space<semaphore_mem>>
          %dma_start3A = arith.constant 9360 : i32
          %dma_start3A_71 = tpu.memref_slice %arg9[%dma_start3A] : memref<10000xf32, #tpu.memory_space<hbm>> -> memref<640xf32, #tpu.memory_space<hbm>>
          %dma_start3A_72 = arith.constant 9360 : i32
          %dma_start3A_73 = tpu.memref_slice %arg24[%dma_start3A_72] : memref<10000xf32, #tpu.memory_space<vmem_shared>> -> memref<640xf32, #tpu.memory_space<vmem_shared>>
          tpu.enqueue_dma source(%dma_start3A_73 : memref<640xf32, #tpu.memory_space<vmem_shared>>) target(%dma_start3A_71 : memref<640xf32, #tpu.memory_space<hbm>>) target_semaphore(%run_scoped3A : memref<!tpu.dma_semaphore, #tpu.memory_space<semaphore_mem>>)
          %dma_wait3A = arith.constant 9360 : i32
          %dma_wait3A_74 = tpu.memref_slice %arg9[%dma_wait3A] : memref<10000xf32, #tpu.memory_space<hbm>> -> memref<640xf32, #tpu.memory_space<hbm>>
          %dma_wait3A_75 = arith.constant 9360 : i32
          %dma_wait3A_76 = tpu.memref_slice %arg24[%dma_wait3A_75] : memref<10000xf32, #tpu.memory_space<vmem_shared>> -> memref<640xf32, #tpu.memory_space<vmem_shared>>
          tpu.wait_dma2 semaphore(%run_scoped3A : memref<!tpu.dma_semaphore, #tpu.memory_space<semaphore_mem>>) src(%dma_wait3A_76 : memref<640xf32, #tpu.memory_space<vmem_shared>>) dst(%dma_wait3A_74 : memref<640xf32, #tpu.memory_space<hbm>>)
          tpu.yield
        }) : () -> ()
      } else {
      }
      %eq3A_66 = arith.constant 1 : i32
      %eq3A_67 = arith.cmpi eq, %arg0, %eq3A_66 : i32
      %convert_element_type3A_68 = arith.extui %eq3A_67 : i1 to i32
      %cond3A_69 = arith.constant 0 : i32
      %cond3A_70 = arith.cmpi ne, %convert_element_type3A_68, %cond3A_69 : i32
      scf.if %cond3A_70 {
        "tpu.region"() ({
          %run_scoped3A = tpu.sem_alloc : memref<!tpu.dma_semaphore, #tpu.memory_space<semaphore_mem>>
          %dma_start3A = arith.constant 9360 : i32
          %dma_start3A_71 = arith.constant 0 : i32
          %dma_start3A_72 = tpu.memref_slice %arg8[%dma_start3A, %dma_start3A_71] : memref<10000x64xf32, #tpu.memory_space<hbm>> -> memref<640x64xf32, #tpu.memory_space<hbm>>
          %dma_start3A_73 = arith.constant 9360 : i32
          %dma_start3A_74 = arith.constant 0 : i32
          %dma_start3A_75 = tpu.memref_slice %arg23[%dma_start3A_73, %dma_start3A_74] : memref<10000x64xf32, #tpu.memory_space<vmem_shared>> -> memref<640x64xf32, #tpu.memory_space<vmem_shared>>
          tpu.enqueue_dma source(%dma_start3A_75 : memref<640x64xf32, #tpu.memory_space<vmem_shared>>) target(%dma_start3A_72 : memref<640x64xf32, #tpu.memory_space<hbm>>) target_semaphore(%run_scoped3A : memref<!tpu.dma_semaphore, #tpu.memory_space<semaphore_mem>>)
          %dma_wait3A = arith.constant 9360 : i32
          %dma_wait3A_76 = arith.constant 0 : i32
          %dma_wait3A_77 = tpu.memref_slice %arg8[%dma_wait3A, %dma_wait3A_76] : memref<10000x64xf32, #tpu.memory_space<hbm>> -> memref<640x64xf32, #tpu.memory_space<hbm>>
          %dma_wait3A_78 = arith.constant 9360 : i32
          %dma_wait3A_79 = arith.constant 0 : i32
          %dma_wait3A_80 = tpu.memref_slice %arg23[%dma_wait3A_78, %dma_wait3A_79] : memref<10000x64xf32, #tpu.memory_space<vmem_shared>> -> memref<640x64xf32, #tpu.memory_space<vmem_shared>>
          tpu.wait_dma2 semaphore(%run_scoped3A : memref<!tpu.dma_semaphore, #tpu.memory_space<semaphore_mem>>) src(%dma_wait3A_80 : memref<640x64xf32, #tpu.memory_space<vmem_shared>>) dst(%dma_wait3A_77 : memref<640x64xf32, #tpu.memory_space<hbm>>)
          tpu.yield
        }) : () -> ()
      } else {
      }
    } else {
    }
    return
  }
}

module attributes {stable_mosaic.version = 14 : i64} {
  func.func @_tc_pre_body(%arg0: memref<10000x128xf32, #tpu.memory_space<vmem>>, %arg1: memref<128x128xf32, #tpu.memory_space<vmem>>, %arg2: memref<128x2xf32, #tpu.memory_space<vmem>>, %arg3: memref<10000x128xf32, #tpu.memory_space<vmem>>, %arg4: memref<10000x2xf32, #tpu.memory_space<vmem>>) attributes {dimension_semantics = [], scalar_prefetch = 0 : i64, scratch_operands = 0 : i64, tpu.core_type = #tpu.core_type<tc>} {
    %get3A = arith.constant 0 : index
    %get3A_0 = arith.constant 0 : index
    %get3A_1 = vector.load %arg0[%get3A, %get3A_0] : memref<10000x128xf32, #tpu.memory_space<vmem>>, vector<10000x128xf32>
    %get3A_2 = arith.constant 0 : index
    %get3A_3 = arith.constant 0 : index
    %get3A_4 = vector.load %arg1[%get3A_2, %get3A_3] : memref<128x128xf32, #tpu.memory_space<vmem>>, vector<128x128xf32>
    %dot_general3A = arith.constant dense<0.000000e+00> : vector<10000x128xf32>
    %dot_general3A_5 = tpu.matmul %get3A_1, %get3A_4, %dot_general3A {dimension_numbers = #tpu.dot_dimension_numbers<[1], [0], [0], [1], [0, 0, 1, 1], [], []>, transpose_lhs_hint = false} : vector<10000x128xf32>, vector<128x128xf32>, vector<10000x128xf32> -> vector<10000x128xf32>
    %swap3A = arith.constant 0 : index
    %swap3A_6 = arith.constant 0 : index
    %swap3A_7 = vector.load %arg3[%swap3A, %swap3A_6] : memref<10000x128xf32, #tpu.memory_space<vmem>>, vector<10000x128xf32>
    tpu.vector_store %arg3[%swap3A, %swap3A_6], %dot_general3A_5 {strides = array<i32>} : memref<10000x128xf32, #tpu.memory_space<vmem>>, vector<10000x128xf32>,
    %get3A_8 = arith.constant 0 : index
    %get3A_9 = arith.constant 0 : index
    %get3A_10 = vector.load %arg2[%get3A_8, %get3A_9] : memref<128x2xf32, #tpu.memory_space<vmem>>, vector<128x2xf32>
    %dot_general3A_11 = arith.constant dense<0.000000e+00> : vector<10000x2xf32>
    %dot_general3A_12 = tpu.matmul %dot_general3A_5, %get3A_10, %dot_general3A_11 {dimension_numbers = #tpu.dot_dimension_numbers<[1], [0], [0], [1], [0, 0, 1, 1], [], []>, transpose_lhs_hint = false} : vector<10000x128xf32>, vector<128x2xf32>, vector<10000x2xf32> -> vector<10000x2xf32>
    %swap3A_13 = arith.constant 0 : index
    %swap3A_14 = arith.constant 0 : index
    %swap3A_15 = vector.load %arg4[%swap3A_13, %swap3A_14] : memref<10000x2xf32, #tpu.memory_space<vmem>>, vector<10000x2xf32>
    tpu.vector_store %arg4[%swap3A_13, %swap3A_14], %dot_general3A_12 {strides = array<i32>} : memref<10000x2xf32, #tpu.memory_space<vmem>>, vector<10000x2xf32>,
    return
  }
}

module attributes {stable_mosaic.version = 14 : i64} {
  func.func @_tc_post_body(%arg0: memref<10000x64xf32, #tpu.memory_space<vmem>>, %arg1: memref<10000x64xf32, #tpu.memory_space<vmem>>, %arg2: memref<10000x1xf32, #tpu.memory_space<vmem>>, %arg3: memref<1x128xf32, #tpu.memory_space<vmem>>, %arg4: memref<10000x128xf32, #tpu.memory_space<vmem>>) attributes {dimension_semantics = [], scalar_prefetch = 0 : i64, scratch_operands = 0 : i64, tpu.core_type = #tpu.core_type<tc>} {
    %get3A = arith.constant 0 : index
    %get3A_0 = arith.constant 0 : index
    %get3A_1 = vector.load %arg2[%get3A, %get3A_0] : memref<10000x1xf32, #tpu.memory_space<vmem>>, vector<10000x1xf32>
    %add3A = arith.constant 1.000000e-16 : f32
    %add3A_2 = vector.broadcast %add3A : f32 to vector<10000x1xf32>
    %add3A_3 = arith.addf %get3A_1, %add3A_2 : vector<10000x1xf32>
    %get3A_4 = arith.constant 0 : index
    %get3A_5 = arith.constant 0 : index
    %get3A_6 = vector.load %arg0[%get3A_4, %get3A_5] : memref<10000x64xf32, #tpu.memory_space<vmem>>, vector<10000x64xf32>
    %div3A = vector.broadcast %add3A_3 : vector<10000x1xf32> to vector<10000x64xf32>
    %div3A_7 = arith.divf %get3A_6, %div3A : vector<10000x64xf32>
    %get3A_8 = arith.constant 0 : index
    %get3A_9 = arith.constant 0 : index
    %get3A_10 = vector.load %arg3[%get3A_8, %get3A_9] : memref<1x128xf32, #tpu.memory_space<vmem>>, vector<1x64xf32>
    %add3A_11 = vector.broadcast %get3A_10 : vector<1x64xf32> to vector<10000x64xf32>
    %add3A_12 = arith.addf %div3A_7, %add3A_11 : vector<10000x64xf32>
    %tanh3A = math.tanh %add3A_12 : vector<10000x64xf32>
    %swap3A = arith.constant 0 : index
    %swap3A_13 = arith.constant 0 : index
    %swap3A_14 = vector.load %arg4[%swap3A, %swap3A_13] : memref<10000x128xf32, #tpu.memory_space<vmem>>, vector<10000x64xf32>
    tpu.vector_store %arg4[%swap3A, %swap3A_13], %tanh3A {strides = array<i32>} : memref<10000x128xf32, #tpu.memory_space<vmem>>, vector<10000x64xf32>,
    %get3A_15 = arith.constant 0 : index
    %get3A_16 = arith.constant 0 : index
    %get3A_17 = vector.load %arg1[%get3A_15, %get3A_16] : memref<10000x64xf32, #tpu.memory_space<vmem>>, vector<10000x64xf32>
    %div3A_18 = vector.broadcast %add3A_3 : vector<10000x1xf32> to vector<10000x64xf32>
    %div3A_19 = arith.divf %get3A_17, %div3A_18 : vector<10000x64xf32>
    %get3A_20 = arith.constant 0 : index
    %get3A_21 = arith.constant 64 : index
    %get3A_22 = vector.load %arg3[%get3A_20, %get3A_21] : memref<1x128xf32, #tpu.memory_space<vmem>>, vector<1x64xf32>
    %add3A_23 = vector.broadcast %get3A_22 : vector<1x64xf32> to vector<10000x64xf32>
    %add3A_24 = arith.addf %div3A_19, %add3A_23 : vector<10000x64xf32>
    %tanh3A_25 = math.tanh %add3A_24 : vector<10000x64xf32>
    %swap3A_26 = arith.constant 0 : index
    %swap3A_27 = arith.constant 64 : index
    %swap3A_28 = vector.load %arg4[%swap3A_26, %swap3A_27] : memref<10000x128xf32, #tpu.memory_space<vmem>>, vector<10000x64xf32>
    tpu.vector_store %arg4[%swap3A_26, %swap3A_27], %tanh3A_25 {strides = array<i32>} : memref<10000x128xf32, #tpu.memory_space<vmem>>, vector<10000x64xf32>,
    return
  }
}

</mosaic_0001>

<sc_bundles>
// kernel: kernel.5.cloned.1.call-start
scs
__scs_entry_jumppad:
0x0: {  	(pc) =	sbr.rel $0x88, $3  }
0x1: {  	(tag) =	ssettag $0x0;
	lr =	simm.s32 $0x1  }
0x2: {  	[smem:$0x3F9B] =	sst lr;
	_ =	strace $0xD0000000  }
0x3: {  	_ = 	snop  }
0x4: {  	_ = 	snop  }
0x5: {  	_ = 	snop  }
0x6: {  	_ = 	snop  }
0x7: {  	_ = 	snop  }
__scs_overlays_trampoline_lowered:
0x8: {  	[smem:$0x3FAA] =	sst s0  }
0x9: {  	[smem:$0x3FAB] =	sst s1  }
0xa: {  	[smem:$0x3FAC] =	sst s2  }
0xb: {  	[smem:$0x3FAD] =	sst s3  }
0xc: {  	[smem:$0x3FAE] =	sst s4  }
0xd: {  	[smem:$0x3FAF] =	sst s5  }
0xe: {  	[smem:$0x3FB0] =	sst s6  }
0xf: {  	[smem:$0x3FB1] =	sst s7  }
0x10: {  	[smem:$0x3FB2] =	sst s8  }
0x11: {  	[smem:$0x3FB3] =	sst s9;
	s0 =	simm.s32 @!p0 $0x0  }
0x12: {  	s1 =	sld [smem:$0x3F99];
	s0 =	simm.s32 @p0 $0x1  }
0x13: {  	[smem:$0x3FB4] =	sst s0;
	s0 =	simm.s32 @!p1 $0x0  }
0x14: {  	s2 =	sld [smem:$0x3F98];
	s0 =	simm.s32 @p1 $0x1  }
0x15: {  	[smem:$0x3FB5] =	sst s0;
	s0 =	simm.s32 @!p2 $0x0  }
0x16: {  	s3 =	sld [smem:$0x3FDB];
	s0 =	simm.s32 @p2 $0x1  }
0x17: {  	s4 =	simm.s32 $0x1BF5;
	[smem:$0x3FB7] =	sst s0  }
0x18: {  	s0 =	sld [smem:$0x3F9A];
	_ =	swait.ge [sflag:s4], $0x0  }
0x19: {  	s7 =	sld [smem:$0x3F9B]  }
0x1a: {  	s8 =	sadd.s32 $0xFFFFE003, lr  }
0x1b: {  	s9 =	sadd.s32 $0xFFFFFEF7, lr;
	s5 =	simm.s32 $0xFFFFFFFF;
	p2 =	slt.u32 s8, $0xFFFFF086  }
0x1c: {  	p1 =	slt.u32 s9, $0xF7A;
	s5 =	simm.s32 @!p2 $0x0  }
0x1d: {  	s5 =	simm.s32 @p1 $0x1;
	p0 =	seq.s32 s7, s2  }
0x1e: {  	s7 =	smul.u32 @!p0 $0xF7A, s2;
	p2 =	seq.s32 @!p0 s5, $0x0  }
0x1f: {  	s9 =	smul.u32 $0xF7A, s1;
	s8 =	simm.s32 @!p0 $0x1BF5;
	p2 =	por !p2, p0  }
0x20: {  	[sflag:s8] =	ssyncset.s32 @!p0 $0xFFFFF086;
	s6 =	sadd.s32 @!p0 s3, s7;
	s7 =	simm.s32 @!p0 $0x108  }
0x21: {  	s3 =	sadd.s32 s3, s9;
	s6 =	sadd.s32 @!p0 $0x88, s6;
	s7 =	simm.s32 @p2 $0x1082  }
0x22: {  	[simem:s7], [sflag:s8] =	dma.local @!p0 [hbm:s6], $0xF7A  }
0x23: {  	s9 =	sor.u32 $0xD0000000, s2;
	s6 =	simm.s32 $0x108;
	_ =	swait.ge @!p0 [sflag:s8], $0x0  }
0x24: {  	s3 =	sadd.s32 $0x88, s3;
	s6 =	simm.s32 @!p1 $0x1082;
	[sflag:s4] =	ssyncset.s32 $0xFFFFF086  }
0x25: {  	[simem:s6], [sflag:s4] =	dma.local [hbm:s3], $0xF7A  }
0x26: {  	[smem:$0x3F9B] =	sst s1;
	(tag) =	ssettag s2;
	_ =	strace s9  }
0x27: {  	s1 =	sld [smem:$0x3FAB]  }
0x28: {  	s2 =	sld [smem:$0x3FAC]  }
0x29: {  	s4 =	sld [smem:$0x3FAE]  }
0x2a: {  	p0 =	seq.s32 s5, $0x0;
	s5 =	sld [smem:$0x3FAF]  }
0x2b: {  	s6 =	sld [smem:$0x3FB0]  }
0x2c: {  	s7 =	sld [smem:$0x3FB1]  }
0x2d: {  	s3 =	simm.s32 $0x108;
	s8 =	sld [smem:$0x3FB2]  }
0x2e: {  	s3 =	simm.s32 @!p0 $0x1082;
	s9 =	sld [smem:$0x3FB3]  }
0x2f: {  	lr =	sadd.s32 s0, s3;
	s0 =	sld [smem:$0x3FAA]  }
0x30: {  	s3 =	sld [smem:$0x3FAD]  }
0x31: {  	[smem:$0x3FB6] =	sst s10  }
0x32: {  	s10 =	sld [smem:$0x3FB4];
	_ =	sdelay $0x3  }
0x33: {  	p0 =	seq.s32 s10, $0x1;
	s10 =	sld [smem:$0x3FB6];
	_ =	sdelay $0x3  }
0x34: {  	[smem:$0x3FB6] =	sst s10  }
0x35: {  	s10 =	sld [smem:$0x3FB5];
	_ =	sdelay $0x3  }
0x36: {  	p1 =	seq.s32 s10, $0x1;
	s10 =	sld [smem:$0x3FB6];
	_ =	sdelay $0x3  }
0x37: {  	[smem:$0x3FB6] =	sst s10  }
0x38: {  	s10 =	sld [smem:$0x3FB7]  }
0x39: {  	_ = 	snop;
	(pc) =	sbr.ind lr, $3  }
0x3a: {  	_ = 	snop  }
0x3b: {  	_ = 	snop  }
0x3c: {  	p2 =	seq.s32 s10, $0x1;
	s10 =	sld [smem:$0x3FB6]  }
0x3d: {  	_ =	shalt  }
0x3e: {  	_ =	shalt  }
0x3f: {  	_ =	shalt  }
0x40: {  	_ =	shalt  }
0x41: {  	_ =	shalt  }
0x42: {  	_ =	shalt  }
0x43: {  	_ =	shalt  }
0x44: {  	_ =	shalt  }
0x45: {  	_ =	shalt  }
0x46: {  	_ =	shalt  }
0x47: {  	_ =	shalt  }
0x48: {  	_ =	shalt  }
0x49: {  	_ =	shalt  }
0x4a: {  	_ =	shalt  }
0x4b: {  	_ =	shalt  }
0x4c: {  	_ =	shalt  }
0x4d: {  	_ =	shalt  }
0x4e: {  	_ =	shalt  }
0x4f: {  	_ =	shalt  }
0x50: {  	_ =	shalt  }
0x51: {  	_ =	shalt  }
0x52: {  	_ =	shalt  }
0x53: {  	_ =	shalt  }
0x54: {  	_ =	shalt  }
0x55: {  	_ =	shalt  }
0x56: {  	_ =	shalt  }
0x57: {  	_ =	shalt  }
0x58: {  	_ =	shalt  }
0x59: {  	_ =	shalt  }
0x5a: {  	_ =	shalt  }
0x5b: {  	_ =	shalt  }
0x5c: {  	_ =	shalt  }
0x5d: {  	_ =	shalt  }
0x5e: {  	_ =	shalt  }
0x5f: {  	_ =	shalt  }
0x60: {  	_ =	shalt  }
0x61: {  	_ =	shalt  }
0x62: {  	_ =	shalt  }
0x63: {  	_ =	shalt  }
0x64: {  	_ =	shalt  }
0x65: {  	_ =	shalt  }
0x66: {  	_ =	shalt  }
0x67: {  	_ =	shalt  }
0x68: {  	_ =	shalt  }
0x69: {  	_ =	shalt  }
0x6a: {  	_ =	shalt  }
0x6b: {  	_ =	shalt  }
0x6c: {  	_ =	shalt  }
0x6d: {  	_ =	shalt  }
0x6e: {  	_ =	shalt  }
0x6f: {  	_ =	shalt  }
0x70: {  	_ =	shalt  }
0x71: {  	_ =	shalt  }
0x72: {  	_ =	shalt  }
0x73: {  	_ =	shalt  }
0x74: {  	_ =	shalt  }
0x75: {  	_ =	shalt  }
0x76: {  	_ =	shalt  }
0x77: {  	_ =	shalt  }
0x78: {  	_ =	shalt  }
0x79: {  	_ =	shalt  }
0x7a: {  	_ =	shalt  }
0x7b: {  	_ =	shalt  }
0x7c: {  	_ =	shalt  }
0x7d: {  	_ =	shalt  }
0x7e: {  	_ =	shalt  }
0x7f: {  	_ =	shalt  }
0x80: {  	_ =	shalt  }
0x81: {  	_ =	shalt  }
0x82: {  	_ =	shalt  }
0x83: {  	_ =	shalt  }
0x84: {  	_ =	shalt  }
0x85: {  	_ =	shalt  }
0x86: {  	_ =	shalt  }
0x87: {  	_ =	shalt  }
.Lfunc_end0:
.L_simem_size_0:
called_computation_lowered:
.L_overlay_start_0:
0x88: {  	s2 =	sld [smem:$0x3FD9]  }
0x89: {  	s3 =	sld [smem:$0x3FFE];
	_ =	sdelay $0x1  }
0x8a: {  	s1 =	srdreg.scid  }
0x8b: {  	s0 =	sand.u32 $0x1, s1  }
0x8c: {  	s17 =	sshll.u32 s0, $0xA;
	s2 =	sadd.s32 s3, s2  }
0x8d: {  	s2 =	sadd.s32 s2, s17  }
0x8e: {  	[smem:$0x3FC2] =	sst s2  }
0x8f: {  	_ = 	snop  }
0x90: {  	s2 =	sld [smem:$0x3FD0];
	(tm) =	ssettm $0x1  }
0x91: {  	s18 =	sld [smem:$0x3FFB];
	_ =	sdelay $0x3  }
0x92: {  	_ =	strace s18  }
0x93: {  	s3 =	sld [smem:$0x3FFC];
	_ =	sdelay $0x3  }
0x94: {  	_ =	strace s3  }
0x95: {  	s3 =	sld [smem:$0x3FFD];
	_ =	sdelay $0x3  }
0x96: {  	_ =	strace s3  }
0x97: {  	_ =	strace $0x8FFFFFFF  }
0x98: {  	s19 =	sld [smem:$0x3FDB];
	_ =	sdelay $0x1  }
0x99: {  	s4 =	simm.s32 $_scs_section_size  }
0x9a: {  	s5 =	simm.s32 $_size__tile_overlayer_lowered;
	s6 =	simm.s32 $_tile_overlayer_lowered  }
0x9b: {  	s22 =	simm.s32 $0x1BFF;
	s21 =	sshll.u32 s6, $0x1;
	s3 =	sadd.s32 s4, s19  }
0x9c: {  	s7 =	simm.s32 $0x0;
	s20 =	sshll.u32 s5, $0x1;
	s5 =	sadd.s32 s21, s3  }
0x9d: {  	[timem:s7], [sflag:s22] =	dma.local [hbm:s5], s20  }
0x9e: {  	_ =	swait.ge [sflag:s22], s20  }
0x9f: {  	s4 =	ssub.s32 $0x0, s20;
	[sflag:s22] =	ssyncset.done $0x0  }
0xa0: {  	[sflag:s22] =	ssyncadd.s32 s4;
	_ =	sdelay $0x1  }
0xa1: {  	s23 =	simm.s32 $0x1B8B  }
0xa2: {  	_ =	swait.ge [sflag:s23], $0x1  }
0xa3: {  	[sflag:s23] =	ssyncset.done $0x0  }
0xa4: {  	s25 =	simm.s32 $0x1B8E;
	s24 =	sld [smem:$0x3FFE];
	[sflag:s23] =	ssyncadd.s32 $0xFFFFFFFF  }
0xa5: {  	s26 =	simm.s32 $execute0_lowered;
	[smem:$0x3FD2] =	sst s25  }
0xa6: {  	s5 =	sshll.u32 s26, $0x1;
	_ =	strace $0x80000046;
	[dreg:$0x1] =	wrdreg $0xFFFFFFFF  }
0xa7: {  	s28 =	simm.s32 $_size_execute0_lowered;
	s3 =	sadd.s32 s3, s5;
	[dreg:$0x0] =	wrdreg $0x0  }
0xa8: {  	s5 =	sshll.u32 s28, $0x1;
	[dreg:$0x2] =	wrdreg s3  }
0xa9: {  	[dreg:$0x3] =	wrdreg s5  }
0xaa: {  	[dreg:$0x4] =	wrdreg $0xC0  }
0xab: {  	_ =	task [dreg:s7], $0x5FFFF  }
0xac: {  	[dreg:$0x1] =	wrdreg $0xFFFFFFFF  }
0xad: {  	[dreg:$0x0] =	wrdreg $0x60  }
0xae: {  	[dreg:$0x2] =	wrdreg s2  }
0xaf: {  	[dreg:$0x3] =	wrdreg s24  }
0xb0: {  	[dreg:$0x4] =	wrdreg $0x3A700  }
0xb1: {  	[dreg:$0x5] =	wrdreg $0xD6B00  }
0xb2: {  	[dreg:$0x6] =	wrdreg $0x9  }
0xb3: {  	_ =	task.clear_ibuf [dreg:s7], $0x7FFFF;
	_ =	strace $0x90000046  }
0xb4: {  	s29 =	simm.s32 $0x9;
	_ =	strace $0x80000048  }
0xb5: {  	_ =	swait.ge [sflag:s29], $0x1  }
0xb6: {  	[sflag:s29] =	ssyncadd.s32 $0xFFFFFFFF  }
0xb7: {  	_ =	strace $0x90000048  }
0xb8: {  	_ =	sfence  }
0xb9: {  	s30 =	sld [smem:$0x0];
	_ =	sdelay $0x2  }
0xba: {  	s31 =	sshll.u32 s1, $0xD;
	s1 =	sshrl.u32 s1, $0x2  }
0xbb: {  	s3 =	sand.u32 $0x4000, s31;
	s1 =	sadd.s32 s1, s30  }
0xbc: {  	s0 =	sor.u32 s3, s0;
	s1 =	sshll.u32 s1, $0x11  }
0xbd: {  	s0 =	sor.u32 s1, s0  }
0xbe: {  	s0 =	sadd.s32 $0x8F2B, s0  }
0xbf: {  	[sflag:s0] =	ssyncadd.remote.s32 $0x1  }
0xc0: {  	_ =	sfence.sel $0xFFFF  }
0xc1: {  	[dreg:$0x0] =	wrdreg $0xFFFFFFFF;
	(pc) =	sbr.abs _section_cstart, $3  }
0xc2: {  	[dreg:$0x1] =	wrdreg $0xFFFFFFFF  }
0xc3: {  	_ =	task.clear_ibuf [dreg:s7], $0x2FFFF;
	_ =	strace $0x9FFFFFFF  }
0xc4: {  	(tm) =	ssettm $0x7FFFFFFF  }
0xc5: {  	_ =	shalt  }
tec
execute0_lowered:
.L_overlay_start_1:
0x0: {  	(tag) =	ssettag $0x1  }
0x1: {  	s1 =	rddreg [dreg:$0x0]  }
0x2: {  	s0 =	rddreg [dreg:$0x1]  }
0x3: {  	s3 =	rddreg [dreg:$0x2]  }
0x4: {  	s4 =	rddreg [dreg:$0x3];
	s22 =	simm.s32 $0x0;
	s15 =	stileid.u32  }
0x5: {  	s2 =	srdreg.scid;
	s31 =	simm.s32 $0x25D0;
	s5 =	smul.u32 $0x9C00, s15  }
0x6: {  	[smem:$0x7FF] =	sst s22;
	s6 =	smul.u32 $0x270, s15;
	s2 =	sand.u32 $0x1, s2  }
0x7: {  	s8 =	smul.u32 $0x280, s15;
	s28 =	sadd.s32 $0x14000, s0;
	p5 =	seq.s32 s15, $0xF  }
0x8: {  	_ =	strace $0x80000047;
	s9 =	ssub.s32 $0x2, s2;
	p4 =	seq.s32 s2, $0x1  }
0x9: {  	p0 =	sne.s32 s2, $0x0;
	s7 =	sshrl.u32 s5, $0x3;
	s10 =	sshrl.u32 s6, $0x3  }
0xa: {  	s11 =	sshrl.u32 s9, $0x1;
	s8 =	smin.u32 s8, $0x2490;
	s5 =	sadd.s32 s5, s3  }
0xb: {  	p1 =	por p4, !p5;
	p2 =	por !p4, !p5;
	p3 =	por p4, p5  }
0xc: {  	p4 =	por !p4, p5;
	s7 =	sadd.s32 s7, s0;
	s10 =	sadd.s32 s10, s0  }
0xd: {  	s9 =	ssub.s32 s9, s11;
	s26 =	sadd.s32 $0x50, s8;
	s12 =	sshll.u32 s8, $0x6  }
0xe: {  	s14 =	sadd.s32 $0xA0, s8;
	s16 =	sadd.s32 $0xF0, s8;
	s19 =	sadd.s32 $0x140, s8  }
0xf: {  	s21 =	sadd.s32 $0x190, s8;
	[dreg:$0x16] =	wrdreg s5;
	s12 =	sadd.s32 s12, s3  }
0x10: {  	s5 =	sadd.s32 s6, s4;
	s11 =	sadd.s32 s26, s4;
	[dreg:$0x6] =	wrdreg s12  }
0x11: {  	s6 =	simm.s32 $0x1;
	s17 =	sadd.s32 s14, s4;
	[dreg:$0x8] =	wrdreg s11  }
0x12: {  	s13 =	sshll.u32 s26, $0x6;
	s25 =	sadd.s32 s19, s4;
	[dreg:$0xa] =	wrdreg s17  }
0x13: {  	s30 =	sshll.u32 s14, $0x6;
	s14 =	sadd.s32 s21, s4;
	[dreg:$0xe] =	wrdreg s25  }
0x14: {  	s20 =	sshll.u32 s19, $0x6;
	s19 =	sadd.s32 $0x28600, s7;
	[dreg:$0x11] =	wrdreg s14  }
0x15: {  	s24 =	sshll.u32 s21, $0x6;
	s21 =	sadd.s32 $0xA200, s0;
	[dreg:$0x18] =	wrdreg s19  }
0x16: {  	s18 =	sshll.u32 s16, $0x6;
	s29 =	sadd.s32 s13, s3;
	[dreg:$0x1a] =	wrdreg s21  }
0x17: {  	s26 =	sadd.s32 $0x1E0, s8;
	s13 =	sadd.s32 s30, s3;
	[dreg:$0x7] =	wrdreg s29  }
0x18: {  	s12 =	sadd.s32 s18, s3;
	s11 =	sadd.s32 s16, s4;
	[dreg:$0x9] =	wrdreg s13  }
0x19: {  	s23 =	sadd.s32 s20, s3;
	s30 =	sshll.u32 s26, $0x6;
	[dreg:$0xb] =	wrdreg s12  }
0x1a: {  	s18 =	sadd.s32 $0x3C000, s10;
	s20 =	sadd.s32 $0x14C00, s7;
	[dreg:$0xc] =	wrdreg s11  }
0x1b: {  	s25 =	sadd.s32 $0x3C492, s0;
	s10 =	smul.u32 $0x4E20, s15;
	[dreg:$0xd] =	wrdreg s23  }
0x1c: {  	s14 =	simm.s32 $0x3A20;
	s19 =	simm.s32 $0xFF0;
	[dreg:$0x17] =	wrdreg s18  }
0x1d: {  	s21 =	simm.s32 $0x24E0;
	s7 =	simm.s32 $0x4;
	[dreg:$0x19] =	wrdreg s20  }
0x1e: {  	s11 =	sadd.s32 s24, s3;
	s29 =	sadd.s32 s8, s4;
	[dreg:$0x1d] =	wrdreg s25  }
0x1f: {  	s8 =	sadd.s32 $0x230, s8;
	s12 =	sadd.s32 s30, s3;
	[dreg:$0xf] =	wrdreg s11  }
0x20: {  	s23 =	sadd.s32 $0x400, s0;
	s24 =	sadd.s32 $0x3AA80, s0;
	[dreg:$0x10] =	wrdreg s29  }
0x21: {  	s30 =	sadd.s32 $0x92400, s3;
	s13 =	simm.s32 $0x5;
	[dreg:$0x12] =	wrdreg s12  }
0x22: {  	s18 =	simm.s32 $0x1040;
	s20 =	simm.s32 $0x1090;
	[dreg:$0x1b] =	wrdreg s23  }
0x23: {  	s25 =	simm.s32 $0x2530;
	s16 =	sshll.u32 s8, $0x6;
	[dreg:$0x1c] =	wrdreg s24  }
0x24: {  	s11 =	sadd.s32 s26, s4;
	s8 =	sadd.s32 s8, s4;
	[smem:$0x7FD] =	sst s30  }
0x25: {  	s26 =	sadd.s32 $0x14600, s0;
	s0 =	sadd.s32 $0x27080, s0;
	[dreg:$0x13] =	wrdreg s11  }
0x26: {  	s29 =	smax.u32 s9, $0x1;
	s12 =	simm.s32 $0x10E0;
	[dreg:$0x15] =	wrdreg s8  }
0x27: {  	s23 =	simm.s32 $0x2620;
	s24 =	simm.s32 $0x2580;
	[dreg:$0x1e] =	wrdreg s0  }
0x28: {  	s17 =	sadd.s32 s16, s3;
	[dreg:$0x1f] =	wrdreg s29;
	s0 =	sadd.s32 $0x2490, s4  }
0x29: {  	s16 =	simm.s32 $0x50;
	[dreg:$0x14] =	wrdreg s17;
	s0 =	sshrl.u32 @!p1 s0, $0x3  }
0x2a: {  	s8 =	simm.s32 $0x3;
	[smem:$0x7FB] =	sst s0;
	s0 =	sshrl.u32 @!p3 s5, $0x3  }
0x2b: {  	v1 =	vimm.f32 $0.0e+00;
	v0 =	vmov s2;
	s17 =	simm.s32 $0xFA0;
	[smem:$0x7FC] =	sst s0;
	s0 =	simm.s32 $0x2  }
.LBB2_1:
0x2c: {  	[dreg:$0x5] =	wrdreg s22;
	s5 =	simm.s32 $0x100;
	s2 =	simm.s32 $0x0  }
.LBB2_2:
0x2d: {  	p5 =	sne.s32 s5, $0x4F00;
	[tilespmem:s2+$0x1110] =	vst v1;
	s9 =	smov.u32 s5;
	s5 =	sadd.s32 $0x100, s5  }
.Ltmp0:
0x2e: {  	[tilespmem:s2+$0x1100] =	vst v1;
	(pc) =	sbr.rel @p5 .LBB2_2-.Ltmp0, $3  }
0x2f: {  	[tilespmem:s2+$0x10E0] =	vst v1  }
0x30: {  	[tilespmem:s2+$0x10F0] =	vst v1;
	_ =	sdelay $0x1  }
0x31: {  	s2 =	sshra.s32 s9, $0x2  }
0x32: {  	[tilespmem:s2+$0x1110] =	vst v1  }
0x33: {  	[tilespmem:s2+$0x1100] =	vst v1  }
0x34: {  	[tilespmem:s2+$0x10E0] =	vst v1  }
0x35: {  	[tilespmem:s2+$0x10F0] =	vst v1  }
0x36: {  	[tilespmem:$0x3A20] =	vst v1  }
0x37: {  	[tilespmem:$0x3A30] =	vst v1  }
0x38: {  	[tilespmem:$0x3A40] =	vst v1  }
0x39: {  	[tilespmem:$0x3A50] =	vst v1  }
0x3a: {  	s29 =	rddreg [dreg:$0x6];
	[tilespmem:$0x3A60] =	vst v1  }
0x3b: {  	[spmem:s29] =	stream.linear.scatter [tilespmem:s12], [sflag:$0x5], $0x1400, $0x38;
	[tilespmem:$0xD928] =	vst v63  }
0x3c: {  	_ =	swait.ge [sflag:s13], $0x1400  }
0x3d: {  	[sflag:s13] =	ssyncset.done $0x0  }
0x3e: {  	s30 =	rddreg [dreg:$0x10];
	[sflag:s13] =	ssyncadd.s32 $0xFFFFEC00  }
0x3f: {  	[spmem:s30] =	stream.linear.scatter [tilespmem:s14], [sflag:$0x5], $0x50, $0x38;
	[tilespmem:$0xD928] =	vst v63  }
0x40: {  	_ =	swait.ge [sflag:s13], $0x50  }
0x41: {  	[sflag:s13] =	ssyncset.done $0x0  }
0x42: {  	s5 =	rddreg [dreg:$0x7];
	[sflag:s13] =	ssyncadd.s32 $0xFFFFFFB0  }
0x43: {  	[spmem:s5] =	stream.linear.scatter [tilespmem:s12], [sflag:$0x5], $0x1400, $0x38;
	[tilespmem:$0xD928] =	vst v63  }
0x44: {  	_ =	swait.ge [sflag:s13], $0x1400  }
0x45: {  	[sflag:s13] =	ssyncset.done $0x0  }
0x46: {  	s9 =	rddreg [dreg:$0x8];
	[sflag:s13] =	ssyncadd.s32 $0xFFFFEC00  }
0x47: {  	[spmem:s9] =	stream.linear.scatter [tilespmem:s14], [sflag:$0x5], $0x50, $0x38;
	[tilespmem:$0xD928] =	vst v63  }
0x48: {  	_ =	swait.ge [sflag:s13], $0x50  }
0x49: {  	[sflag:s13] =	ssyncset.done $0x0  }
0x4a: {  	s11 =	rddreg [dreg:$0x9];
	[sflag:s13] =	ssyncadd.s32 $0xFFFFFFB0  }
0x4b: {  	[spmem:s11] =	stream.linear.scatter [tilespmem:s12], [sflag:$0x5], $0x1400, $0x38;
	[tilespmem:$0xD928] =	vst v63  }
0x4c: {  	_ =	swait.ge [sflag:s13], $0x1400  }
0x4d: {  	[sflag:s13] =	ssyncset.done $0x0  }
0x4e: {  	s15 =	rddreg [dreg:$0xa];
	[sflag:s13] =	ssyncadd.s32 $0xFFFFEC00  }
0x4f: {  	[spmem:s15] =	stream.linear.scatter [tilespmem:s14], [sflag:$0x5], $0x50, $0x38;
	[tilespmem:$0xD928] =	vst v63  }
0x50: {  	_ =	swait.ge [sflag:s13], $0x50  }
0x51: {  	[sflag:s13] =	ssyncset.done $0x0  }
0x52: {  	s22 =	rddreg [dreg:$0xb];
	[sflag:s13] =	ssyncadd.s32 $0xFFFFFFB0  }
0x53: {  	[spmem:s22] =	stream.linear.scatter [tilespmem:s12], [sflag:$0x5], $0x1400, $0x38;
	[tilespmem:$0xD928] =	vst v63  }
0x54: {  	_ =	swait.ge [sflag:s13], $0x1400  }
0x55: {  	[sflag:s13] =	ssyncset.done $0x0  }
0x56: {  	s29 =	rddreg [dreg:$0xc];
	[sflag:s13] =	ssyncadd.s32 $0xFFFFEC00  }
0x57: {  	[spmem:s29] =	stream.linear.scatter [tilespmem:s14], [sflag:$0x5], $0x50, $0x38;
	[tilespmem:$0xD928] =	vst v63  }
0x58: {  	_ =	swait.ge [sflag:s13], $0x50  }
0x59: {  	[sflag:s13] =	ssyncset.done $0x0  }
0x5a: {  	s30 =	rddreg [dreg:$0xd];
	[sflag:s13] =	ssyncadd.s32 $0xFFFFFFB0  }
0x5b: {  	[spmem:s30] =	stream.linear.scatter [tilespmem:s12], [sflag:$0x5], $0x1400, $0x38;
	[tilespmem:$0xD928] =	vst v63  }
0x5c: {  	_ =	swait.ge [sflag:s13], $0x1400  }
0x5d: {  	[sflag:s13] =	ssyncset.done $0x0  }
0x5e: {  	s5 =	rddreg [dreg:$0xe];
	[sflag:s13] =	ssyncadd.s32 $0xFFFFEC00  }
0x5f: {  	[spmem:s5] =	stream.linear.scatter [tilespmem:s14], [sflag:$0x5], $0x50, $0x38;
	[tilespmem:$0xD928] =	vst v63  }
0x60: {  	_ =	swait.ge [sflag:s13], $0x50  }
0x61: {  	[sflag:s13] =	ssyncset.done $0x0  }
0x62: {  	s9 =	rddreg [dreg:$0xf];
	[sflag:s13] =	ssyncadd.s32 $0xFFFFFFB0  }
0x63: {  	[spmem:s9] =	stream.linear.scatter [tilespmem:s12], [sflag:$0x5], $0x1400, $0x38;
	[tilespmem:$0xD928] =	vst v63  }
0x64: {  	_ =	swait.ge [sflag:s13], $0x1400  }
0x65: {  	[sflag:s13] =	ssyncset.done $0x0  }
0x66: {  	s11 =	rddreg [dreg:$0x11];
	[sflag:s13] =	ssyncadd.s32 $0xFFFFEC00  }
0x67: {  	[spmem:s11] =	stream.linear.scatter [tilespmem:s14], [sflag:$0x5], $0x50, $0x38;
	[tilespmem:$0xD928] =	vst v63  }
0x68: {  	_ =	swait.ge [sflag:s13], $0x50  }
0x69: {  	[sflag:s13] =	ssyncset.done $0x0  }
0x6a: {  	s15 =	rddreg [dreg:$0x12];
	[sflag:s13] =	ssyncadd.s32 $0xFFFFFFB0  }
0x6b: {  	[spmem:s15] =	stream.linear.scatter [tilespmem:s12], [sflag:$0x5], $0x1400, $0x38;
	[tilespmem:$0xD928] =	vst v63  }
0x6c: {  	_ =	swait.ge [sflag:s13], $0x1400  }
0x6d: {  	[sflag:s13] =	ssyncset.done $0x0  }
0x6e: {  	s22 =	rddreg [dreg:$0x13];
	[sflag:s13] =	ssyncadd.s32 $0xFFFFEC00  }
0x6f: {  	[spmem:s22] =	stream.linear.scatter [tilespmem:s14], [sflag:$0x5], $0x50, $0x38;
	[tilespmem:$0xD928] =	vst v63  }
0x70: {  	_ =	swait.ge [sflag:s13], $0x50  }
0x71: {  	[sflag:s13] =	ssyncset.done $0x0  }
0x72: {  	s29 =	rddreg [dreg:$0x14];
	[sflag:s13] =	ssyncadd.s32 $0xFFFFFFB0  }
0x73: {  	[spmem:s29] =	stream.linear.scatter [tilespmem:s12], [sflag:$0x5], $0x1400, $0x38;
	[tilespmem:$0xD928] =	vst v63  }
0x74: {  	_ =	swait.ge [sflag:s13], $0x1400  }
0x75: {  	[sflag:s13] =	ssyncset.done $0x0  }
0x76: {  	s30 =	rddreg [dreg:$0x15];
	[sflag:s13] =	ssyncadd.s32 $0xFFFFEC00  }
0x77: {  	[spmem:s30] =	stream.linear.scatter [tilespmem:s14], [sflag:$0x5], $0x50, $0x38;
	[tilespmem:$0xD928] =	vst v63  }
0x78: {  	_ =	swait.ge [sflag:s13], $0x50  }
0x79: {  	[sflag:s13] =	ssyncset.done $0x0  }
0x7a: {  	[sflag:s13] =	ssyncadd.s32 $0xFFFFFFB0  }
0x7b: {  	s11 =	simm.s32 $0x0;
	s22 =	simm.s32 $0x0;
	[bflag:$0x0] =	sbarrier.arrive $0xFFFF  }
.LBB2_4:
0x7c: {  	s2 =	smul.u32 $0x7D0, s11;
	_ =	sdelay $0x1  }
0x7d: {  	s2 =	sadd.s32 s10, s2  }
0x7e: {  	s5 =	rddreg [dreg:$0x1a];
	s2 =	sshrl.u32 s2, $0x3  }
0x7f: {  	s5 =	sadd.s32 s5, s2  }
0x80: {  	[tilespmem:s22], [sflag:$0x5] =	stream.linear.gather [hbm4b:s5+s22], $0x7D0, $0x38;
	[tilespmem:$0xD928] =	vst v63  }
0x81: {  	_ =	swait.ge [sflag:s13], $0x7D0  }
0x82: {  	[sflag:s13] =	ssyncset.done $0x0;
	s29 =	rddreg [dreg:$0x1b]  }
0x83: {  	s30 =	simm.s32 $0x7D0;
	[sflag:s13] =	ssyncadd.s32 $0xFFFFF830;
	s2 =	sadd.s32 s29, s2  }
0x84: {  	[tilespmem:s30], [sflag:$0x5] =	stream.linear.gather [hbm4b:s2+s22], $0x7D0, $0x38;
	[tilespmem:$0xD928] =	vst v63  }
0x85: {  	_ =	swait.ge [sflag:s13], $0x7D0  }
0x86: {  	[sflag:s13] =	ssyncset.done $0x0  }
0x87: {  	[sflag:s13] =	ssyncadd.s32 $0xFFFFF830  }
0x88: {  	v2 =	vld [tilespmem:$0x0]  }
0x89: {  	v4 =	vld [tilespmem:$0x7D0]  }
0x8a: {  	v3 =	vld [tilespmem:$0x10]  }
0x8b: {  	v6 =	vld [tilespmem:$0x7E0]  }
0x8c: {  	v5 =	vld [tilespmem:$0x20]  }
0x8d: {  	v62 =	vld [tilespmem:$0x800];
	v2 =	vshll.u32 v2, $0x1  }
0x8e: {  	v7 =	vld [tilespmem:$0x30];
	[tilespmem:$0xFF0] =	vst v4;
	v2 =	vor.u32 v0, v2  }
0x8f: {  	v63 =	vld [tilespmem:$0x810];
	[tilespmem:$0xFA0] =	vst v2;
	v2 =	vshll.u32 v3, $0x1  }
0x90: {  	v61 =	vld [tilespmem:$0x40];
	[tilespmem:$0x1000] =	vst v6;
	v2 =	vor.u32 v0, v2  }
0x91: {  	v3 =	vld [tilespmem:$0x7F0];
	[tilespmem:$0xFB0] =	vst v2;
	v2 =	vshll.u32 v5, $0x1  }
0x92: {  	[tilespmem:$0x1020] =	vst v62;
	v2 =	vor.u32 v0, v2  }
0x93: {  	[tilespmem:$0xFC0] =	vst v2;
	v2 =	vshll.u32 v7, $0x1  }
0x94: {  	[tilespmem:$0x1030] =	vst v63;
	v2 =	vor.u32 v0, v2  }
0x95: {  	[tilespmem:$0xFD0] =	vst v2;
	v2 =	vshll.u32 v61, $0x1  }
0x96: {  	[tilespmem:$0x1010] =	vst v3;
	v2 =	vor.u32 v0, v2  }
0x97: {  	[tilespmem:$0xFE0] =	vst v2  }
0x98: {  	[tilespmem:s12], [sflag:$0x1] =	stream.indirect.gather [hbm4b:s1+s16], $0x40, s17, s16, $0xb8;
	[tilespmem:$0xD928] =	vst v63  }
0x99: {  	_ = 	snop  }
0x9a: {  	[tilespmem:s18], [sflag:$0x2] =	stream.indirect.gather [hbm4b:s26+s16], $0x1, s22, s16, $0xb8;
	[tilespmem:$0xD928] =	vst v63  }
0x9b: {  	s5 =	simm.s32 $0x0  }
0x9c: {  	[tilespmem:s20], [sflag:$0x2] =	stream.indirect.gather [hbm4b:s28+s16], $0x1, s19, s16, $0xb8;
	[tilespmem:$0xD928] =	vst v63  }
.LBB2_5:
0x9d: {  	s15 =	smul.u32 $0xA0, s5;
	_ =	sdelay $0x1  }
0x9e: {  	v2 =	vld [tilespmem:s15+$0x50];
	_ =	sdelay $0x4  }
0x9f: {  	v2 =	vshll.u32 v2, $0x1  }
0xa0: {  	v2 =	vor.u32 v0, v2  }
0xa1: {  	[tilespmem:$0x24E0] =	vst v2  }
0xa2: {  	v2 =	vld [tilespmem:s15+$0x820];
	_ =	sdelay $0x4  }
0xa3: {  	[tilespmem:$0x2530] =	vst v2  }
0xa4: {  	v2 =	vld [tilespmem:s15+$0x60];
	_ =	sdelay $0x4  }
0xa5: {  	v2 =	vshll.u32 v2, $0x1  }
0xa6: {  	v2 =	vor.u32 v0, v2  }
0xa7: {  	[tilespmem:$0x24F0] =	vst v2  }
0xa8: {  	v2 =	vld [tilespmem:s15+$0x830];
	_ =	sdelay $0x4  }
0xa9: {  	[tilespmem:$0x2540] =	vst v2  }
0xaa: {  	v2 =	vld [tilespmem:s15+$0x70];
	_ =	sdelay $0x4  }
0xab: {  	v2 =	vshll.u32 v2, $0x1  }
0xac: {  	v2 =	vor.u32 v0, v2  }
0xad: {  	[tilespmem:$0x2500] =	vst v2  }
0xae: {  	v2 =	vld [tilespmem:s15+$0x840];
	_ =	sdelay $0x4  }
0xaf: {  	[tilespmem:$0x2550] =	vst v2  }
0xb0: {  	v2 =	vld [tilespmem:s15+$0x80];
	_ =	sdelay $0x4  }
0xb1: {  	v2 =	vshll.u32 v2, $0x1  }
0xb2: {  	v2 =	vor.u32 v0, v2  }
0xb3: {  	[tilespmem:$0x2510] =	vst v2  }
0xb4: {  	v2 =	vld [tilespmem:s15+$0x850];
	_ =	sdelay $0x4  }
0xb5: {  	[tilespmem:$0x2560] =	vst v2  }
0xb6: {  	v2 =	vld [tilespmem:s15+$0x90];
	_ =	sdelay $0x4  }
0xb7: {  	v2 =	vshll.u32 v2, $0x1  }
0xb8: {  	v2 =	vor.u32 v0, v2  }
0xb9: {  	[tilespmem:$0x2520] =	vst v2  }
0xba: {  	v2 =	vld [tilespmem:s15+$0x860];
	_ =	sdelay $0x4  }
0xbb: {  	[tilespmem:$0x2570] =	vst v2  }
0xbc: {  	[tilespmem:s23], [sflag:$0x3] =	stream.indirect.gather [hbm4b:s1+s16], $0x40, s21, s16, $0xb8;
	[tilespmem:$0xD928] =	vst v63  }
0xbd: {  	s2 =	sadd.s32 $0x50, s15  }
0xbe: {  	[tilespmem:s24], [sflag:$0x4] =	stream.indirect.gather [hbm4b:s26+s16], $0x1, s2, s16, $0xb8;
	[tilespmem:$0xD928] =	vst v63  }
0xbf: {  	_ = 	snop  }
0xc0: {  	[tilespmem:s31], [sflag:$0x4] =	stream.indirect.gather [hbm4b:s28+s16], $0x1, s25, s16, $0xb8;
	[tilespmem:$0xD928] =	vst v63  }
0xc1: {  	_ =	swait.ge [sflag:s0], $0x50  }
0xc2: {  	[sflag:s0] =	ssyncset.done $0x0  }
0xc3: {  	[sflag:s0] =	ssyncadd.s32 $0xFFFFFFB0  }
0xc4: {  	_ =	swait.ge [sflag:s0], $0x50  }
0xc5: {  	[sflag:s0] =	ssyncset.done $0x0  }
0xc6: {  	[sflag:s0] =	ssyncadd.s32 $0xFFFFFFB0  }
0xc7: {  	v2 =	vld [tilespmem:$0x1040]  }
0xc8: {  	v3 =	vld [tilespmem:$0x1090]  }
0xc9: {  	v4 =	vld [tilespmem:$0x1050]  }
0xca: {  	v5 =	vld [tilespmem:$0x10A0]  }
0xcb: {  	v6 =	vld [tilespmem:$0x1060]  }
0xcc: {  	v7 =	vld [tilespmem:$0x10B0]  }
0xcd: {  	v8 =	vld [tilespmem:$0x1070]  }
0xce: {  	v9 =	vld [tilespmem:$0x10C0]  }
0xcf: {  	v10 =	vld [tilespmem:$0x1080]  }
0xd0: {  	v2 =	vadd.f32 v3, v2;
	v3 =	vadd.f32 v5, v4;
	v4 =	vld [tilespmem:$0x10D0];
	_ =	sdelay $0x1  }
0xd1: {  	v6 =	vadd.f32 v7, v6;
	v5 =	vmul.f32 $2.000000030e-01, v2;
	v7 =	vmul.f32 $2.000000030e-01, v3  }
0xd2: {  	v8 =	vadd.f32 v9, v8;
	vm0 =	vge.f32 v2, $0.0e+00;
	vm1 =	vge.f32 v3, $0.0e+00  }
0xd3: {  	vm13 =	vge.f32 v6, $0.0e+00;
	v2 =	vsel vm0, v2, v5;
	v3 =	vsel vm1, v3, v7  }
0xd4: {  	v5 =	vmul.f32 $2.000000030e-01, v6;
	v7 =	vmul.f32 $2.000000030e-01, v8;
	v4 =	vadd.f32 v4, v10  }
0xd5: {  	vm14 =	vge.f32 v8, $0.0e+00;
	v2 =	vmul.f32 $1.442695020e+00, v2;
	v3 =	vmul.f32 $1.442695020e+00, v3  }
0xd6: {  	v5 =	vsel vm13, v6, v5;
	v6 =	vsel vm14, v8, v7;
	v7 =	vmul.f32 $2.000000030e-01, v4  }
0xd7: {  	(erf) = vpow2.f32 v2;
	v2 =	vmul.f32 $1.442695020e+00, v5;
	vm15 =	vge.f32 v4, $0.0e+00  }
0xd8: {  	(erf) = vpow2.f32 v3;
	v3 =	vmul.f32 $1.442695020e+00, v6;
	v4 =	vsel vm15, v4, v7  }
0xd9: {  	(erf) = vpow2.f32 v2;
	v2 =	vmul.f32 $1.442695020e+00, v4  }
0xda: {  	(erf) = vpow2.f32 v3  }
0xdb: {  	(erf) = vpow2.f32 v2;
	_ =	sdelay $0x4  }
0xdc: {  	v2 =	vpop (erf)  }
0xdd: {  	v3 =	vpop (erf);
	[tilespmem:$0x3A20] =	vst v2  }
0xde: {  	v2 =	vpop (erf);
	[tilespmem:$0x3A30] =	vst v3  }
0xdf: {  	v3 =	vpop (erf);
	[tilespmem:$0x3A40] =	vst v2  }
0xe0: {  	[tilespmem:$0x3A50] =	vst v3;
	v2 =	vpop (erf)  }
0xe1: {  	s30 =	simm.s32 $0x0;
	[tilespmem:$0x3A60] =	vst v2  }
0xe2: {  	v2 =	vmov s30;
	_ =	swait.ge [sflag:s6], $0x1400  }
0xe3: {  	[sflag:s6] =	ssyncset.done $0x0  }
0xe4: {  	s9 =	simm.s32 $0x1100;
	[sflag:s6] =	ssyncadd.s32 $0xFFFFEC00  }
0xe5: {  	v4 =	vld [tilespmem:s9+$0xFFFFFFF0]  }
0xe6: {  	v5 =	vld [tilespmem:s9+$0x10]  }
0xe7: {  	v7 =	vld.idx.msk [tilespmem:v2+s14+$0x0], $0xffff  }
0xe8: {  	v2 =	vld [tilespmem:s9+$0xFFFFFFE0]  }
0xe9: {  	v8 =	vld [tilespmem:s9+$0x0];
	_ =	sdelay $0x3  }
0xea: {  	s29 =	simm.s32 $0x1;
	v3 =	vmul.f32 v2, v7;
	v6 =	vmul.f32 v5, v7  }
0xeb: {  	s2 =	simm.s32 $0x2;
	v2 =	vmov s29;
	v5 =	vmul.f32 v4, v7;
	v4 =	vmul.f32 v8, v7;
	s29 =	simm.s32 $0x1100  }
.LBB2_6:
0xec: {  	p5 =	sne.s32 s2, $0x4F  }
0xed: {  	[tilespmem:s9+$0x10] =	vst v6;
	s29 =	sadd.s32 $0x40, s29;
	s30 =	smov.u32 s2;
	s2 =	sadd.s32 $0x1, s2  }
0xee: {  	[tilespmem:s9+$0xFFFFFFE0] =	vst v3  }
0xef: {  	v7 =	vld [tilespmem:s29+$0xFFFFFFF0];
	[tilespmem:s9+$0xFFFFFFF0] =	vst v5  }
0xf0: {  	v5 =	vld [tilespmem:s29+$0x10];
	[tilespmem:s9+$0x0] =	vst v4;
	s9 =	smov.u32 s29  }
0xf1: {  	v4 =	vld.idx.msk [tilespmem:v2+s14+$0x0], $0xffff  }
0xf2: {  	v2 =	vld [tilespmem:s29+$0xFFFFFFE0]  }
0xf3: {  	v8 =	vld [tilespmem:s29+$0x0]  }
.Ltmp1:
0xf4: {  	(pc) =	sbr.rel @p5 .LBB2_6-.Ltmp1, $3  }
0xf5: {  	_ =	sdelay $0x1  }
0xf6: {  	v6 =	vmul.f32 v5, v4;
	v3 =	vmul.f32 v2, v4  }
0xf7: {  	v5 =	vmul.f32 v7, v4;
	v2 =	vmov s30;
	v4 =	vmul.f32 v8, v4  }
0xf8: {  	[tilespmem:s9+$0x10] =	vst v6  }
0xf9: {  	s2 =	sadd.s32 $0x40, s29;
	[tilespmem:s9+$0xFFFFFFE0] =	vst v3  }
0xfa: {  	v3 =	vld [tilespmem:s2+$0xFFFFFFF0];
	[tilespmem:s9+$0xFFFFFFF0] =	vst v5  }
0xfb: {  	v5 =	vld [tilespmem:s2+$0x10];
	[tilespmem:s9+$0x0] =	vst v4  }
0xfc: {  	v2 =	vld.idx.msk [tilespmem:v2+s14+$0x0], $0xffff  }
0xfd: {  	v4 =	vld [tilespmem:s2+$0xFFFFFFE0];
	_ =	sdelay $0x1  }
0xfe: {  	v6 =	vld [tilespmem:s2+$0x0];
	_ =	sdelay $0x1  }
0xff: {  	v5 =	vmul.f32 v5, v2  }
0x100: {  	v4 =	vmul.f32 v4, v2  }
0x101: {  	v3 =	vmul.f32 v3, v2;
	[tilespmem:s2+$0x10] =	vst v5  }
0x102: {  	v2 =	vmul.f32 v6, v2;
	[tilespmem:s2+$0xFFFFFFE0] =	vst v4  }
0x103: {  	[tilespmem:s2+$0xFFFFFFF0] =	vst v3  }
0x104: {  	s29 =	simm.s32 @!p0 $0x3A20;
	s9 =	simm.s32 @!p0 $0xFF0;
	[tilespmem:s2+$0x0] =	vst v2;
	s2 =	simm.s32 @!p0 $0x50  }
0x105: {  	[spmem:s4] =	stream.indirect.scatter.add.f32 @!p0 [tilespmem:s29], [sflag:$0x5], $0x1, s9, s2, $0xb8;
	[tilespmem:$0xD928] =	vst v63  }
0x106: {  	s2 =	simm.s32 @!p0 $0x5  }
0x107: {  	_ =	swait.ge @!p0 [sflag:s2], $0x50  }
0x108: {  	[sflag:s2] =	ssyncset.done @!p0 $0x0  }
0x109: {  	[sflag:s2] =	ssyncadd.s32 @!p0 $0xFFFFFFB0  }
0x10a: {  	[spmem:s3] =	stream.indirect.scatter.add.f32 [tilespmem:s12], [sflag:$0x5], $0x40, s19, s16, $0xb8;
	[tilespmem:$0xD928] =	vst v63  }
0x10b: {  	_ =	swait.ge [sflag:s13], $0x1400  }
0x10c: {  	[sflag:s13] =	ssyncset.done $0x0  }
0x10d: {  	[sflag:s13] =	ssyncadd.s32 $0xFFFFEC00  }
0x10e: {  	v2 =	vld [tilespmem:s15+$0xA0];
	_ =	sdelay $0x4  }
0x10f: {  	v2 =	vshll.u32 v2, $0x1  }
0x110: {  	v2 =	vor.u32 v0, v2  }
0x111: {  	[tilespmem:$0xFA0] =	vst v2  }
0x112: {  	v2 =	vld [tilespmem:s15+$0x870];
	_ =	sdelay $0x4  }
0x113: {  	[tilespmem:$0xFF0] =	vst v2  }
0x114: {  	v2 =	vld [tilespmem:s15+$0xB0];
	_ =	sdelay $0x4  }
0x115: {  	v2 =	vshll.u32 v2, $0x1  }
0x116: {  	v2 =	vor.u32 v0, v2  }
0x117: {  	[tilespmem:$0xFB0] =	vst v2  }
0x118: {  	v2 =	vld [tilespmem:s15+$0x880];
	_ =	sdelay $0x4  }
0x119: {  	[tilespmem:$0x1000] =	vst v2  }
0x11a: {  	v2 =	vld [tilespmem:s15+$0xC0];
	_ =	sdelay $0x4  }
0x11b: {  	v2 =	vshll.u32 v2, $0x1  }
0x11c: {  	v2 =	vor.u32 v0, v2  }
0x11d: {  	[tilespmem:$0xFC0] =	vst v2  }
0x11e: {  	v2 =	vld [tilespmem:s15+$0x890];
	_ =	sdelay $0x4  }
0x11f: {  	[tilespmem:$0x1010] =	vst v2  }
0x120: {  	v2 =	vld [tilespmem:s15+$0xD0];
	_ =	sdelay $0x4  }
0x121: {  	v2 =	vshll.u32 v2, $0x1  }
0x122: {  	v2 =	vor.u32 v0, v2  }
0x123: {  	[tilespmem:$0xFD0] =	vst v2  }
0x124: {  	v2 =	vld [tilespmem:s15+$0x8A0];
	_ =	sdelay $0x4  }
0x125: {  	[tilespmem:$0x1020] =	vst v2  }
0x126: {  	v2 =	vld [tilespmem:s15+$0xE0];
	_ =	sdelay $0x4  }
0x127: {  	v2 =	vshll.u32 v2, $0x1  }
0x128: {  	v2 =	vor.u32 v0, v2  }
0x129: {  	[tilespmem:$0xFE0] =	vst v2  }
0x12a: {  	v2 =	vld [tilespmem:s15+$0x8B0];
	_ =	sdelay $0x4  }
0x12b: {  	[tilespmem:$0x1030] =	vst v2  }
0x12c: {  	[tilespmem:s12], [sflag:$0x1] =	stream.indirect.gather [hbm4b:s1+s16], $0x40, s17, s16, $0xb8;
	[tilespmem:$0xD928] =	vst v63  }
0x12d: {  	s15 =	sadd.s32 $0xA0, s15  }
0x12e: {  	[tilespmem:s18], [sflag:$0x2] =	stream.indirect.gather [hbm4b:s26+s16], $0x1, s15, s16, $0xb8;
	[tilespmem:$0xD928] =	vst v63  }
0x12f: {  	_ = 	snop  }
0x130: {  	[tilespmem:s20], [sflag:$0x2] =	stream.indirect.gather [hbm4b:s28+s16], $0x1, s19, s16, $0xb8;
	[tilespmem:$0xD928] =	vst v63  }
0x131: {  	_ =	swait.ge [sflag:s7], $0x50  }
0x132: {  	[sflag:s7] =	ssyncset.done $0x0  }
0x133: {  	[sflag:s7] =	ssyncadd.s32 $0xFFFFFFB0  }
0x134: {  	_ =	swait.ge [sflag:s7], $0x50  }
0x135: {  	[sflag:s7] =	ssyncset.done $0x0  }
0x136: {  	[sflag:s7] =	ssyncadd.s32 $0xFFFFFFB0  }
0x137: {  	v2 =	vld [tilespmem:$0x2580]  }
0x138: {  	v3 =	vld [tilespmem:$0x25D0]  }
0x139: {  	v4 =	vld [tilespmem:$0x2590]  }
0x13a: {  	v5 =	vld [tilespmem:$0x25E0]  }
0x13b: {  	v6 =	vld [tilespmem:$0x25A0]  }
0x13c: {  	v7 =	vld [tilespmem:$0x25F0]  }
0x13d: {  	v8 =	vld [tilespmem:$0x25B0]  }
0x13e: {  	v9 =	vld [tilespmem:$0x2600]  }
0x13f: {  	v10 =	vld [tilespmem:$0x25C0]  }
0x140: {  	v2 =	vadd.f32 v3, v2;
	v3 =	vadd.f32 v5, v4;
	v4 =	vld [tilespmem:$0x2610];
	_ =	sdelay $0x1  }
0x141: {  	v6 =	vadd.f32 v7, v6;
	v5 =	vmul.f32 $2.000000030e-01, v2;
	v7 =	vmul.f32 $2.000000030e-01, v3  }
0x142: {  	v8 =	vadd.f32 v9, v8;
	vm0 =	vge.f32 v2, $0.0e+00;
	vm1 =	vge.f32 v3, $0.0e+00  }
0x143: {  	vm13 =	vge.f32 v6, $0.0e+00;
	v2 =	vsel vm0, v2, v5;
	v3 =	vsel vm1, v3, v7  }
0x144: {  	v5 =	vmul.f32 $2.000000030e-01, v6;
	v7 =	vmul.f32 $2.000000030e-01, v8;
	v4 =	vadd.f32 v4, v10  }
0x145: {  	vm14 =	vge.f32 v8, $0.0e+00;
	v2 =	vmul.f32 $1.442695020e+00, v2;
	v3 =	vmul.f32 $1.442695020e+00, v3  }
0x146: {  	v5 =	vsel vm13, v6, v5;
	v6 =	vsel vm14, v8, v7;
	v7 =	vmul.f32 $2.000000030e-01, v4  }
0x147: {  	(erf) = vpow2.f32 v2;
	v2 =	vmul.f32 $1.442695020e+00, v5;
	vm15 =	vge.f32 v4, $0.0e+00  }
0x148: {  	(erf) = vpow2.f32 v3;
	v3 =	vmul.f32 $1.442695020e+00, v6;
	v4 =	vsel vm15, v4, v7  }
0x149: {  	(erf) = vpow2.f32 v2;
	v2 =	vmul.f32 $1.442695020e+00, v4  }
0x14a: {  	(erf) = vpow2.f32 v3  }
0x14b: {  	(erf) = vpow2.f32 v2;
	_ =	sdelay $0x4  }
0x14c: {  	v2 =	vpop (erf)  }
0x14d: {  	v3 =	vpop (erf);
	[tilespmem:$0x3A20] =	vst v2  }
0x14e: {  	v2 =	vpop (erf);
	[tilespmem:$0x3A30] =	vst v3  }
0x14f: {  	v3 =	vpop (erf);
	[tilespmem:$0x3A40] =	vst v2  }
0x150: {  	[tilespmem:$0x3A50] =	vst v3;
	v2 =	vpop (erf)  }
0x151: {  	s29 =	simm.s32 $0x0;
	[tilespmem:$0x3A60] =	vst v2  }
0x152: {  	v2 =	vmov s29;
	_ =	swait.ge [sflag:s8], $0x1400  }
0x153: {  	[sflag:s8] =	ssyncset.done $0x0  }
0x154: {  	s9 =	simm.s32 $0x2640;
	[sflag:s8] =	ssyncadd.s32 $0xFFFFEC00  }
0x155: {  	v4 =	vld [tilespmem:s9+$0xFFFFFFF0]  }
0x156: {  	v5 =	vld [tilespmem:s9+$0x10]  }
0x157: {  	v7 =	vld.idx.msk [tilespmem:v2+s14+$0x0], $0xffff  }
0x158: {  	v2 =	vld [tilespmem:s9+$0xFFFFFFE0]  }
0x159: {  	v8 =	vld [tilespmem:s9+$0x0];
	_ =	sdelay $0x3  }
0x15a: {  	s30 =	simm.s32 $0x1;
	v3 =	vmul.f32 v2, v7;
	v6 =	vmul.f32 v5, v7  }
0x15b: {  	s2 =	simm.s32 $0x2;
	s15 =	simm.s32 $0x2640;
	v2 =	vmov s30;
	v5 =	vmul.f32 v4, v7;
	v4 =	vmul.f32 v8, v7  }
.LBB2_8:
0x15c: {  	p5 =	sne.s32 s2, $0x4F  }
0x15d: {  	[tilespmem:s9+$0x10] =	vst v6;
	s15 =	sadd.s32 $0x40, s15;
	s29 =	smov.u32 s2;
	s2 =	sadd.s32 $0x1, s2  }
0x15e: {  	[tilespmem:s9+$0xFFFFFFE0] =	vst v3  }
0x15f: {  	v7 =	vld [tilespmem:s15+$0xFFFFFFF0];
	[tilespmem:s9+$0xFFFFFFF0] =	vst v5  }
0x160: {  	v5 =	vld [tilespmem:s15+$0x10];
	[tilespmem:s9+$0x0] =	vst v4;
	s9 =	smov.u32 s15  }
0x161: {  	v4 =	vld.idx.msk [tilespmem:v2+s14+$0x0], $0xffff  }
0x162: {  	v2 =	vld [tilespmem:s15+$0xFFFFFFE0]  }
0x163: {  	v8 =	vld [tilespmem:s15+$0x0]  }
.Ltmp2:
0x164: {  	(pc) =	sbr.rel @p5 .LBB2_8-.Ltmp2, $3  }
0x165: {  	_ =	sdelay $0x1  }
0x166: {  	v6 =	vmul.f32 v5, v4;
	v3 =	vmul.f32 v2, v4  }
0x167: {  	v5 =	vmul.f32 v7, v4;
	v2 =	vmov s29;
	v4 =	vmul.f32 v8, v4  }
0x168: {  	[tilespmem:s9+$0x10] =	vst v6  }
0x169: {  	s2 =	sadd.s32 $0x40, s15;
	[tilespmem:s9+$0xFFFFFFE0] =	vst v3  }
0x16a: {  	v3 =	vld [tilespmem:s2+$0xFFFFFFF0];
	[tilespmem:s9+$0xFFFFFFF0] =	vst v5  }
0x16b: {  	v5 =	vld [tilespmem:s2+$0x10];
	[tilespmem:s9+$0x0] =	vst v4  }
0x16c: {  	v2 =	vld.idx.msk [tilespmem:v2+s14+$0x0], $0xffff  }
0x16d: {  	v4 =	vld [tilespmem:s2+$0xFFFFFFE0];
	_ =	sdelay $0x1  }
0x16e: {  	v6 =	vld [tilespmem:s2+$0x0];
	_ =	sdelay $0x1  }
0x16f: {  	v5 =	vmul.f32 v5, v2  }
0x170: {  	v4 =	vmul.f32 v4, v2  }
0x171: {  	v3 =	vmul.f32 v3, v2;
	[tilespmem:s2+$0x10] =	vst v5  }
0x172: {  	v2 =	vmul.f32 v6, v2;
	[tilespmem:s2+$0xFFFFFFE0] =	vst v4  }
0x173: {  	[tilespmem:s2+$0xFFFFFFF0] =	vst v3  }
0x174: {  	s15 =	simm.s32 @!p0 $0x3A20;
	s9 =	simm.s32 @!p0 $0x2530;
	[tilespmem:s2+$0x0] =	vst v2;
	s2 =	simm.s32 @!p0 $0x50  }
0x175: {  	[spmem:s4] =	stream.indirect.scatter.add.f32 @!p0 [tilespmem:s15], [sflag:$0x5], $0x1, s9, s2, $0xb8;
	[tilespmem:$0xD928] =	vst v63  }
0x176: {  	s2 =	simm.s32 @!p0 $0x5  }
0x177: {  	s5 =	sadd.s32 $0x1, s5;
	_ =	swait.ge @!p0 [sflag:s2], $0x50  }
0x178: {  	p5 =	sne.s32 s5, $0xB;
	[sflag:s2] =	ssyncset.done @!p0 $0x0  }
.Ltmp3:
0x179: {  	[sflag:s2] =	ssyncadd.s32 @!p0 $0xFFFFFFB0;
	(pc) =	sbr.rel @p5 .LBB2_5-.Ltmp3, $4  }
0x17a: {  	[spmem:s3] =	stream.indirect.scatter.add.f32 [tilespmem:s23], [sflag:$0x5], $0x40, s25, s16, $0xb8;
	[tilespmem:$0xD928] =	vst v63  }
0x17b: {  	_ =	swait.ge [sflag:s13], $0x1400  }
0x17c: {  	[sflag:s13] =	ssyncset.done $0x0  }
0x17d: {  	[sflag:s13] =	ssyncadd.s32 $0xFFFFEC00  }
0x17e: {  	v2 =	vld [tilespmem:$0x730]  }
0x17f: {  	v6 =	vld [tilespmem:$0xF10];
	_ =	sdelay $0x1  }
0x180: {  	v3 =	vld [tilespmem:$0x740]  }
0x181: {  	v4 =	vld [tilespmem:$0xF00]  }
0x182: {  	v5 =	vld [tilespmem:$0x750]  }
0x183: {  	v2 =	vshll.u32 v2, $0x1;
	[tilespmem:$0x2540] =	vst v6;
	v6 =	vld [tilespmem:$0xF40]  }
0x184: {  	v7 =	vld [tilespmem:$0x760];
	v2 =	vor.u32 v0, v2  }
0x185: {  	[tilespmem:$0x24E0] =	vst v2;
	v2 =	vshll.u32 v3, $0x1;
	v3 =	vld [tilespmem:$0xF20]  }
0x186: {  	[tilespmem:$0x2530] =	vst v4;
	v4 =	vld [tilespmem:$0x770];
	v2 =	vor.u32 v0, v2  }
0x187: {  	[tilespmem:$0x24F0] =	vst v2;
	v2 =	vshll.u32 v5, $0x1;
	v5 =	vld [tilespmem:$0xF30]  }
0x188: {  	v2 =	vor.u32 v0, v2;
	[tilespmem:$0x2570] =	vst v6  }
0x189: {  	[tilespmem:$0x2500] =	vst v2;
	v2 =	vshll.u32 v7, $0x1  }
0x18a: {  	[tilespmem:$0x2550] =	vst v3;
	v2 =	vor.u32 v0, v2  }
0x18b: {  	[tilespmem:$0x2510] =	vst v2;
	v2 =	vshll.u32 v4, $0x1  }
0x18c: {  	[tilespmem:$0x2560] =	vst v5;
	v2 =	vor.u32 v0, v2  }
0x18d: {  	[tilespmem:$0x2520] =	vst v2  }
0x18e: {  	[tilespmem:s23], [sflag:$0x3] =	stream.indirect.gather [hbm4b:s1+s16], $0x40, s21, s16, $0xb8;
	[tilespmem:$0xD928] =	vst v63  }
0x18f: {  	s2 =	simm.s32 $0x730  }
0x190: {  	[tilespmem:s24], [sflag:$0x4] =	stream.indirect.gather [hbm4b:s26+s16], $0x1, s2, s16, $0xb8;
	[tilespmem:$0xD928] =	vst v63  }
0x191: {  	_ = 	snop  }
0x192: {  	[tilespmem:s31], [sflag:$0x4] =	stream.indirect.gather [hbm4b:s28+s16], $0x1, s25, s16, $0xb8;
	[tilespmem:$0xD928] =	vst v63  }
0x193: {  	_ =	swait.ge [sflag:s0], $0x50  }
0x194: {  	[sflag:s0] =	ssyncset.done $0x0  }
0x195: {  	[sflag:s0] =	ssyncadd.s32 $0xFFFFFFB0  }
0x196: {  	_ =	swait.ge [sflag:s0], $0x50  }
0x197: {  	[sflag:s0] =	ssyncset.done $0x0  }
0x198: {  	[sflag:s0] =	ssyncadd.s32 $0xFFFFFFB0  }
0x199: {  	v2 =	vld [tilespmem:$0x1040]  }
0x19a: {  	v3 =	vld [tilespmem:$0x1090]  }
0x19b: {  	v4 =	vld [tilespmem:$0x1050]  }
0x19c: {  	v5 =	vld [tilespmem:$0x10A0]  }
0x19d: {  	v6 =	vld [tilespmem:$0x1060]  }
0x19e: {  	v7 =	vld [tilespmem:$0x10B0]  }
0x19f: {  	v8 =	vld [tilespmem:$0x1070]  }
0x1a0: {  	v9 =	vld [tilespmem:$0x10C0]  }
0x1a1: {  	v10 =	vld [tilespmem:$0x1080]  }
0x1a2: {  	v2 =	vadd.f32 v3, v2;
	v3 =	vadd.f32 v5, v4;
	v4 =	vld [tilespmem:$0x10D0];
	_ =	sdelay $0x1  }
0x1a3: {  	v6 =	vadd.f32 v7, v6;
	v5 =	vmul.f32 $2.000000030e-01, v2;
	v7 =	vmul.f32 $2.000000030e-01, v3  }
0x1a4: {  	v8 =	vadd.f32 v9, v8;
	vm0 =	vge.f32 v2, $0.0e+00;
	vm1 =	vge.f32 v3, $0.0e+00  }
0x1a5: {  	vm13 =	vge.f32 v6, $0.0e+00;
	v2 =	vsel vm0, v2, v5;
	v3 =	vsel vm1, v3, v7  }
0x1a6: {  	v5 =	vmul.f32 $2.000000030e-01, v6;
	v7 =	vmul.f32 $2.000000030e-01, v8;
	v4 =	vadd.f32 v4, v10  }
0x1a7: {  	vm14 =	vge.f32 v8, $0.0e+00;
	v2 =	vmul.f32 $1.442695020e+00, v2;
	v3 =	vmul.f32 $1.442695020e+00, v3  }
0x1a8: {  	v5 =	vsel vm13, v6, v5;
	v6 =	vsel vm14, v8, v7;
	v7 =	vmul.f32 $2.000000030e-01, v4  }
0x1a9: {  	(erf) = vpow2.f32 v2;
	v2 =	vmul.f32 $1.442695020e+00, v5;
	vm15 =	vge.f32 v4, $0.0e+00  }
0x1aa: {  	(erf) = vpow2.f32 v3;
	v3 =	vmul.f32 $1.442695020e+00, v6;
	v4 =	vsel vm15, v4, v7  }
0x1ab: {  	(erf) = vpow2.f32 v2;
	v2 =	vmul.f32 $1.442695020e+00, v4  }
0x1ac: {  	(erf) = vpow2.f32 v3  }
0x1ad: {  	(erf) = vpow2.f32 v2;
	_ =	sdelay $0x4  }
0x1ae: {  	v2 =	vpop (erf)  }
0x1af: {  	v3 =	vpop (erf);
	[tilespmem:$0x3A20] =	vst v2  }
0x1b0: {  	v2 =	vpop (erf);
	[tilespmem:$0x3A30] =	vst v3  }
0x1b1: {  	v3 =	vpop (erf);
	[tilespmem:$0x3A40] =	vst v2  }
0x1b2: {  	[tilespmem:$0x3A50] =	vst v3;
	v2 =	vpop (erf)  }
0x1b3: {  	s30 =	simm.s32 $0x0;
	[tilespmem:$0x3A60] =	vst v2  }
0x1b4: {  	v2 =	vmov s30;
	_ =	swait.ge [sflag:s6], $0x1400  }
0x1b5: {  	[sflag:s6] =	ssyncset.done $0x0  }
0x1b6: {  	s5 =	simm.s32 $0x1100;
	[sflag:s6] =	ssyncadd.s32 $0xFFFFEC00  }
0x1b7: {  	v4 =	vld [tilespmem:s5+$0xFFFFFFF0]  }
0x1b8: {  	v5 =	vld [tilespmem:s5+$0x10]  }
0x1b9: {  	v7 =	vld.idx.msk [tilespmem:v2+s14+$0x0], $0xffff  }
0x1ba: {  	v2 =	vld [tilespmem:s5+$0xFFFFFFE0]  }
0x1bb: {  	v8 =	vld [tilespmem:s5+$0x0];
	_ =	sdelay $0x3  }
0x1bc: {  	s9 =	simm.s32 $0x1;
	v3 =	vmul.f32 v2, v7;
	v6 =	vmul.f32 v5, v7  }
0x1bd: {  	s2 =	simm.s32 $0x2;
	v2 =	vmov s9;
	v5 =	vmul.f32 v4, v7;
	v4 =	vmul.f32 v8, v7;
	s9 =	simm.s32 $0x1100  }
.LBB2_11:
0x1be: {  	p5 =	sne.s32 s2, $0x4F  }
0x1bf: {  	[tilespmem:s5+$0x10] =	vst v6;
	s9 =	sadd.s32 $0x40, s9;
	s15 =	smov.u32 s2;
	s2 =	sadd.s32 $0x1, s2  }
0x1c0: {  	[tilespmem:s5+$0xFFFFFFE0] =	vst v3  }
0x1c1: {  	v7 =	vld [tilespmem:s9+$0xFFFFFFF0];
	[tilespmem:s5+$0xFFFFFFF0] =	vst v5  }
0x1c2: {  	v5 =	vld [tilespmem:s9+$0x10];
	[tilespmem:s5+$0x0] =	vst v4;
	s5 =	smov.u32 s9  }
0x1c3: {  	v4 =	vld.idx.msk [tilespmem:v2+s14+$0x0], $0xffff  }
0x1c4: {  	v2 =	vld [tilespmem:s9+$0xFFFFFFE0]  }
0x1c5: {  	v8 =	vld [tilespmem:s9+$0x0]  }
.Ltmp4:
0x1c6: {  	(pc) =	sbr.rel @p5 .LBB2_11-.Ltmp4, $3  }
0x1c7: {  	_ =	sdelay $0x1  }
0x1c8: {  	v6 =	vmul.f32 v5, v4;
	v3 =	vmul.f32 v2, v4  }
0x1c9: {  	v5 =	vmul.f32 v7, v4;
	v2 =	vmov s15;
	v4 =	vmul.f32 v8, v4  }
0x1ca: {  	[tilespmem:s5+$0x10] =	vst v6  }
0x1cb: {  	s2 =	sadd.s32 $0x40, s9;
	[tilespmem:s5+$0xFFFFFFE0] =	vst v3  }
0x1cc: {  	v3 =	vld [tilespmem:s2+$0xFFFFFFF0];
	[tilespmem:s5+$0xFFFFFFF0] =	vst v5  }
0x1cd: {  	v5 =	vld [tilespmem:s2+$0x10];
	[tilespmem:s5+$0x0] =	vst v4  }
0x1ce: {  	v2 =	vld.idx.msk [tilespmem:v2+s14+$0x0], $0xffff  }
0x1cf: {  	v4 =	vld [tilespmem:s2+$0xFFFFFFE0];
	_ =	sdelay $0x1  }
0x1d0: {  	v6 =	vld [tilespmem:s2+$0x0];
	_ =	sdelay $0x1  }
0x1d1: {  	v5 =	vmul.f32 v5, v2  }
0x1d2: {  	v4 =	vmul.f32 v4, v2  }
0x1d3: {  	v3 =	vmul.f32 v3, v2;
	[tilespmem:s2+$0x10] =	vst v5  }
0x1d4: {  	v2 =	vmul.f32 v6, v2;
	[tilespmem:s2+$0xFFFFFFE0] =	vst v4  }
0x1d5: {  	[tilespmem:s2+$0xFFFFFFF0] =	vst v3  }
0x1d6: {  	s9 =	simm.s32 @!p0 $0x3A20;
	s5 =	simm.s32 @!p0 $0xFF0;
	[tilespmem:s2+$0x0] =	vst v2;
	s2 =	simm.s32 @!p0 $0x50  }
0x1d7: {  	[spmem:s4] =	stream.indirect.scatter.add.f32 @!p0 [tilespmem:s9], [sflag:$0x5], $0x1, s5, s2, $0xb8;
	[tilespmem:$0xD928] =	vst v63  }
0x1d8: {  	s2 =	simm.s32 @!p0 $0x5  }
0x1d9: {  	_ =	swait.ge @!p0 [sflag:s2], $0x50  }
0x1da: {  	[sflag:s2] =	ssyncset.done @!p0 $0x0  }
0x1db: {  	[sflag:s2] =	ssyncadd.s32 @!p0 $0xFFFFFFB0  }
0x1dc: {  	[spmem:s3] =	stream.indirect.scatter.add.f32 [tilespmem:s12], [sflag:$0x5], $0x40, s19, s16, $0xb8;
	[tilespmem:$0xD928] =	vst v63  }
0x1dd: {  	_ =	swait.ge [sflag:s13], $0x1400  }
0x1de: {  	[sflag:s13] =	ssyncset.done $0x0  }
0x1df: {  	[sflag:s13] =	ssyncadd.s32 $0xFFFFEC00  }
0x1e0: {  	v2 =	vld [tilespmem:$0x780]  }
0x1e1: {  	v6 =	vld [tilespmem:$0xF60];
	_ =	sdelay $0x1  }
0x1e2: {  	v3 =	vld [tilespmem:$0x790]  }
0x1e3: {  	v4 =	vld [tilespmem:$0xF50]  }
0x1e4: {  	v5 =	vld [tilespmem:$0x7A0]  }
0x1e5: {  	v2 =	vshll.u32 v2, $0x1;
	[tilespmem:$0x1000] =	vst v6;
	v6 =	vld [tilespmem:$0xF90]  }
0x1e6: {  	v7 =	vld [tilespmem:$0x7B0];
	v2 =	vor.u32 v0, v2  }
0x1e7: {  	[tilespmem:$0xFA0] =	vst v2;
	v2 =	vshll.u32 v3, $0x1;
	v3 =	vld [tilespmem:$0xF70]  }
0x1e8: {  	[tilespmem:$0xFF0] =	vst v4;
	v4 =	vld [tilespmem:$0x7C0];
	v2 =	vor.u32 v0, v2  }
0x1e9: {  	[tilespmem:$0xFB0] =	vst v2;
	v2 =	vshll.u32 v5, $0x1;
	v5 =	vld [tilespmem:$0xF80]  }
0x1ea: {  	v2 =	vor.u32 v0, v2;
	[tilespmem:$0x1030] =	vst v6  }
0x1eb: {  	[tilespmem:$0xFC0] =	vst v2;
	v2 =	vshll.u32 v7, $0x1  }
0x1ec: {  	[tilespmem:$0x1010] =	vst v3;
	v2 =	vor.u32 v0, v2  }
0x1ed: {  	[tilespmem:$0xFD0] =	vst v2;
	v2 =	vshll.u32 v4, $0x1  }
0x1ee: {  	[tilespmem:$0x1020] =	vst v5;
	v2 =	vor.u32 v0, v2  }
0x1ef: {  	[tilespmem:$0xFE0] =	vst v2  }
0x1f0: {  	[tilespmem:s12], [sflag:$0x1] =	stream.indirect.gather [hbm4b:s1+s16], $0x40, s17, s16, $0xb8;
	[tilespmem:$0xD928] =	vst v63  }
0x1f1: {  	s15 =	simm.s32 $0x780  }
0x1f2: {  	[tilespmem:s18], [sflag:$0x2] =	stream.indirect.gather [hbm4b:s26+s16], $0x1, s15, s16, $0xb8;
	[tilespmem:$0xD928] =	vst v63  }
0x1f3: {  	_ = 	snop  }
0x1f4: {  	[tilespmem:s20], [sflag:$0x2] =	stream.indirect.gather [hbm4b:s28+s16], $0x1, s19, s16, $0xb8;
	[tilespmem:$0xD928] =	vst v63  }
0x1f5: {  	_ =	swait.ge [sflag:s7], $0x50  }
0x1f6: {  	[sflag:s7] =	ssyncset.done $0x0  }
0x1f7: {  	[sflag:s7] =	ssyncadd.s32 $0xFFFFFFB0  }
0x1f8: {  	_ =	swait.ge [sflag:s7], $0x50  }
0x1f9: {  	[sflag:s7] =	ssyncset.done $0x0  }
0x1fa: {  	[sflag:s7] =	ssyncadd.s32 $0xFFFFFFB0  }
0x1fb: {  	v2 =	vld [tilespmem:$0x2580]  }
0x1fc: {  	v3 =	vld [tilespmem:$0x25D0]  }
0x1fd: {  	v4 =	vld [tilespmem:$0x2590]  }
0x1fe: {  	v5 =	vld [tilespmem:$0x25E0]  }
0x1ff: {  	v6 =	vld [tilespmem:$0x25A0]  }
0x200: {  	v7 =	vld [tilespmem:$0x25F0]  }
0x201: {  	v8 =	vld [tilespmem:$0x25B0]  }
0x202: {  	v9 =	vld [tilespmem:$0x2600]  }
0x203: {  	v10 =	vld [tilespmem:$0x25C0]  }
0x204: {  	v2 =	vadd.f32 v3, v2;
	v3 =	vadd.f32 v5, v4;
	v4 =	vld [tilespmem:$0x2610];
	_ =	sdelay $0x1  }
0x205: {  	v6 =	vadd.f32 v7, v6;
	v5 =	vmul.f32 $2.000000030e-01, v2;
	v7 =	vmul.f32 $2.000000030e-01, v3  }
0x206: {  	v8 =	vadd.f32 v9, v8;
	vm0 =	vge.f32 v2, $0.0e+00;
	vm1 =	vge.f32 v3, $0.0e+00  }
0x207: {  	vm13 =	vge.f32 v6, $0.0e+00;
	v2 =	vsel vm0, v2, v5;
	v3 =	vsel vm1, v3, v7  }
0x208: {  	v5 =	vmul.f32 $2.000000030e-01, v6;
	v7 =	vmul.f32 $2.000000030e-01, v8;
	v4 =	vadd.f32 v4, v10  }
0x209: {  	vm14 =	vge.f32 v8, $0.0e+00;
	v2 =	vmul.f32 $1.442695020e+00, v2;
	v3 =	vmul.f32 $1.442695020e+00, v3  }
0x20a: {  	v5 =	vsel vm13, v6, v5;
	v6 =	vsel vm14, v8, v7;
	v7 =	vmul.f32 $2.000000030e-01, v4  }
0x20b: {  	(erf) = vpow2.f32 v2;
	v2 =	vmul.f32 $1.442695020e+00, v5;
	vm15 =	vge.f32 v4, $0.0e+00  }
0x20c: {  	(erf) = vpow2.f32 v3;
	v3 =	vmul.f32 $1.442695020e+00, v6;
	v4 =	vsel vm15, v4, v7  }
0x20d: {  	(erf) = vpow2.f32 v2;
	v2 =	vmul.f32 $1.442695020e+00, v4  }
0x20e: {  	(erf) = vpow2.f32 v3  }
0x20f: {  	(erf) = vpow2.f32 v2;
	_ =	sdelay $0x4  }
0x210: {  	v2 =	vpop (erf)  }
0x211: {  	v3 =	vpop (erf);
	[tilespmem:$0x3A20] =	vst v2  }
0x212: {  	v2 =	vpop (erf);
	[tilespmem:$0x3A30] =	vst v3  }
0x213: {  	v3 =	vpop (erf);
	[tilespmem:$0x3A40] =	vst v2  }
0x214: {  	[tilespmem:$0x3A50] =	vst v3;
	v2 =	vpop (erf)  }
0x215: {  	s29 =	simm.s32 $0x0;
	[tilespmem:$0x3A60] =	vst v2  }
0x216: {  	v2 =	vmov s29;
	_ =	swait.ge [sflag:s8], $0x1400  }
0x217: {  	[sflag:s8] =	ssyncset.done $0x0  }
0x218: {  	s5 =	simm.s32 $0x2640;
	[sflag:s8] =	ssyncadd.s32 $0xFFFFEC00  }
0x219: {  	v4 =	vld [tilespmem:s5+$0xFFFFFFF0]  }
0x21a: {  	v5 =	vld [tilespmem:s5+$0x10]  }
0x21b: {  	v7 =	vld.idx.msk [tilespmem:v2+s14+$0x0], $0xffff  }
0x21c: {  	v2 =	vld [tilespmem:s5+$0xFFFFFFE0]  }
0x21d: {  	v8 =	vld [tilespmem:s5+$0x0];
	_ =	sdelay $0x3  }
0x21e: {  	s30 =	simm.s32 $0x1;
	v3 =	vmul.f32 v2, v7;
	v6 =	vmul.f32 v5, v7  }
0x21f: {  	s9 =	simm.s32 $0x2640;
	s2 =	simm.s32 $0x2;
	v2 =	vmov s30;
	v5 =	vmul.f32 v4, v7;
	v4 =	vmul.f32 v8, v7  }
.LBB2_13:
0x220: {  	p5 =	sne.s32 s2, $0x4F  }
0x221: {  	[tilespmem:s5+$0x10] =	vst v6;
	s9 =	sadd.s32 $0x40, s9;
	s15 =	smov.u32 s2;
	s2 =	sadd.s32 $0x1, s2  }
0x222: {  	[tilespmem:s5+$0xFFFFFFE0] =	vst v3  }
0x223: {  	v7 =	vld [tilespmem:s9+$0xFFFFFFF0];
	[tilespmem:s5+$0xFFFFFFF0] =	vst v5  }
0x224: {  	v5 =	vld [tilespmem:s9+$0x10];
	[tilespmem:s5+$0x0] =	vst v4;
	s5 =	smov.u32 s9  }
0x225: {  	v4 =	vld.idx.msk [tilespmem:v2+s14+$0x0], $0xffff  }
0x226: {  	v2 =	vld [tilespmem:s9+$0xFFFFFFE0]  }
0x227: {  	v8 =	vld [tilespmem:s9+$0x0]  }
.Ltmp5:
0x228: {  	(pc) =	sbr.rel @p5 .LBB2_13-.Ltmp5, $3  }
0x229: {  	_ =	sdelay $0x1  }
0x22a: {  	v6 =	vmul.f32 v5, v4;
	v3 =	vmul.f32 v2, v4  }
0x22b: {  	v5 =	vmul.f32 v7, v4;
	v2 =	vmov s15;
	v4 =	vmul.f32 v8, v4  }
0x22c: {  	[tilespmem:s5+$0x10] =	vst v6  }
0x22d: {  	s2 =	sadd.s32 $0x40, s9;
	[tilespmem:s5+$0xFFFFFFE0] =	vst v3  }
0x22e: {  	v3 =	vld [tilespmem:s2+$0xFFFFFFF0];
	[tilespmem:s5+$0xFFFFFFF0] =	vst v5  }
0x22f: {  	v5 =	vld [tilespmem:s2+$0x10];
	[tilespmem:s5+$0x0] =	vst v4  }
0x230: {  	v2 =	vld.idx.msk [tilespmem:v2+s14+$0x0], $0xffff  }
0x231: {  	v4 =	vld [tilespmem:s2+$0xFFFFFFE0];
	_ =	sdelay $0x1  }
0x232: {  	v6 =	vld [tilespmem:s2+$0x0];
	_ =	sdelay $0x1  }
0x233: {  	v5 =	vmul.f32 v5, v2  }
0x234: {  	v4 =	vmul.f32 v4, v2  }
0x235: {  	v3 =	vmul.f32 v3, v2;
	[tilespmem:s2+$0x10] =	vst v5  }
0x236: {  	v2 =	vmul.f32 v6, v2;
	[tilespmem:s2+$0xFFFFFFE0] =	vst v4  }
0x237: {  	[tilespmem:s2+$0xFFFFFFF0] =	vst v3  }
0x238: {  	s9 =	simm.s32 @!p0 $0x3A20;
	s5 =	simm.s32 @!p0 $0x2530;
	[tilespmem:s2+$0x0] =	vst v2;
	s2 =	simm.s32 @!p0 $0x50  }
0x239: {  	[spmem:s4] =	stream.indirect.scatter.add.f32 @!p0 [tilespmem:s9], [sflag:$0x5], $0x1, s5, s2, $0xb8;
	[tilespmem:$0xD928] =	vst v63  }
0x23a: {  	s2 =	simm.s32 @!p0 $0x5  }
0x23b: {  	_ =	swait.ge @!p0 [sflag:s2], $0x50  }
0x23c: {  	[sflag:s2] =	ssyncset.done @!p0 $0x0  }
0x23d: {  	[sflag:s2] =	ssyncadd.s32 @!p0 $0xFFFFFFB0  }
0x23e: {  	[spmem:s3] =	stream.indirect.scatter.add.f32 [tilespmem:s23], [sflag:$0x5], $0x40, s25, s16, $0xb8;
	[tilespmem:$0xD928] =	vst v63  }
0x23f: {  	_ =	swait.ge [sflag:s13], $0x1400  }
0x240: {  	[sflag:s13] =	ssyncset.done $0x0  }
0x241: {  	[sflag:s13] =	ssyncadd.s32 $0xFFFFEC00  }
0x242: {  	_ =	swait.ge [sflag:s0], $0x50  }
0x243: {  	[sflag:s0] =	ssyncset.done $0x0  }
0x244: {  	[sflag:s0] =	ssyncadd.s32 $0xFFFFFFB0  }
0x245: {  	_ =	swait.ge [sflag:s0], $0x50  }
0x246: {  	[sflag:s0] =	ssyncset.done $0x0  }
0x247: {  	[sflag:s0] =	ssyncadd.s32 $0xFFFFFFB0  }
0x248: {  	v2 =	vld [tilespmem:$0x1040]  }
0x249: {  	v3 =	vld [tilespmem:$0x1090]  }
0x24a: {  	v4 =	vld [tilespmem:$0x1050]  }
0x24b: {  	v5 =	vld [tilespmem:$0x10A0]  }
0x24c: {  	v6 =	vld [tilespmem:$0x1060]  }
0x24d: {  	v7 =	vld [tilespmem:$0x10B0]  }
0x24e: {  	v8 =	vld [tilespmem:$0x1070]  }
0x24f: {  	v9 =	vld [tilespmem:$0x10C0]  }
0x250: {  	v10 =	vld [tilespmem:$0x1080]  }
0x251: {  	v2 =	vadd.f32 v3, v2;
	v3 =	vadd.f32 v5, v4;
	v4 =	vld [tilespmem:$0x10D0];
	_ =	sdelay $0x1  }
0x252: {  	v6 =	vadd.f32 v7, v6;
	v5 =	vmul.f32 $2.000000030e-01, v2;
	v7 =	vmul.f32 $2.000000030e-01, v3  }
0x253: {  	v8 =	vadd.f32 v9, v8;
	vm0 =	vge.f32 v2, $0.0e+00;
	vm1 =	vge.f32 v3, $0.0e+00  }
0x254: {  	vm13 =	vge.f32 v6, $0.0e+00;
	v2 =	vsel vm0, v2, v5;
	v3 =	vsel vm1, v3, v7  }
0x255: {  	v5 =	vmul.f32 $2.000000030e-01, v6;
	v7 =	vmul.f32 $2.000000030e-01, v8;
	v4 =	vadd.f32 v4, v10  }
0x256: {  	vm14 =	vge.f32 v8, $0.0e+00;
	v2 =	vmul.f32 $1.442695020e+00, v2;
	v3 =	vmul.f32 $1.442695020e+00, v3  }
0x257: {  	v5 =	vsel vm13, v6, v5;
	v6 =	vsel vm14, v8, v7;
	v7 =	vmul.f32 $2.000000030e-01, v4  }
0x258: {  	(erf) = vpow2.f32 v2;
	v2 =	vmul.f32 $1.442695020e+00, v5;
	vm15 =	vge.f32 v4, $0.0e+00  }
0x259: {  	(erf) = vpow2.f32 v3;
	v3 =	vmul.f32 $1.442695020e+00, v6;
	v4 =	vsel vm15, v4, v7  }
0x25a: {  	(erf) = vpow2.f32 v2;
	v2 =	vmul.f32 $1.442695020e+00, v4  }
0x25b: {  	(erf) = vpow2.f32 v3  }
0x25c: {  	(erf) = vpow2.f32 v2;
	_ =	sdelay $0x4  }
0x25d: {  	v2 =	vpop (erf)  }
0x25e: {  	v3 =	vpop (erf);
	[tilespmem:$0x3A20] =	vst v2  }
0x25f: {  	v2 =	vpop (erf);
	[tilespmem:$0x3A30] =	vst v3  }
0x260: {  	v3 =	vpop (erf);
	[tilespmem:$0x3A40] =	vst v2  }
0x261: {  	[tilespmem:$0x3A50] =	vst v3;
	v2 =	vpop (erf)  }
0x262: {  	s29 =	simm.s32 $0x0;
	[tilespmem:$0x3A60] =	vst v2  }
0x263: {  	v2 =	vmov s29;
	_ =	swait.ge [sflag:s6], $0x1400  }
0x264: {  	[sflag:s6] =	ssyncset.done $0x0  }
0x265: {  	s5 =	simm.s32 $0x1100;
	[sflag:s6] =	ssyncadd.s32 $0xFFFFEC00  }
0x266: {  	v4 =	vld [tilespmem:s5+$0xFFFFFFF0]  }
0x267: {  	v5 =	vld [tilespmem:s5+$0x10]  }
0x268: {  	v7 =	vld.idx.msk [tilespmem:v2+s14+$0x0], $0xffff  }
0x269: {  	v2 =	vld [tilespmem:s5+$0xFFFFFFE0]  }
0x26a: {  	v8 =	vld [tilespmem:s5+$0x0];
	_ =	sdelay $0x3  }
0x26b: {  	s30 =	simm.s32 $0x1;
	v3 =	vmul.f32 v2, v7;
	v6 =	vmul.f32 v5, v7  }
0x26c: {  	s9 =	simm.s32 $0x1100;
	s2 =	simm.s32 $0x2;
	v2 =	vmov s30;
	v5 =	vmul.f32 v4, v7;
	v4 =	vmul.f32 v8, v7  }
.LBB2_15:
0x26d: {  	p5 =	sne.s32 s2, $0x4F  }
0x26e: {  	[tilespmem:s5+$0x10] =	vst v6;
	s9 =	sadd.s32 $0x40, s9;
	s15 =	smov.u32 s2;
	s2 =	sadd.s32 $0x1, s2  }
0x26f: {  	[tilespmem:s5+$0xFFFFFFE0] =	vst v3  }
0x270: {  	v7 =	vld [tilespmem:s9+$0xFFFFFFF0];
	[tilespmem:s5+$0xFFFFFFF0] =	vst v5  }
0x271: {  	v5 =	vld [tilespmem:s9+$0x10];
	[tilespmem:s5+$0x0] =	vst v4;
	s5 =	smov.u32 s9  }
0x272: {  	v4 =	vld.idx.msk [tilespmem:v2+s14+$0x0], $0xffff  }
0x273: {  	v2 =	vld [tilespmem:s9+$0xFFFFFFE0]  }
0x274: {  	v8 =	vld [tilespmem:s9+$0x0]  }
.Ltmp6:
0x275: {  	(pc) =	sbr.rel @p5 .LBB2_15-.Ltmp6, $3  }
0x276: {  	_ =	sdelay $0x1  }
0x277: {  	v6 =	vmul.f32 v5, v4;
	v3 =	vmul.f32 v2, v4  }
0x278: {  	v5 =	vmul.f32 v7, v4;
	v2 =	vmov s15;
	v4 =	vmul.f32 v8, v4  }
0x279: {  	[tilespmem:s5+$0x10] =	vst v6  }
0x27a: {  	s2 =	sadd.s32 $0x40, s9;
	[tilespmem:s5+$0xFFFFFFE0] =	vst v3  }
0x27b: {  	v3 =	vld [tilespmem:s2+$0xFFFFFFF0];
	[tilespmem:s5+$0xFFFFFFF0] =	vst v5  }
0x27c: {  	v5 =	vld [tilespmem:s2+$0x10];
	[tilespmem:s5+$0x0] =	vst v4  }
0x27d: {  	v2 =	vld.idx.msk [tilespmem:v2+s14+$0x0], $0xffff  }
0x27e: {  	v4 =	vld [tilespmem:s2+$0xFFFFFFE0];
	_ =	sdelay $0x1  }
0x27f: {  	v6 =	vld [tilespmem:s2+$0x0];
	_ =	sdelay $0x1  }
0x280: {  	v5 =	vmul.f32 v5, v2  }
0x281: {  	v4 =	vmul.f32 v4, v2  }
0x282: {  	v3 =	vmul.f32 v3, v2;
	[tilespmem:s2+$0x10] =	vst v5  }
0x283: {  	v2 =	vmul.f32 v6, v2;
	[tilespmem:s2+$0xFFFFFFE0] =	vst v4  }
0x284: {  	[tilespmem:s2+$0xFFFFFFF0] =	vst v3  }
0x285: {  	s9 =	simm.s32 @!p0 $0x3A20;
	s5 =	simm.s32 @!p0 $0xFF0;
	[tilespmem:s2+$0x0] =	vst v2;
	s2 =	simm.s32 @!p0 $0x50  }
0x286: {  	[spmem:s4] =	stream.indirect.scatter.add.f32 @!p0 [tilespmem:s9], [sflag:$0x5], $0x1, s5, s2, $0xb8;
	[tilespmem:$0xD928] =	vst v63  }
0x287: {  	s2 =	simm.s32 @!p0 $0x5  }
0x288: {  	s11 =	sadd.s32 $0x1, s11;
	_ =	swait.ge @!p0 [sflag:s2], $0x50  }
0x289: {  	p5 =	sne.s32 s11, $0xA;
	[sflag:s2] =	ssyncset.done @!p0 $0x0  }
.Ltmp7:
0x28a: {  	[sflag:s2] =	ssyncadd.s32 @!p0 $0xFFFFFFB0;
	(pc) =	sbr.rel @p5 .LBB2_4-.Ltmp7, $4  }
0x28b: {  	[spmem:s3] =	stream.indirect.scatter.add.f32 [tilespmem:s12], [sflag:$0x5], $0x40, s19, s16, $0xb8;
	[tilespmem:$0xD928] =	vst v63  }
0x28c: {  	_ =	swait.ge [sflag:s13], $0x1400  }
0x28d: {  	[sflag:s13] =	ssyncset.done $0x0  }
0x28e: {  	[sflag:s13] =	ssyncadd.s32 $0xFFFFEC00  }
0x28f: {  	[bflag:$0x0] =	sbarrier.arrive $0xFFFF  }
0x290: {  	s11 =	sld [smem:$0x7FD];
	_ =	sdelay $0x2  }
0x291: {  	s5 =	simm.s32 @!p2 $0x1FC5;
	s9 =	rddreg [dreg:$0x1e];
	s2 =	sshrl.u32 @!p2 s11, $0x3  }
0x292: {  	[hbm:s9], [sflag:s5] =	dma.local @!p2 [spmem:s2], $0x1400  }
0x293: {  	s2 =	simm.s32 @!p2 $0x5  }
0x294: {  	_ =	swait.ge @!p2 [sflag:s2], $0x1400  }
0x295: {  	s5 =	simm.s32 @!p1 $0x1FC5;
	[sflag:s2] =	ssyncset.done @!p2 $0x0  }
0x296: {  	s9 =	rddreg [dreg:$0x1c];
	[sflag:s2] =	ssyncadd.s32 @!p2 $0xFFFFEC00;
	s2 =	sshrl.u32 @!p1 s11, $0x3  }
0x297: {  	[hbm:s9], [sflag:s5] =	dma.local @!p1 [spmem:s2], $0x1400  }
0x298: {  	s2 =	simm.s32 @!p1 $0x5  }
0x299: {  	_ =	swait.ge @!p1 [sflag:s2], $0x1400  }
0x29a: {  	s11 =	sld [smem:$0x7FB]  }
0x29b: {  	[sflag:s2] =	ssyncset.done @!p1 $0x0  }
0x29c: {  	s9 =	rddreg [dreg:$0x1d];
	[sflag:s2] =	ssyncadd.s32 @!p1 $0xFFFFEC00  }
0x29d: {  	[hbm:s9], [sflag:s5] =	dma.local @!p1 [spmem:s11], $0x50  }
0x29e: {  	_ =	swait.ge @!p1 [sflag:s2], $0x50  }
0x29f: {  	s11 =	stileid.u32;
	s15 =	rddreg [dreg:$0x16]  }
0x2a0: {  	s5 =	sshll.u32 @!p4 s11, $0x6;
	[sflag:s2] =	ssyncset.done @!p1 $0x0;
	s9 =	rddreg [dreg:$0x19]  }
0x2a1: {  	[sflag:s2] =	ssyncadd.s32 @!p1 $0xFFFFFFB0;
	s2 =	sor.u32 @!p4 $0x1C05, s5;
	s5 =	sshrl.u32 @!p4 s15, $0x3  }
0x2a2: {  	[hbm:s9], [sflag:s2] =	dma.local @!p4 [spmem:s5], $0x1380  }
0x2a3: {  	s2 =	simm.s32 @!p4 $0x5  }
0x2a4: {  	_ =	swait.ge @!p4 [sflag:s2], $0x1380  }
0x2a5: {  	s5 =	sshll.u32 @!p3 s11, $0x6;
	[sflag:s2] =	ssyncset.done @!p4 $0x0;
	s11 =	rddreg [dreg:$0x18]  }
0x2a6: {  	[sflag:s2] =	ssyncadd.s32 @!p4 $0xFFFFEC80;
	s2 =	sor.u32 @!p3 $0x1C05, s5;
	s5 =	sshrl.u32 @!p3 s15, $0x3  }
0x2a7: {  	[hbm:s11], [sflag:s2] =	dma.local @!p3 [spmem:s5], $0x1380  }
0x2a8: {  	s5 =	simm.s32 @!p3 $0x5  }
0x2a9: {  	_ =	swait.ge @!p3 [sflag:s5], $0x1380  }
0x2aa: {  	s15 =	sld [smem:$0x7FC]  }
0x2ab: {  	[sflag:s5] =	ssyncset.done @!p3 $0x0  }
0x2ac: {  	s11 =	rddreg [dreg:$0x17];
	[sflag:s5] =	ssyncadd.s32 @!p3 $0xFFFFEC80  }
0x2ad: {  	[hbm:s11], [sflag:s2] =	dma.local @!p3 [spmem:s15], $0x4E  }
0x2ae: {  	_ =	swait.ge @!p3 [sflag:s5], $0x4E  }
0x2af: {  	s22 =	rddreg [dreg:$0x5]  }
0x2b0: {  	s30 =	rddreg [dreg:$0x1f];
	s22 =	sadd.s32 $0x1, s22  }
0x2b1: {  	p5 =	sne.s32 s22, s30  }
.Ltmp8:
0x2b2: {  	_ = 	snop;
	(pc) =	sbr.rel @p5 .LBB2_1-.Ltmp8, $3  }
0x2b3: {  	_ =	sdelay $0x1  }
0x2b4: {  	[sflag:s5] =	ssyncset.done @!p3 $0x0  }
0x2b5: {  	s9 =	stileid.u32;
	[sflag:s5] =	ssyncadd.s32 @!p3 $0xFFFFFFB2  }
0x2b6: {  	_ =	sfence.sel $0x180000  }
0x2b7: {  	[bflag:$0x0] =	sbarrier.arrive $0xFFFF  }
0x2b8: {  	_ =	strace $0x90000047  }
0x2b9: {  	[bflag:$0x2] =	sbarrier.arrive $0xFFFF  }
0x2ba: {  	p0 =	sne.s32 s9, $0x0;
	s0 =	rddreg [dreg:$0x4]  }
0x2bb: {  	s0 =	sadd.s32 @!p0 $0x100000, s0  }
0x2bc: {  	[sflag:s0] =	ssyncadd.tile.s32 @!p0 $0x1;
	_ =	shalt  }
.Lfunc_end2:
_tile_overlayer_lowered:
.L_overlay_start_2:
0x2bd: {  	(tag) =	ssettag $0x2  }
0x2be: {  	s0 =	rddreg [dreg:$0x0];
	s2 =	stileid.u32  }
0x2bf: {  	s1 =	rddreg [dreg:$0x1];
	p0 =	sne.s32 s2, $0x0  }
0x2c0: {  	s3 =	rddreg [dreg:$0x2];
	[bflag:$0x3] =	sbarrier.arrive $0xFFFF;
	s2 =	simm.s32 @!p0 $0x1C05  }
0x2c1: {  	[timem:s3], [sflag:s2] =	dma.local @!p0 [hbm:s0], s1  }
0x2c2: {  	s0 =	simm.s32 @!p0 $0x5  }
0x2c3: {  	_ =	swait.ge @!p0 [sflag:s0], s1  }
0x2c4: {  	s1 =	ssub.s32 @!p0 $0x0, s1;
	[sflag:s0] =	ssyncset.done @!p0 $0x0  }
0x2c5: {  	[sflag:s0] =	ssyncadd.s32 @!p0 s1  }
0x2c6: {  	[bflag:$0x3] =	sbarrier.arrive $0xFFFF  }
0x2c7: {  	_ =	shalt  }

</sc_bundles>
